<compile_context>
chip_gen: v7x
topology: tpu7x:2x2x1
jax: 0.10.2.dev20260603
libtpu: 0.0.44.dev20260713+nightly
codegen_flags: <defaults>
</compile_context>

<pallas_src>
import functools
import jax
import jax.numpy as jnp
from jax import lax
from jax.experimental import pallas as pl
from jax.experimental.pallas import tpu as pltpu
from jax.experimental.pallas import tpu_sc as plsc

N = 10000
NPAD = 10240
D = 128
NB = 2048
NBLK = NPAD // NB

EB = 64
ROWS = NPAD
STRIPE = ROWS // 16
TRASH = 10200
DROWS = 128


def _tc1_body(x_ref, w_ref, as_ref, ad_ref, h_ref, asn_ref, adn_ref):
    h = jnp.dot(x_ref[...], w_ref[0], preferred_element_type=jnp.float32)
    h_ref[0] = h
    asn_ref[0] = lax.dot_general(as_ref[0], h, (((1,), (1,)), ((), ())),
                                 preferred_element_type=jnp.float32)
    adn_ref[0] = lax.dot_general(ad_ref[0], h, (((1,), (1,)), ((), ())),
                                 preferred_element_type=jnp.float32)


def _phase1(x, Ws, att_src, att_dst):
    n_agg = Ws.shape[0]
    grid = (NBLK, n_agg)
    return pl.pallas_call(
        _tc1_body,
        grid=grid,
        in_specs=[
            pl.BlockSpec((NB, D), lambda b, i: (b, 0)),
            pl.BlockSpec((1, D, D), lambda b, i: (i, 0, 0)),
            pl.BlockSpec((1, 1, D), lambda b, i: (i, 0, 0)),
            pl.BlockSpec((1, 1, D), lambda b, i: (i, 0, 0)),
        ],
        out_specs=[
            pl.BlockSpec((1, NB, D), lambda b, i: (i, b, 0)),
            pl.BlockSpec((1, 1, NB), lambda b, i: (i, 0, b)),
            pl.BlockSpec((1, 1, NB), lambda b, i: (i, 0, b)),
        ],
        out_shape=[
            jax.ShapeDtypeStruct((n_agg, NPAD, D), jnp.float32),
            jax.ShapeDtypeStruct((n_agg, 1, NPAD), jnp.float32),
            jax.ShapeDtypeStruct((n_agg, 1, NPAD), jnp.float32),
        ],
        compiler_params=pltpu.CompilerParams(
            dimension_semantics=("parallel", "arbitrary")),
    )(x, Ws, att_src.reshape(n_agg, 1, D), att_dst.reshape(n_agg, 1, D))


def _sc_body(n_agg, h_ref, esrc_ref, edst_ref, desc_ref,
             zeros_ref, num_out, den_out, asn_t, adn_t, desc_v, src_v, dst_v,
             didx_v, dden_v, lane_v, w_v, rows_v, wrows_v, acc, dacc, sem):
    c = lax.axis_index("c")
    s = lax.axis_index("s")
    pltpu.sync_copy(desc_ref.at[c, s], desc_v)
    pltpu.sync_copy(zeros_ref.at[pl.ds(0, EB)], wrows_v)
    iota = jnp.arange(16, dtype=jnp.int32)
    zvec = jnp.zeros((16,), jnp.float32)
    asn0 = n_agg * NPAD
    adn0 = n_agg * NPAD + n_agg * 80

    def agg_body(i, _):
        v = desc_v[pl.ds(i * 16, 16)]
        lo_s = v[0]
        hi_s = v[1]
        k0_s = v[2]
        nk_s = v[3]
        pltpu.sync_copy(h_ref.at[pl.ds(asn0 + i * 80, 80)], asn_t)
        pltpu.sync_copy(h_ref.at[pl.ds(adn0 + i * 80, 80)], adn_t)
        pltpu.sync_copy(zeros_ref.at[pl.ds(s * STRIPE, STRIPE)],
                        acc.at[pl.ds(s * STRIPE, STRIPE)])
        pltpu.sync_copy(zeros_ref.at[pl.ds(0, 8)], dacc.at[pl.ds(s * 8, 8)])
        plsc.subcore_barrier()

        def batch_body(j, _):
            e0 = (k0_s + 32 * j) * EB
            pltpu.sync_copy(esrc_ref.at[pl.ds(e0, EB)], src_v)
            pltpu.sync_copy(edst_ref.at[pl.ds(e0, EB)], dst_v)
            for g in range(EB // 16):
                sl = pl.ds(g * 16, 16)
                sg = src_v[sl]
                dg = dst_v[sl]
                a = plsc.load_gather(asn_t, [sg >> 7, sg & 127])
                b = plsc.load_gather(adn_t, [dg >> 7, dg & 127])
                e = a + b
                e = jnp.where(e >= 0, e, 0.2 * e)
                w = jnp.exp(e)
                eix = e0 + g * 16 + iota
                valid = (eix >= lo_s) & (eix < hi_s)
                w = jnp.where(valid, w, 0.0)
                lanes = dg & 127
                w_v[sl] = w
                didx_v[sl] = jnp.where(valid, dg, TRASH)
                dden_v[sl] = jnp.where(valid, dg >> 7, 120)
                lane_v[sl] = lanes
                src_v[sl] = sg + i * NPAD
                plsc.store_scatter(wrows_v, [g * 16 + iota, lanes], w)
            pltpu.async_copy(h_ref.at[src_v], rows_v, sem).wait()

            def row_body(r, _):
                wb = plsc.load_gather(w_v, [jnp.zeros((16,), jnp.int32) + r])
                for cc in range(D // 16):
                    csl = pl.ds(cc * 16, 16)
                    rows_v[r, csl] = rows_v[r, csl] * wb
                return 0

            lax.fori_loop(0, EB, row_body, 0, unroll=4)
            pltpu.sync_copy(rows_v, acc.at[didx_v], add=True)
            pltpu.sync_copy(wrows_v, dacc.at[dden_v], add=True)
            for g in range(EB // 16):
                sl = pl.ds(g * 16, 16)
                plsc.store_scatter(wrows_v, [g * 16 + iota, lane_v[sl]], zvec)
            return 0

        lax.fori_loop(0, nk_s, batch_body, 0)
        plsc.subcore_barrier()
        pltpu.sync_copy(acc.at[pl.ds(s * STRIPE, STRIPE)],
                        num_out.at[c, i, pl.ds(s * STRIPE, STRIPE)])
        pltpu.sync_copy(dacc.at[pl.ds(s * 8, 8)],
                        den_out.at[c, i, pl.ds(s * 8, 8)])
        return 0

    lax.fori_loop(0, n_agg, agg_body, 0)


def _edge_phase(H, asn, adn, edge_src, edge_dst, edge_offsets, n_agg):
    T = edge_src.shape[0]
    nbatch = -(-T // EB)
    tpad = nbatch * EB
    pad = jnp.zeros((tpad - T,), jnp.int32)
    esrc = jnp.concatenate([edge_src, pad])
    edst = jnp.concatenate([edge_dst, pad])
    off = edge_offsets.astype(jnp.int32)
    lo = off[:-1]
    hi = off[1:]
    b0 = lo // EB
    b1 = -(-hi // EB)
    cs = jnp.arange(2, dtype=jnp.int32)[:, None, None]
    ss = jnp.arange(16, dtype=jnp.int32)[None, :, None]
    k0 = b0[None, None, :] + cs + 2 * ss
    nk = jnp.maximum(0, -(-(b1[None, None, :] - k0) // 32))
    desc = jnp.zeros((2, 16, n_agg, 16), jnp.int32)
    desc = desc.at[..., 0].set(jnp.broadcast_to(lo, (2, 16, n_agg)))
    desc = desc.at[..., 1].set(jnp.broadcast_to(hi, (2, 16, n_agg)))
    desc = desc.at[..., 2].set(k0)
    desc = desc.at[..., 3].set(nk)
    desc = desc.reshape(2, 16, n_agg * 16)
    zeros_h = jnp.zeros((ROWS, D), jnp.float32)

    mesh = plsc.VectorSubcoreMesh(core_axis_name="c", subcore_axis_name="s")
    f = pl.kernel(
        functools.partial(_sc_body, n_agg),
        out_type=[
            jax.ShapeDtypeStruct((2, n_agg, ROWS, D), jnp.float32),
            jax.ShapeDtypeStruct((2, n_agg, DROWS, D), jnp.float32),
        ],
        mesh=mesh,
        compiler_params=pltpu.CompilerParams(needs_layout_passes=False),
        scratch_types=[
            pltpu.VMEM((80, D), jnp.float32),
            pltpu.VMEM((80, D), jnp.float32),
            pltpu.VMEM((n_agg * 16,), jnp.int32),
            pltpu.VMEM((EB,), jnp.int32),
            pltpu.VMEM((EB,), jnp.int32),
            pltpu.VMEM((EB,), jnp.int32),
            pltpu.VMEM((EB,), jnp.int32),
            pltpu.VMEM((EB,), jnp.int32),
            pltpu.VMEM((EB,), jnp.float32),
            pltpu.VMEM((EB, D), jnp.float32),
            pltpu.VMEM((EB, D), jnp.float32),
            pltpu.VMEM_SHARED((ROWS, D), jnp.float32),
            pltpu.VMEM_SHARED((DROWS, D), jnp.float32),
            pltpu.SemaphoreType.DMA,
        ],
    )
    def pack(a):
        return a.reshape(n_agg * 80, D)

    haug = jnp.concatenate([H.reshape(n_agg * NPAD, D), pack(asn), pack(adn)])
    num, den = f(haug, esrc, edst, desc, zeros_h)
    return num, den.reshape(2, n_agg, 1, DROWS * D)


def _tc2_body(x_ref, ws_ref, as_ref, ad_ref, num_ref, den_ref, bias_ref,
              w1x_ref, w1r_ref, b1_ref, w2_ref, b2_ref, y_ref, ident_ref, *,
              n_agg):
    i = pl.program_id(1)

    @pl.when(i == 0)
    def _():
        y_ref[...] = jnp.dot(x_ref[...], w1x_ref[...],
                             preferred_element_type=jnp.float32)
        r = lax.broadcasted_iota(jnp.int32, (NB, NB), 0)
        l = lax.broadcasted_iota(jnp.int32, (NB, NB), 1)
        ident_ref[...] = jnp.where(r == l, 1.0, 0.0)

    h = jnp.dot(x_ref[...], ws_ref[0], preferred_element_type=jnp.float32)
    asn = jnp.sum(h * as_ref[0], axis=1, keepdims=True)
    adn = jnp.sum(h * ad_ref[0], axis=1, keepdims=True)
    e_self = asn + adn
    e_self = jnp.where(e_self >= 0, e_self, 0.2 * e_self)
    es = jnp.exp(e_self)
    den_lane = den_ref[0, 0] + den_ref[1, 0]
    den = lax.dot_general(ident_ref[...], den_lane, (((1,), (1,)), ((), ())),
                          preferred_element_type=jnp.float32)
    num = jnp.sum(num_ref[:, 0], axis=0) + es * h
    out_i = num / (den + es) + bias_ref[0]
    y_ref[...] += jnp.dot(out_i, w1r_ref[0], preferred_element_type=jnp.float32)

    @pl.when(i == n_agg - 1)
    def _():
        mid = jnp.tanh(y_ref[...] + b1_ref[...])
        y_ref[...] = jnp.dot(mid, w2_ref[...],
                             preferred_element_type=jnp.float32) + b2_ref[...]


def _phase3(x, Ws, att_src, att_dst, num, den, bias_gat, W1, b1, W2, b2):
    n_agg = Ws.shape[0]
    W1x = W1[:D]
    W1r = W1[D:].reshape(n_agg, D, D)
    grid = (NBLK, n_agg)
    return pl.pallas_call(
        functools.partial(_tc2_body, n_agg=n_agg),
        grid=grid,
        in_specs=[
            pl.BlockSpec((NB, D), lambda b, i: (b, 0)),
            pl.BlockSpec((1, D, D), lambda b, i: (i, 0, 0)),
            pl.BlockSpec((1, 1, D), lambda b, i: (i, 0, 0)),
            pl.BlockSpec((1, 1, D), lambda b, i: (i, 0, 0)),
            pl.BlockSpec((2, 1, NB, D), lambda b, i: (0, i, b, 0)),
            pl.BlockSpec((2, 1, 1, NB), lambda b, i: (0, i, 0, b)),
            pl.BlockSpec((1, 1, D), lambda b, i: (i, 0, 0)),
            pl.BlockSpec((D, D), lambda b, i: (0, 0)),
            pl.BlockSpec((1, D, D), lambda b, i: (i, 0, 0)),
            pl.BlockSpec((1, D), lambda b, i: (0, 0)),
            pl.BlockSpec((D, D), lambda b, i: (0, 0)),
            pl.BlockSpec((1, D), lambda b, i: (0, 0)),
        ],
        out_specs=pl.BlockSpec((NB, D), lambda b, i: (b, 0)),
        out_shape=jax.ShapeDtypeStruct((NPAD, D), jnp.float32),
        scratch_shapes=[pltpu.VMEM((NB, NB), jnp.float32)],
        compiler_params=pltpu.CompilerParams(
            dimension_semantics=("parallel", "arbitrary")),
    )(x, Ws, att_src.reshape(n_agg, 1, D), att_dst.reshape(n_agg, 1, D),
      num, den, bias_gat.reshape(n_agg, 1, D), W1x, W1r,
      b1.reshape(1, D), W2, b2.reshape(1, D))


def kernel(x, Ws, att_src, att_dst, bias_gat, W1, b1, W2, b2,
           edge_src, edge_dst, edge_offsets):
    n_agg = Ws.shape[0]
    xp = jnp.concatenate([x, jnp.zeros((NPAD - N, D), jnp.float32)])
    H, asn, adn = _phase1(xp, Ws, att_src, att_dst)
    num, den = _edge_phase(H, asn, adn, edge_src.astype(jnp.int32),
                           edge_dst.astype(jnp.int32), edge_offsets, n_agg)
    y = _phase3(xp, Ws, att_src, att_dst, num, den, bias_gat, W1, b1, W2, b2)
    return y[:N]

# --- scband reference (transcript-rebuilt; emitter-appended) ---
"""Pipeline reference for scband-si-gat-71227737637635 (READ-ONLY COPY).

The authoritative reference and input builder live on the scoring server;
editing this copy changes nothing except your own understanding.
"""

import jax, jax.numpy as jnp
import numpy as np
from collections import defaultdict

N = 10000
E = 160000
IN_DIM = 128
OUT_DIM = 128


def _build_adj_lists(edge_list):
    pos_edgelist = defaultdict(set); pos_out = defaultdict(set); pos_in = defaultdict(set)
    neg_edgelist = defaultdict(set); neg_out = defaultdict(set); neg_in = defaultdict(set)
    for i, j, s in edge_list:
        if s > 0:
            pos_edgelist[i].add(j); pos_edgelist[j].add(i)
            pos_out[i].add(j); pos_in[j].add(i)
        if s < 0:
            neg_edgelist[i].add(j); neg_edgelist[j].add(i)
            neg_out[i].add(j); neg_in[j].add(i)
    add1 = [defaultdict(set) for _ in range(16)]
    add2 = [defaultdict(set) for _ in range(16)]
    def tri(u, v):
        po_u = pos_out[u]; no_u = neg_out[u]; pi_u = pos_in[u]; ni_u = neg_in[u]
        po_v = pos_out[v]; no_v = neg_out[v]; pi_v = pos_in[v]; ni_v = neg_in[v]
        return (len(po_u & pi_v), len(po_u & ni_v), len(no_u & pi_v), len(no_u & ni_v),
                len(po_u & po_v), len(po_u & no_v), len(no_u & po_v), len(no_u & no_v),
                len(pi_u & po_v), len(pi_u & no_v), len(ni_u & po_v), len(ni_u & no_v),
                len(pi_u & pi_v), len(pi_u & ni_v), len(ni_u & pi_v), len(ni_u & ni_v))
    for i in list(pos_out):
        for j in pos_out[i]:
            vs = tri(i, j)
            for idx, v in enumerate(vs):
                if v > 0:
                    add1[idx][i].add(j)
    for i in list(neg_out):
        for j in neg_out[i]:
            vs = tri(i, j)
            for idx, v in enumerate(vs):
                if v > 0:
                    add2[idx][i].add(j)
    return [pos_edgelist, pos_out, pos_in, neg_edgelist, neg_out, neg_in] + add1 + add2


def _adj_to_edges(adj):
    src, dst = [], []
    for a in adj:
        for b in adj[a]:
            src.append(a); dst.append(b)
    return np.asarray(src, np.int64), np.asarray(dst, np.int64)


def setup_inputs(seed: int = 0) -> dict:
    rng = np.random.RandomState(0)
    src = rng.randint(0, N, size=E)
    dst = rng.randint(0, N, size=E)
    sign = np.where(rng.rand(E) < 0.7, 1, -1)
    edge_list = list(zip(src.tolist(), dst.tolist(), sign.tolist()))
    adj_lists = _build_adj_lists(edge_list)
    srcs, dsts, offsets = [], [], [0]
    for adj in adj_lists:
        s, d = _adj_to_edges(adj)
        srcs.append(s); dsts.append(d)
        offsets.append(offsets[-1] + len(s))
    edge_src = jnp.asarray(np.concatenate(srcs)) if offsets[-1] > 0 else jnp.zeros((0,), jnp.int32)
    edge_dst = jnp.asarray(np.concatenate(dsts)) if offsets[-1] > 0 else jnp.zeros((0,), jnp.int32)
    edge_offsets = jnp.asarray(np.asarray(offsets, np.int64))
    n_agg = len(adj_lists)  # 38
    key = jax.random.key(seed)
    ks = jax.random.split(key, 10)
    x = jax.random.normal(ks[0], (N, IN_DIM), jnp.float32)
    Ws = jax.random.normal(ks[1], (n_agg, IN_DIM, OUT_DIM), jnp.float32) * (1.0 / np.sqrt(IN_DIM))
    att_src = jax.random.normal(ks[2], (n_agg, OUT_DIM), jnp.float32) * 0.1
    att_dst = jax.random.normal(ks[3], (n_agg, OUT_DIM), jnp.float32) * 0.1
    bias_gat = jnp.zeros((n_agg, OUT_DIM), jnp.float32)
    W1 = jax.random.normal(ks[4], (OUT_DIM * (n_agg + 1), OUT_DIM), jnp.float32) * np.sqrt(2.0 / (OUT_DIM * (n_agg + 1)))
    b1 = jnp.full((OUT_DIM,), 0.01, jnp.float32)
    W2 = jax.random.normal(ks[5], (OUT_DIM, OUT_DIM), jnp.float32) * np.sqrt(2.0 / OUT_DIM)
    b2 = jnp.full((OUT_DIM,), 0.01, jnp.float32)
    return {"x": x, "Ws": Ws, "att_src": att_src, "att_dst": att_dst, "bias_gat": bias_gat,
            "W1": W1, "b1": b1, "W2": W2, "b2": b2,
            "edge_src": edge_src, "edge_dst": edge_dst, "edge_offsets": edge_offsets}


def _gat(x, W, a_s, a_d, b, src, dst, mask):
    # GATConv (heads=1, concat=True, negative_slope=0.2, add_self_loops=True)
    h = x @ W
    loop = jnp.arange(N, dtype=src.dtype) if src.shape[0] > 0 else jnp.arange(N)
    s2 = jnp.concatenate([src, loop])
    d2 = jnp.concatenate([dst, loop])
    m2 = jnp.concatenate([mask, jnp.ones((N,), jnp.bool_)])
    a_src_n = (h * a_s).sum(-1)
    a_dst_n = (h * a_d).sum(-1)
    e = a_src_n[s2] + a_dst_n[d2]
    e = jax.nn.leaky_relu(e, 0.2)
    e_masked = jnp.where(m2, e, -jnp.inf)
    m = jax.ops.segment_max(e_masked, d2, num_segments=N)
    ex = jnp.where(m2, jnp.exp(e - m[d2]), jnp.float32(0))
    denom = jax.ops.segment_sum(ex, d2, num_segments=N)
    alpha = ex / (denom[d2] + 1e-16)
    out = jax.ops.segment_sum(h[s2] * alpha[:, None], d2, num_segments=N)
    return out + b


def reference(x, Ws, att_src, att_dst, bias_gat, W1, b1, W2, b2, edge_src, edge_dst, edge_offsets):
    n_agg = Ws.shape[0]
    idx = jnp.arange(edge_src.shape[0], dtype=edge_offsets.dtype)
    outs = []
    for i in range(n_agg):
        mask = (idx >= edge_offsets[i]) & (idx < edge_offsets[i + 1])
        outs.append(_gat(x, Ws[i], att_src[i], att_dst[i], bias_gat[i], edge_src, edge_dst, mask))
    combined = jnp.concatenate([x] + outs, axis=1)
    hmid = jnp.tanh(combined @ W1 + b1)
    return hmid @ W2 + b2

if __name__ == "__main__":
    import jax
    _d = setup_inputs()
    print(jax.jit(kernel)(*tuple(_d.values())))

</pallas_src>

<mosaic_0001>
#map = affine_map<(d0, d1) -> (0, 0)>
#map1 = affine_map<(d0, d1) -> (0)>
#map2 = affine_map<(d0, d1) -> (0, 0, 0)>
#map3 = affine_map<(d0, d1) -> (0, 0, 0, 0)>
module attributes {stable_mosaic.version = 14 : i64} {
  func.func @_sc_body(%arg0: i32, %arg1: i32, %arg2: memref<395200x128xf32, #tpu.memory_space<hbm>>, %arg3: memref<657344xi32, #tpu.memory_space<hbm>>, %arg4: memref<657344xi32, #tpu.memory_space<hbm>>, %arg5: memref<2x16x608xi32, #tpu.memory_space<hbm>>, %arg6: memref<10240x128xf32, #tpu.memory_space<hbm>>, %arg7: memref<2x38x10240x128xf32, #tpu.memory_space<hbm>>, %arg8: memref<2x38x128x128xf32, #tpu.memory_space<hbm>>, %arg9: memref<80x128xf32, #tpu.memory_space<vmem>>, %arg10: memref<80x128xf32, #tpu.memory_space<vmem>>, %arg11: memref<608xi32, #tpu.memory_space<vmem>>, %arg12: memref<64xi32, #tpu.memory_space<vmem>>, %arg13: memref<64xi32, #tpu.memory_space<vmem>>, %arg14: memref<64xi32, #tpu.memory_space<vmem>>, %arg15: memref<64xi32, #tpu.memory_space<vmem>>, %arg16: memref<64xi32, #tpu.memory_space<vmem>>, %arg17: memref<64xf32, #tpu.memory_space<vmem>>, %arg18: memref<64x128xf32, #tpu.memory_space<vmem>>, %arg19: memref<64x128xf32, #tpu.memory_space<vmem>>, %arg20: memref<10240x128xf32, #tpu.memory_space<vmem_shared>>, %arg21: memref<128x128xf32, #tpu.memory_space<vmem_shared>>, %arg22: memref<!tpu.dma_semaphore, #tpu.memory_space<semaphore_mem>>) attributes {dimension_semantics = [#tpu.dimension_semantics<core_parallel>, #tpu.dimension_semantics<subcore_parallel>], iteration_bounds = array<i64: 2, 16>, scalar_prefetch = 0 : i64, scratch_operands = 14 : i64, tpu.core_type = #tpu.core_type<sc_vector_subcore>, window_params = [{transform_indices = #map}, {transform_indices = #map1}, {transform_indices = #map1}, {transform_indices = #map2}, {transform_indices = #map}, {transform_indices = #map3}, {transform_indices = #map3}]} {
    "tpu.region"() ({
      %run_scoped3A = tpu.sem_alloc : memref<!tpu.dma_semaphore, #tpu.memory_space<semaphore_mem>>
      %dma_start3A = arith.constant 0 : i32
      %dma_start3A_7 = tpu.memref_slice %arg5[%arg0, %arg1, %dma_start3A] : memref<2x16x608xi32, #tpu.memory_space<hbm>> -> memref<1x1x608xi32, #tpu.memory_space<hbm>>
      %dma_start3A_8 = tpu.memref_squeeze %dma_start3A_7 : memref<1x1x608xi32, #tpu.memory_space<hbm>> -> memref<608xi32, #tpu.memory_space<hbm>>
      %dma_start3A_9 = arith.constant 0 : i32
      %dma_start3A_10 = tpu.memref_slice %arg5[%arg0, %arg1, %dma_start3A_9] : memref<2x16x608xi32, #tpu.memory_space<hbm>> -> memref<1x1x608xi32, #tpu.memory_space<hbm>>
      %dma_start3A_11 = tpu.memref_squeeze %dma_start3A_10 : memref<1x1x608xi32, #tpu.memory_space<hbm>> -> memref<608xi32, #tpu.memory_space<hbm>>
      tpu.enqueue_dma source(%dma_start3A_11 : memref<608xi32, #tpu.memory_space<hbm>>) target(%arg11 : memref<608xi32, #tpu.memory_space<vmem>>) target_semaphore(%run_scoped3A : memref<!tpu.dma_semaphore, #tpu.memory_space<semaphore_mem>>)
      %dma_wait3A = arith.constant 0 : i32
      %dma_wait3A_12 = tpu.memref_slice %arg5[%arg0, %arg1, %dma_wait3A] : memref<2x16x608xi32, #tpu.memory_space<hbm>> -> memref<1x1x608xi32, #tpu.memory_space<hbm>>
      %dma_wait3A_13 = tpu.memref_squeeze %dma_wait3A_12 : memref<1x1x608xi32, #tpu.memory_space<hbm>> -> memref<608xi32, #tpu.memory_space<hbm>>
      %dma_wait3A_14 = arith.constant 0 : i32
      %dma_wait3A_15 = tpu.memref_slice %arg5[%arg0, %arg1, %dma_wait3A_14] : memref<2x16x608xi32, #tpu.memory_space<hbm>> -> memref<1x1x608xi32, #tpu.memory_space<hbm>>
      %dma_wait3A_16 = tpu.memref_squeeze %dma_wait3A_15 : memref<1x1x608xi32, #tpu.memory_space<hbm>> -> memref<608xi32, #tpu.memory_space<hbm>>
      tpu.wait_dma2 semaphore(%run_scoped3A : memref<!tpu.dma_semaphore, #tpu.memory_space<semaphore_mem>>) src(%dma_wait3A_16 : memref<608xi32, #tpu.memory_space<hbm>>) dst(%arg11 : memref<608xi32, #tpu.memory_space<vmem>>)
      tpu.yield
    }) : () -> ()
    "tpu.region"() ({
      %run_scoped3A = tpu.sem_alloc : memref<!tpu.dma_semaphore, #tpu.memory_space<semaphore_mem>>
      %dma_start3A = arith.constant 0 : i32
      %dma_start3A_7 = arith.constant 0 : i32
      %dma_start3A_8 = tpu.memref_slice %arg6[%dma_start3A, %dma_start3A_7] : memref<10240x128xf32, #tpu.memory_space<hbm>> -> memref<64x128xf32, #tpu.memory_space<hbm>>
      %dma_start3A_9 = arith.constant 0 : i32
      %dma_start3A_10 = arith.constant 0 : i32
      %dma_start3A_11 = tpu.memref_slice %arg6[%dma_start3A_9, %dma_start3A_10] : memref<10240x128xf32, #tpu.memory_space<hbm>> -> memref<64x128xf32, #tpu.memory_space<hbm>>
      tpu.enqueue_dma source(%dma_start3A_11 : memref<64x128xf32, #tpu.memory_space<hbm>>) target(%arg19 : memref<64x128xf32, #tpu.memory_space<vmem>>) target_semaphore(%run_scoped3A : memref<!tpu.dma_semaphore, #tpu.memory_space<semaphore_mem>>)
      %dma_wait3A = arith.constant 0 : i32
      %dma_wait3A_12 = arith.constant 0 : i32
      %dma_wait3A_13 = tpu.memref_slice %arg6[%dma_wait3A, %dma_wait3A_12] : memref<10240x128xf32, #tpu.memory_space<hbm>> -> memref<64x128xf32, #tpu.memory_space<hbm>>
      %dma_wait3A_14 = arith.constant 0 : i32
      %dma_wait3A_15 = arith.constant 0 : i32
      %dma_wait3A_16 = tpu.memref_slice %arg6[%dma_wait3A_14, %dma_wait3A_15] : memref<10240x128xf32, #tpu.memory_space<hbm>> -> memref<64x128xf32, #tpu.memory_space<hbm>>
      tpu.wait_dma2 semaphore(%run_scoped3A : memref<!tpu.dma_semaphore, #tpu.memory_space<semaphore_mem>>) src(%dma_wait3A_16 : memref<64x128xf32, #tpu.memory_space<hbm>>) dst(%arg19 : memref<64x128xf32, #tpu.memory_space<vmem>>)
      tpu.yield
    }) : () -> ()
    %iota3A = tpu.iota {dimensions = array<i32: 0>} : vector<16xi32>
    %broadcast_in_dim3A = arith.constant 0.000000e+00 : f32
    %broadcast_in_dim3A_0 = vector.broadcast %broadcast_in_dim3A : f32 to vector<16xf32>
    %scan3A = arith.constant 0 : i32
    %scan3A_1 = arith.constant 0 : i32
    %scan3A_2 = arith.constant 38 : i32
    %scan3A_3 = arith.addi %scan3A_1, %scan3A_2 : i32
    %scan3A_4 = arith.constant 1 : i32
    %scan3A_5 = scf.for %scan3A_7 = %scan3A_1 to %scan3A_3 step %scan3A_4 iter_args(%scan3A_8 = %scan3A) -> (i32)  : i32 {
      %mul3A = arith.constant 16 : i32
      %mul3A_9 = arith.muli %scan3A_7, %mul3A : i32
      %get3A = arith.index_cast %mul3A_9 : i32 to index
      %get3A_10 = tpu.vector_load %arg11[%get3A] {strides = array<i32>} : memref<608xi32, #tpu.memory_space<vmem>>, vector<16xi32>,
      %slice3A = vector.extract_strided_slice %get3A_10 {offsets = [0], sizes = [1], strides = [1]} : vector<16xi32> to vector<1xi32>
      %squeeze3A = vector.extract %slice3A[0] : i32 from vector<1xi32>
      %slice3A_11 = vector.extract_strided_slice %get3A_10 {offsets = [1], sizes = [1], strides = [1]} : vector<16xi32> to vector<1xi32>
      %squeeze3A_12 = vector.extract %slice3A_11[0] : i32 from vector<1xi32>
      %slice3A_13 = vector.extract_strided_slice %get3A_10 {offsets = [2], sizes = [1], strides = [1]} : vector<16xi32> to vector<1xi32>
      %squeeze3A_14 = vector.extract %slice3A_13[0] : i32 from vector<1xi32>
      %slice3A_15 = vector.extract_strided_slice %get3A_10 {offsets = [3], sizes = [1], strides = [1]} : vector<16xi32> to vector<1xi32>
      %squeeze3A_16 = vector.extract %slice3A_15[0] : i32 from vector<1xi32>
      %mul3A_17 = arith.constant 80 : i32
      %mul3A_18 = arith.muli %scan3A_7, %mul3A_17 : i32
      %add3A = arith.constant 389120 : i32
      %add3A_19 = arith.addi %add3A, %mul3A_18 : i32
      "tpu.region"() ({
        %run_scoped3A = tpu.sem_alloc : memref<!tpu.dma_semaphore, #tpu.memory_space<semaphore_mem>>
        %dma_start3A = arith.constant 0 : i32
        %dma_start3A_51 = tpu.memref_slice %arg2[%add3A_19, %dma_start3A] : memref<395200x128xf32, #tpu.memory_space<hbm>> -> memref<80x128xf32, #tpu.memory_space<hbm>>
        %dma_start3A_52 = arith.constant 0 : i32
        %dma_start3A_53 = tpu.memref_slice %arg2[%add3A_19, %dma_start3A_52] : memref<395200x128xf32, #tpu.memory_space<hbm>> -> memref<80x128xf32, #tpu.memory_space<hbm>>
        tpu.enqueue_dma source(%dma_start3A_53 : memref<80x128xf32, #tpu.memory_space<hbm>>) target(%arg9 : memref<80x128xf32, #tpu.memory_space<vmem>>) target_semaphore(%run_scoped3A : memref<!tpu.dma_semaphore, #tpu.memory_space<semaphore_mem>>)
        %dma_wait3A = arith.constant 0 : i32
        %dma_wait3A_54 = tpu.memref_slice %arg2[%add3A_19, %dma_wait3A] : memref<395200x128xf32, #tpu.memory_space<hbm>> -> memref<80x128xf32, #tpu.memory_space<hbm>>
        %dma_wait3A_55 = arith.constant 0 : i32
        %dma_wait3A_56 = tpu.memref_slice %arg2[%add3A_19, %dma_wait3A_55] : memref<395200x128xf32, #tpu.memory_space<hbm>> -> memref<80x128xf32, #tpu.memory_space<hbm>>
        tpu.wait_dma2 semaphore(%run_scoped3A : memref<!tpu.dma_semaphore, #tpu.memory_space<semaphore_mem>>) src(%dma_wait3A_56 : memref<80x128xf32, #tpu.memory_space<hbm>>) dst(%arg9 : memref<80x128xf32, #tpu.memory_space<vmem>>)
        tpu.yield
      }) : () -> ()
      %mul3A_20 = arith.constant 80 : i32
      %mul3A_21 = arith.muli %scan3A_7, %mul3A_20 : i32
      %add3A_22 = arith.constant 392160 : i32
      %add3A_23 = arith.addi %add3A_22, %mul3A_21 : i32
      "tpu.region"() ({
        %run_scoped3A = tpu.sem_alloc : memref<!tpu.dma_semaphore, #tpu.memory_space<semaphore_mem>>
        %dma_start3A = arith.constant 0 : i32
        %dma_start3A_51 = tpu.memref_slice %arg2[%add3A_23, %dma_start3A] : memref<395200x128xf32, #tpu.memory_space<hbm>> -> memref<80x128xf32, #tpu.memory_space<hbm>>
        %dma_start3A_52 = arith.constant 0 : i32
        %dma_start3A_53 = tpu.memref_slice %arg2[%add3A_23, %dma_start3A_52] : memref<395200x128xf32, #tpu.memory_space<hbm>> -> memref<80x128xf32, #tpu.memory_space<hbm>>
        tpu.enqueue_dma source(%dma_start3A_53 : memref<80x128xf32, #tpu.memory_space<hbm>>) target(%arg10 : memref<80x128xf32, #tpu.memory_space<vmem>>) target_semaphore(%run_scoped3A : memref<!tpu.dma_semaphore, #tpu.memory_space<semaphore_mem>>)
        %dma_wait3A = arith.constant 0 : i32
        %dma_wait3A_54 = tpu.memref_slice %arg2[%add3A_23, %dma_wait3A] : memref<395200x128xf32, #tpu.memory_space<hbm>> -> memref<80x128xf32, #tpu.memory_space<hbm>>
        %dma_wait3A_55 = arith.constant 0 : i32
        %dma_wait3A_56 = tpu.memref_slice %arg2[%add3A_23, %dma_wait3A_55] : memref<395200x128xf32, #tpu.memory_space<hbm>> -> memref<80x128xf32, #tpu.memory_space<hbm>>
        tpu.wait_dma2 semaphore(%run_scoped3A : memref<!tpu.dma_semaphore, #tpu.memory_space<semaphore_mem>>) src(%dma_wait3A_56 : memref<80x128xf32, #tpu.memory_space<hbm>>) dst(%arg10 : memref<80x128xf32, #tpu.memory_space<vmem>>)
        tpu.yield
      }) : () -> ()
      %mul3A_24 = arith.constant 640 : i32
      %mul3A_25 = arith.muli %arg1, %mul3A_24 : i32
      %mul3A_26 = arith.constant 640 : i32
      %mul3A_27 = arith.muli %arg1, %mul3A_26 : i32
      "tpu.region"() ({
        %run_scoped3A = tpu.sem_alloc : memref<!tpu.dma_semaphore, #tpu.memory_space<semaphore_mem>>
        %dma_start3A = arith.constant 0 : i32
        %dma_start3A_51 = tpu.memref_slice %arg20[%mul3A_27, %dma_start3A] : memref<10240x128xf32, #tpu.memory_space<vmem_shared>> -> memref<640x128xf32, #tpu.memory_space<vmem_shared>>
        %dma_start3A_52 = arith.constant 0 : i32
        %dma_start3A_53 = tpu.memref_slice %arg6[%mul3A_25, %dma_start3A_52] : memref<10240x128xf32, #tpu.memory_space<hbm>> -> memref<640x128xf32, #tpu.memory_space<hbm>>
        tpu.enqueue_dma source(%dma_start3A_53 : memref<640x128xf32, #tpu.memory_space<hbm>>) target(%dma_start3A_51 : memref<640x128xf32, #tpu.memory_space<vmem_shared>>) target_semaphore(%run_scoped3A : memref<!tpu.dma_semaphore, #tpu.memory_space<semaphore_mem>>)
        %dma_wait3A = arith.constant 0 : i32
        %dma_wait3A_54 = tpu.memref_slice %arg20[%mul3A_27, %dma_wait3A] : memref<10240x128xf32, #tpu.memory_space<vmem_shared>> -> memref<640x128xf32, #tpu.memory_space<vmem_shared>>
        %dma_wait3A_55 = arith.constant 0 : i32
        %dma_wait3A_56 = tpu.memref_slice %arg6[%mul3A_25, %dma_wait3A_55] : memref<10240x128xf32, #tpu.memory_space<hbm>> -> memref<640x128xf32, #tpu.memory_space<hbm>>
        tpu.wait_dma2 semaphore(%run_scoped3A : memref<!tpu.dma_semaphore, #tpu.memory_space<semaphore_mem>>) src(%dma_wait3A_56 : memref<640x128xf32, #tpu.memory_space<hbm>>) dst(%dma_wait3A_54 : memref<640x128xf32, #tpu.memory_space<vmem_shared>>)
        tpu.yield
      }) : () -> ()
      %mul3A_28 = arith.constant 8 : i32
      %mul3A_29 = arith.muli %arg1, %mul3A_28 : i32
      "tpu.region"() ({
        %run_scoped3A = tpu.sem_alloc : memref<!tpu.dma_semaphore, #tpu.memory_space<semaphore_mem>>
        %dma_start3A = arith.constant 0 : i32
        %dma_start3A_51 = tpu.memref_slice %arg21[%mul3A_29, %dma_start3A] : memref<128x128xf32, #tpu.memory_space<vmem_shared>> -> memref<8x128xf32, #tpu.memory_space<vmem_shared>>
        %dma_start3A_52 = arith.constant 0 : i32
        %dma_start3A_53 = arith.constant 0 : i32
        %dma_start3A_54 = tpu.memref_slice %arg6[%dma_start3A_52, %dma_start3A_53] : memref<10240x128xf32, #tpu.memory_space<hbm>> -> memref<8x128xf32, #tpu.memory_space<hbm>>
        tpu.enqueue_dma source(%dma_start3A_54 : memref<8x128xf32, #tpu.memory_space<hbm>>) target(%dma_start3A_51 : memref<8x128xf32, #tpu.memory_space<vmem_shared>>) target_semaphore(%run_scoped3A : memref<!tpu.dma_semaphore, #tpu.memory_space<semaphore_mem>>)
        %dma_wait3A = arith.constant 0 : i32
        %dma_wait3A_55 = tpu.memref_slice %arg21[%mul3A_29, %dma_wait3A] : memref<128x128xf32, #tpu.memory_space<vmem_shared>> -> memref<8x128xf32, #tpu.memory_space<vmem_shared>>
        %dma_wait3A_56 = arith.constant 0 : i32
        %dma_wait3A_57 = arith.constant 0 : i32
        %dma_wait3A_58 = tpu.memref_slice %arg6[%dma_wait3A_56, %dma_wait3A_57] : memref<10240x128xf32, #tpu.memory_space<hbm>> -> memref<8x128xf32, #tpu.memory_space<hbm>>
        tpu.wait_dma2 semaphore(%run_scoped3A : memref<!tpu.dma_semaphore, #tpu.memory_space<semaphore_mem>>) src(%dma_wait3A_58 : memref<8x128xf32, #tpu.memory_space<hbm>>) dst(%dma_wait3A_55 : memref<8x128xf32, #tpu.memory_space<vmem_shared>>)
        tpu.yield
      }) : () -> ()
      %barrier3A = arith.constant 0 : index
      tpu.barrier barrier_id(%barrier3A)
      %while3A = arith.constant 0 : i32
      %while3A_30 = arith.constant 0 : i32
      %while3A_31 = arith.subi %squeeze3A_16, %while3A : i32
      %while3A_32 = arith.addi %while3A, %while3A_31 : i32
      %while3A_33 = arith.constant 1 : i32
      %while3A_34 = arith.divsi %while3A_31, %while3A_33 : i32
      %while3A_35 = arith.muli %while3A_34, %while3A_33 : i32
      %while3A_36 = arith.addi %while3A, %while3A_35 : i32
      %while3A_37 = arith.constant 1 : i32
      %while3A_38 = scf.for %while3A_51 = %while3A to %while3A_36 step %while3A_37 iter_args(%while3A_52 = %while3A_30) -> (i32)  : i32 {
        %mul3A_53 = arith.constant 32 : i32
        %mul3A_54 = arith.muli %mul3A_53, %while3A_51 : i32
        %add3A_55 = arith.addi %squeeze3A_14, %mul3A_54 : i32
        %mul3A_56 = arith.constant 64 : i32
        %mul3A_57 = arith.muli %add3A_55, %mul3A_56 : i32
        "tpu.region"() ({
          %run_scoped3A = tpu.sem_alloc : memref<!tpu.dma_semaphore, #tpu.memory_space<semaphore_mem>>
          %dma_start3A_353 = tpu.memref_slice %arg3[%mul3A_57] : memref<657344xi32, #tpu.memory_space<hbm>> -> memref<64xi32, #tpu.memory_space<hbm>>
          %dma_start3A_354 = tpu.memref_slice %arg3[%mul3A_57] : memref<657344xi32, #tpu.memory_space<hbm>> -> memref<64xi32, #tpu.memory_space<hbm>>
          tpu.enqueue_dma source(%dma_start3A_354 : memref<64xi32, #tpu.memory_space<hbm>>) target(%arg12 : memref<64xi32, #tpu.memory_space<vmem>>) target_semaphore(%run_scoped3A : memref<!tpu.dma_semaphore, #tpu.memory_space<semaphore_mem>>)
          %dma_wait3A_355 = tpu.memref_slice %arg3[%mul3A_57] : memref<657344xi32, #tpu.memory_space<hbm>> -> memref<64xi32, #tpu.memory_space<hbm>>
          %dma_wait3A_356 = tpu.memref_slice %arg3[%mul3A_57] : memref<657344xi32, #tpu.memory_space<hbm>> -> memref<64xi32, #tpu.memory_space<hbm>>
          tpu.wait_dma2 semaphore(%run_scoped3A : memref<!tpu.dma_semaphore, #tpu.memory_space<semaphore_mem>>) src(%dma_wait3A_356 : memref<64xi32, #tpu.memory_space<hbm>>) dst(%arg12 : memref<64xi32, #tpu.memory_space<vmem>>)
          tpu.yield
        }) : () -> ()
        "tpu.region"() ({
          %run_scoped3A = tpu.sem_alloc : memref<!tpu.dma_semaphore, #tpu.memory_space<semaphore_mem>>
          %dma_start3A_353 = tpu.memref_slice %arg4[%mul3A_57] : memref<657344xi32, #tpu.memory_space<hbm>> -> memref<64xi32, #tpu.memory_space<hbm>>
          %dma_start3A_354 = tpu.memref_slice %arg4[%mul3A_57] : memref<657344xi32, #tpu.memory_space<hbm>> -> memref<64xi32, #tpu.memory_space<hbm>>
          tpu.enqueue_dma source(%dma_start3A_354 : memref<64xi32, #tpu.memory_space<hbm>>) target(%arg13 : memref<64xi32, #tpu.memory_space<vmem>>) target_semaphore(%run_scoped3A : memref<!tpu.dma_semaphore, #tpu.memory_space<semaphore_mem>>)
          %dma_wait3A_355 = tpu.memref_slice %arg4[%mul3A_57] : memref<657344xi32, #tpu.memory_space<hbm>> -> memref<64xi32, #tpu.memory_space<hbm>>
          %dma_wait3A_356 = tpu.memref_slice %arg4[%mul3A_57] : memref<657344xi32, #tpu.memory_space<hbm>> -> memref<64xi32, #tpu.memory_space<hbm>>
          tpu.wait_dma2 semaphore(%run_scoped3A : memref<!tpu.dma_semaphore, #tpu.memory_space<semaphore_mem>>) src(%dma_wait3A_356 : memref<64xi32, #tpu.memory_space<hbm>>) dst(%arg13 : memref<64xi32, #tpu.memory_space<vmem>>)
          tpu.yield
        }) : () -> ()
        %get3A_58 = arith.constant 0 : index
        %get3A_59 = tpu.vector_load %arg12[%get3A_58] {strides = array<i32>} : memref<64xi32, #tpu.memory_space<vmem>>, vector<16xi32>,
        %get3A_60 = arith.constant 0 : index
        %get3A_61 = tpu.vector_load %arg13[%get3A_60] {strides = array<i32>} : memref<64xi32, #tpu.memory_space<vmem>>, vector<16xi32>,
        %shift_right_arithmetic3A = arith.constant 7 : i32
        %shift_right_arithmetic3A_62 = vector.broadcast %shift_right_arithmetic3A : i32 to vector<16xi32>
        %shift_right_arithmetic3A_63 = arith.shrsi %get3A_59, %shift_right_arithmetic3A_62 : vector<16xi32>
        %and3A = arith.constant 127 : i32
        %and3A_64 = vector.broadcast %and3A : i32 to vector<16xi32>
        %and3A_65 = arith.andi %get3A_59, %and3A_64 : vector<16xi32>
        %gather3A = tpu.vector_load_idx %arg9[%shift_right_arithmetic3A_63, %and3A_65] : memref<80x128xf32, #tpu.memory_space<vmem>>[vector<16xi32>, vector<16xi32>], vector<16xf32>,
        %shift_right_arithmetic3A_66 = arith.constant 7 : i32
        %shift_right_arithmetic3A_67 = vector.broadcast %shift_right_arithmetic3A_66 : i32 to vector<16xi32>
        %shift_right_arithmetic3A_68 = arith.shrsi %get3A_61, %shift_right_arithmetic3A_67 : vector<16xi32>
        %and3A_69 = arith.constant 127 : i32
        %and3A_70 = vector.broadcast %and3A_69 : i32 to vector<16xi32>
        %and3A_71 = arith.andi %get3A_61, %and3A_70 : vector<16xi32>
        %gather3A_72 = tpu.vector_load_idx %arg10[%shift_right_arithmetic3A_68, %and3A_71] : memref<80x128xf32, #tpu.memory_space<vmem>>[vector<16xi32>, vector<16xi32>], vector<16xf32>,
        %add3A_73 = arith.addf %gather3A, %gather3A_72 : vector<16xf32>
        %ge3A = arith.constant 0.000000e+00 : f32
        %ge3A_74 = vector.broadcast %ge3A : f32 to vector<16xf32>
        %ge3A_75 = arith.cmpf oge, %add3A_73, %ge3A_74 : vector<16xf32>
        %mul3A_76 = arith.constant 2.000000e-01 : f32
        %mul3A_77 = vector.broadcast %mul3A_76 : f32 to vector<16xf32>
        %mul3A_78 = arith.mulf %mul3A_77, %add3A_73 : vector<16xf32>
        %select_n3A = arith.select %ge3A_75, %add3A_73, %mul3A_78 : vector<16xi1>, vector<16xf32>
        %exp3A = math.exp %select_n3A : vector<16xf32>
        %add3A_79 = arith.constant 0 : i32
        %add3A_80 = arith.addi %mul3A_57, %add3A_79 : i32
        %add3A_81 = vector.broadcast %add3A_80 : i32 to vector<16xi32>
        %add3A_82 = arith.addi %add3A_81, %iota3A : vector<16xi32>
        %ge3A_83 = vector.broadcast %squeeze3A : i32 to vector<16xi32>
        %ge3A_84 = arith.cmpi sge, %add3A_82, %ge3A_83 : vector<16xi32>
        %lt3A = vector.broadcast %squeeze3A_12 : i32 to vector<16xi32>
        %lt3A_85 = arith.cmpi slt, %add3A_82, %lt3A : vector<16xi32>
        %and3A_86 = arith.andi %ge3A_84, %lt3A_85 : vector<16xi1>
        %jit3A = arith.constant 0.000000e+00 : f32
        %broadcast_in_dim3A_87 = vector.broadcast %jit3A : f32 to vector<16xf32>
        %select_n3A_88 = arith.select %and3A_86, %exp3A, %broadcast_in_dim3A_87 : vector<16xi1>, vector<16xf32>
        %and3A_89 = arith.constant 127 : i32
        %and3A_90 = vector.broadcast %and3A_89 : i32 to vector<16xi32>
        %and3A_91 = arith.andi %get3A_61, %and3A_90 : vector<16xi32>
        %swap3A = arith.constant 0 : index
        %swap3A_92 = tpu.vector_load %arg17[%swap3A] {strides = array<i32>} : memref<64xf32, #tpu.memory_space<vmem>>, vector<16xf32>,
        tpu.vector_store %arg17[%swap3A], %select_n3A_88 {strides = array<i32>} : memref<64xf32, #tpu.memory_space<vmem>>, vector<16xf32>,
        %jit3A_93 = arith.constant 10200 : i32
        %broadcast_in_dim3A_94 = vector.broadcast %jit3A_93 : i32 to vector<16xi32>
        %select_n3A_95 = arith.select %and3A_86, %get3A_61, %broadcast_in_dim3A_94 : vector<16xi1>, vector<16xi32>
        %swap3A_96 = arith.constant 0 : index
        %swap3A_97 = tpu.vector_load %arg14[%swap3A_96] {strides = array<i32>} : memref<64xi32, #tpu.memory_space<vmem>>, vector<16xi32>,
        tpu.vector_store %arg14[%swap3A_96], %select_n3A_95 {strides = array<i32>} : memref<64xi32, #tpu.memory_space<vmem>>, vector<16xi32>,
        %shift_right_arithmetic3A_98 = arith.constant 7 : i32
        %shift_right_arithmetic3A_99 = vector.broadcast %shift_right_arithmetic3A_98 : i32 to vector<16xi32>
        %shift_right_arithmetic3A_100 = arith.shrsi %get3A_61, %shift_right_arithmetic3A_99 : vector<16xi32>
        %jit3A_101 = arith.constant 120 : i32
        %broadcast_in_dim3A_102 = vector.broadcast %jit3A_101 : i32 to vector<16xi32>
        %select_n3A_103 = arith.select %and3A_86, %shift_right_arithmetic3A_100, %broadcast_in_dim3A_102 : vector<16xi1>, vector<16xi32>
        %swap3A_104 = arith.constant 0 : index
        %swap3A_105 = tpu.vector_load %arg15[%swap3A_104] {strides = array<i32>} : memref<64xi32, #tpu.memory_space<vmem>>, vector<16xi32>,
        tpu.vector_store %arg15[%swap3A_104], %select_n3A_103 {strides = array<i32>} : memref<64xi32, #tpu.memory_space<vmem>>, vector<16xi32>,
        %swap3A_106 = arith.constant 0 : index
        %swap3A_107 = tpu.vector_load %arg16[%swap3A_106] {strides = array<i32>} : memref<64xi32, #tpu.memory_space<vmem>>, vector<16xi32>,
        tpu.vector_store %arg16[%swap3A_106], %and3A_91 {strides = array<i32>} : memref<64xi32, #tpu.memory_space<vmem>>, vector<16xi32>,
        %mul3A_108 = arith.constant 10240 : i32
        %mul3A_109 = arith.muli %scan3A_7, %mul3A_108 : i32
        %add3A_110 = vector.broadcast %mul3A_109 : i32 to vector<16xi32>
        %add3A_111 = arith.addi %get3A_59, %add3A_110 : vector<16xi32>
        %swap3A_112 = arith.constant 0 : index
        %swap3A_113 = tpu.vector_load %arg12[%swap3A_112] {strides = array<i32>} : memref<64xi32, #tpu.memory_space<vmem>>, vector<16xi32>,
        tpu.vector_store %arg12[%swap3A_112], %add3A_111 {strides = array<i32>} : memref<64xi32, #tpu.memory_space<vmem>>, vector<16xi32>,
        %add3A_114 = arith.constant 0 : i32
        %add3A_115 = vector.broadcast %add3A_114 : i32 to vector<16xi32>
        %add3A_116 = arith.addi %add3A_115, %iota3A : vector<16xi32>
        tpu.vector_store_idx %arg19[%add3A_116, %and3A_91], %select_n3A_88 : memref<64x128xf32, #tpu.memory_space<vmem>>[vector<16xi32>, vector<16xi32>], vector<16xf32>,
        %get3A_117 = arith.constant 16 : index
        %get3A_118 = tpu.vector_load %arg12[%get3A_117] {strides = array<i32>} : memref<64xi32, #tpu.memory_space<vmem>>, vector<16xi32>,
        %get3A_119 = arith.constant 16 : index
        %get3A_120 = tpu.vector_load %arg13[%get3A_119] {strides = array<i32>} : memref<64xi32, #tpu.memory_space<vmem>>, vector<16xi32>,
        %shift_right_arithmetic3A_121 = arith.constant 7 : i32
        %shift_right_arithmetic3A_122 = vector.broadcast %shift_right_arithmetic3A_121 : i32 to vector<16xi32>
        %shift_right_arithmetic3A_123 = arith.shrsi %get3A_118, %shift_right_arithmetic3A_122 : vector<16xi32>
        %and3A_124 = arith.constant 127 : i32
        %and3A_125 = vector.broadcast %and3A_124 : i32 to vector<16xi32>
        %and3A_126 = arith.andi %get3A_118, %and3A_125 : vector<16xi32>
        %gather3A_127 = tpu.vector_load_idx %arg9[%shift_right_arithmetic3A_123, %and3A_126] : memref<80x128xf32, #tpu.memory_space<vmem>>[vector<16xi32>, vector<16xi32>], vector<16xf32>,
        %shift_right_arithmetic3A_128 = arith.constant 7 : i32
        %shift_right_arithmetic3A_129 = vector.broadcast %shift_right_arithmetic3A_128 : i32 to vector<16xi32>
        %shift_right_arithmetic3A_130 = arith.shrsi %get3A_120, %shift_right_arithmetic3A_129 : vector<16xi32>
        %and3A_131 = arith.constant 127 : i32
        %and3A_132 = vector.broadcast %and3A_131 : i32 to vector<16xi32>
        %and3A_133 = arith.andi %get3A_120, %and3A_132 : vector<16xi32>
        %gather3A_134 = tpu.vector_load_idx %arg10[%shift_right_arithmetic3A_130, %and3A_133] : memref<80x128xf32, #tpu.memory_space<vmem>>[vector<16xi32>, vector<16xi32>], vector<16xf32>,
        %add3A_135 = arith.addf %gather3A_127, %gather3A_134 : vector<16xf32>
        %ge3A_136 = arith.constant 0.000000e+00 : f32
        %ge3A_137 = vector.broadcast %ge3A_136 : f32 to vector<16xf32>
        %ge3A_138 = arith.cmpf oge, %add3A_135, %ge3A_137 : vector<16xf32>
        %mul3A_139 = arith.constant 2.000000e-01 : f32
        %mul3A_140 = vector.broadcast %mul3A_139 : f32 to vector<16xf32>
        %mul3A_141 = arith.mulf %mul3A_140, %add3A_135 : vector<16xf32>
        %select_n3A_142 = arith.select %ge3A_138, %add3A_135, %mul3A_141 : vector<16xi1>, vector<16xf32>
        %exp3A_143 = math.exp %select_n3A_142 : vector<16xf32>
        %add3A_144 = arith.constant 16 : i32
        %add3A_145 = arith.addi %mul3A_57, %add3A_144 : i32
        %add3A_146 = vector.broadcast %add3A_145 : i32 to vector<16xi32>
        %add3A_147 = arith.addi %add3A_146, %iota3A : vector<16xi32>
        %ge3A_148 = vector.broadcast %squeeze3A : i32 to vector<16xi32>
        %ge3A_149 = arith.cmpi sge, %add3A_147, %ge3A_148 : vector<16xi32>
        %lt3A_150 = vector.broadcast %squeeze3A_12 : i32 to vector<16xi32>
        %lt3A_151 = arith.cmpi slt, %add3A_147, %lt3A_150 : vector<16xi32>
        %and3A_152 = arith.andi %ge3A_149, %lt3A_151 : vector<16xi1>
        %jit3A_153 = arith.constant 0.000000e+00 : f32
        %broadcast_in_dim3A_154 = vector.broadcast %jit3A_153 : f32 to vector<16xf32>
        %select_n3A_155 = arith.select %and3A_152, %exp3A_143, %broadcast_in_dim3A_154 : vector<16xi1>, vector<16xf32>
        %and3A_156 = arith.constant 127 : i32
        %and3A_157 = vector.broadcast %and3A_156 : i32 to vector<16xi32>
        %and3A_158 = arith.andi %get3A_120, %and3A_157 : vector<16xi32>
        %swap3A_159 = arith.constant 16 : index
        %swap3A_160 = tpu.vector_load %arg17[%swap3A_159] {strides = array<i32>} : memref<64xf32, #tpu.memory_space<vmem>>, vector<16xf32>,
        tpu.vector_store %arg17[%swap3A_159], %select_n3A_155 {strides = array<i32>} : memref<64xf32, #tpu.memory_space<vmem>>, vector<16xf32>,
        %jit3A_161 = arith.constant 10200 : i32
        %broadcast_in_dim3A_162 = vector.broadcast %jit3A_161 : i32 to vector<16xi32>
        %select_n3A_163 = arith.select %and3A_152, %get3A_120, %broadcast_in_dim3A_162 : vector<16xi1>, vector<16xi32>
        %swap3A_164 = arith.constant 16 : index
        %swap3A_165 = tpu.vector_load %arg14[%swap3A_164] {strides = array<i32>} : memref<64xi32, #tpu.memory_space<vmem>>, vector<16xi32>,
        tpu.vector_store %arg14[%swap3A_164], %select_n3A_163 {strides = array<i32>} : memref<64xi32, #tpu.memory_space<vmem>>, vector<16xi32>,
        %shift_right_arithmetic3A_166 = arith.constant 7 : i32
        %shift_right_arithmetic3A_167 = vector.broadcast %shift_right_arithmetic3A_166 : i32 to vector<16xi32>
        %shift_right_arithmetic3A_168 = arith.shrsi %get3A_120, %shift_right_arithmetic3A_167 : vector<16xi32>
        %jit3A_169 = arith.constant 120 : i32
        %broadcast_in_dim3A_170 = vector.broadcast %jit3A_169 : i32 to vector<16xi32>
        %select_n3A_171 = arith.select %and3A_152, %shift_right_arithmetic3A_168, %broadcast_in_dim3A_170 : vector<16xi1>, vector<16xi32>
        %swap3A_172 = arith.constant 16 : index
        %swap3A_173 = tpu.vector_load %arg15[%swap3A_172] {strides = array<i32>} : memref<64xi32, #tpu.memory_space<vmem>>, vector<16xi32>,
        tpu.vector_store %arg15[%swap3A_172], %select_n3A_171 {strides = array<i32>} : memref<64xi32, #tpu.memory_space<vmem>>, vector<16xi32>,
        %swap3A_174 = arith.constant 16 : index
        %swap3A_175 = tpu.vector_load %arg16[%swap3A_174] {strides = array<i32>} : memref<64xi32, #tpu.memory_space<vmem>>, vector<16xi32>,
        tpu.vector_store %arg16[%swap3A_174], %and3A_158 {strides = array<i32>} : memref<64xi32, #tpu.memory_space<vmem>>, vector<16xi32>,
        %mul3A_176 = arith.constant 10240 : i32
        %mul3A_177 = arith.muli %scan3A_7, %mul3A_176 : i32
        %add3A_178 = vector.broadcast %mul3A_177 : i32 to vector<16xi32>
        %add3A_179 = arith.addi %get3A_118, %add3A_178 : vector<16xi32>
        %swap3A_180 = arith.constant 16 : index
        %swap3A_181 = tpu.vector_load %arg12[%swap3A_180] {strides = array<i32>} : memref<64xi32, #tpu.memory_space<vmem>>, vector<16xi32>,
        tpu.vector_store %arg12[%swap3A_180], %add3A_179 {strides = array<i32>} : memref<64xi32, #tpu.memory_space<vmem>>, vector<16xi32>,
        %add3A_182 = arith.constant 16 : i32
        %add3A_183 = vector.broadcast %add3A_182 : i32 to vector<16xi32>
        %add3A_184 = arith.addi %add3A_183, %iota3A : vector<16xi32>
        tpu.vector_store_idx %arg19[%add3A_184, %and3A_158], %select_n3A_155 : memref<64x128xf32, #tpu.memory_space<vmem>>[vector<16xi32>, vector<16xi32>], vector<16xf32>,
        %get3A_185 = arith.constant 32 : index
        %get3A_186 = tpu.vector_load %arg12[%get3A_185] {strides = array<i32>} : memref<64xi32, #tpu.memory_space<vmem>>, vector<16xi32>,
        %get3A_187 = arith.constant 32 : index
        %get3A_188 = tpu.vector_load %arg13[%get3A_187] {strides = array<i32>} : memref<64xi32, #tpu.memory_space<vmem>>, vector<16xi32>,
        %shift_right_arithmetic3A_189 = arith.constant 7 : i32
        %shift_right_arithmetic3A_190 = vector.broadcast %shift_right_arithmetic3A_189 : i32 to vector<16xi32>
        %shift_right_arithmetic3A_191 = arith.shrsi %get3A_186, %shift_right_arithmetic3A_190 : vector<16xi32>
        %and3A_192 = arith.constant 127 : i32
        %and3A_193 = vector.broadcast %and3A_192 : i32 to vector<16xi32>
        %and3A_194 = arith.andi %get3A_186, %and3A_193 : vector<16xi32>
        %gather3A_195 = tpu.vector_load_idx %arg9[%shift_right_arithmetic3A_191, %and3A_194] : memref<80x128xf32, #tpu.memory_space<vmem>>[vector<16xi32>, vector<16xi32>], vector<16xf32>,
        %shift_right_arithmetic3A_196 = arith.constant 7 : i32
        %shift_right_arithmetic3A_197 = vector.broadcast %shift_right_arithmetic3A_196 : i32 to vector<16xi32>
        %shift_right_arithmetic3A_198 = arith.shrsi %get3A_188, %shift_right_arithmetic3A_197 : vector<16xi32>
        %and3A_199 = arith.constant 127 : i32
        %and3A_200 = vector.broadcast %and3A_199 : i32 to vector<16xi32>
        %and3A_201 = arith.andi %get3A_188, %and3A_200 : vector<16xi32>
        %gather3A_202 = tpu.vector_load_idx %arg10[%shift_right_arithmetic3A_198, %and3A_201] : memref<80x128xf32, #tpu.memory_space<vmem>>[vector<16xi32>, vector<16xi32>], vector<16xf32>,
        %add3A_203 = arith.addf %gather3A_195, %gather3A_202 : vector<16xf32>
        %ge3A_204 = arith.constant 0.000000e+00 : f32
        %ge3A_205 = vector.broadcast %ge3A_204 : f32 to vector<16xf32>
        %ge3A_206 = arith.cmpf oge, %add3A_203, %ge3A_205 : vector<16xf32>
        %mul3A_207 = arith.constant 2.000000e-01 : f32
        %mul3A_208 = vector.broadcast %mul3A_207 : f32 to vector<16xf32>
        %mul3A_209 = arith.mulf %mul3A_208, %add3A_203 : vector<16xf32>
        %select_n3A_210 = arith.select %ge3A_206, %add3A_203, %mul3A_209 : vector<16xi1>, vector<16xf32>
        %exp3A_211 = math.exp %select_n3A_210 : vector<16xf32>
        %add3A_212 = arith.constant 32 : i32
        %add3A_213 = arith.addi %mul3A_57, %add3A_212 : i32
        %add3A_214 = vector.broadcast %add3A_213 : i32 to vector<16xi32>
        %add3A_215 = arith.addi %add3A_214, %iota3A : vector<16xi32>
        %ge3A_216 = vector.broadcast %squeeze3A : i32 to vector<16xi32>
        %ge3A_217 = arith.cmpi sge, %add3A_215, %ge3A_216 : vector<16xi32>
        %lt3A_218 = vector.broadcast %squeeze3A_12 : i32 to vector<16xi32>
        %lt3A_219 = arith.cmpi slt, %add3A_215, %lt3A_218 : vector<16xi32>
        %and3A_220 = arith.andi %ge3A_217, %lt3A_219 : vector<16xi1>
        %jit3A_221 = arith.constant 0.000000e+00 : f32
        %broadcast_in_dim3A_222 = vector.broadcast %jit3A_221 : f32 to vector<16xf32>
        %select_n3A_223 = arith.select %and3A_220, %exp3A_211, %broadcast_in_dim3A_222 : vector<16xi1>, vector<16xf32>
        %and3A_224 = arith.constant 127 : i32
        %and3A_225 = vector.broadcast %and3A_224 : i32 to vector<16xi32>
        %and3A_226 = arith.andi %get3A_188, %and3A_225 : vector<16xi32>
        %swap3A_227 = arith.constant 32 : index
        %swap3A_228 = tpu.vector_load %arg17[%swap3A_227] {strides = array<i32>} : memref<64xf32, #tpu.memory_space<vmem>>, vector<16xf32>,
        tpu.vector_store %arg17[%swap3A_227], %select_n3A_223 {strides = array<i32>} : memref<64xf32, #tpu.memory_space<vmem>>, vector<16xf32>,
        %jit3A_229 = arith.constant 10200 : i32
        %broadcast_in_dim3A_230 = vector.broadcast %jit3A_229 : i32 to vector<16xi32>
        %select_n3A_231 = arith.select %and3A_220, %get3A_188, %broadcast_in_dim3A_230 : vector<16xi1>, vector<16xi32>
        %swap3A_232 = arith.constant 32 : index
        %swap3A_233 = tpu.vector_load %arg14[%swap3A_232] {strides = array<i32>} : memref<64xi32, #tpu.memory_space<vmem>>, vector<16xi32>,
        tpu.vector_store %arg14[%swap3A_232], %select_n3A_231 {strides = array<i32>} : memref<64xi32, #tpu.memory_space<vmem>>, vector<16xi32>,
        %shift_right_arithmetic3A_234 = arith.constant 7 : i32
        %shift_right_arithmetic3A_235 = vector.broadcast %shift_right_arithmetic3A_234 : i32 to vector<16xi32>
        %shift_right_arithmetic3A_236 = arith.shrsi %get3A_188, %shift_right_arithmetic3A_235 : vector<16xi32>
        %jit3A_237 = arith.constant 120 : i32
        %broadcast_in_dim3A_238 = vector.broadcast %jit3A_237 : i32 to vector<16xi32>
        %select_n3A_239 = arith.select %and3A_220, %shift_right_arithmetic3A_236, %broadcast_in_dim3A_238 : vector<16xi1>, vector<16xi32>
        %swap3A_240 = arith.constant 32 : index
        %swap3A_241 = tpu.vector_load %arg15[%swap3A_240] {strides = array<i32>} : memref<64xi32, #tpu.memory_space<vmem>>, vector<16xi32>,
        tpu.vector_store %arg15[%swap3A_240], %select_n3A_239 {strides = array<i32>} : memref<64xi32, #tpu.memory_space<vmem>>, vector<16xi32>,
        %swap3A_242 = arith.constant 32 : index
        %swap3A_243 = tpu.vector_load %arg16[%swap3A_242] {strides = array<i32>} : memref<64xi32, #tpu.memory_space<vmem>>, vector<16xi32>,
        tpu.vector_store %arg16[%swap3A_242], %and3A_226 {strides = array<i32>} : memref<64xi32, #tpu.memory_space<vmem>>, vector<16xi32>,
        %mul3A_244 = arith.constant 10240 : i32
        %mul3A_245 = arith.muli %scan3A_7, %mul3A_244 : i32
        %add3A_246 = vector.broadcast %mul3A_245 : i32 to vector<16xi32>
        %add3A_247 = arith.addi %get3A_186, %add3A_246 : vector<16xi32>
        %swap3A_248 = arith.constant 32 : index
        %swap3A_249 = tpu.vector_load %arg12[%swap3A_248] {strides = array<i32>} : memref<64xi32, #tpu.memory_space<vmem>>, vector<16xi32>,
        tpu.vector_store %arg12[%swap3A_248], %add3A_247 {strides = array<i32>} : memref<64xi32, #tpu.memory_space<vmem>>, vector<16xi32>,
        %add3A_250 = arith.constant 32 : i32
        %add3A_251 = vector.broadcast %add3A_250 : i32 to vector<16xi32>
        %add3A_252 = arith.addi %add3A_251, %iota3A : vector<16xi32>
        tpu.vector_store_idx %arg19[%add3A_252, %and3A_226], %select_n3A_223 : memref<64x128xf32, #tpu.memory_space<vmem>>[vector<16xi32>, vector<16xi32>], vector<16xf32>,
        %get3A_253 = arith.constant 48 : index
        %get3A_254 = tpu.vector_load %arg12[%get3A_253] {strides = array<i32>} : memref<64xi32, #tpu.memory_space<vmem>>, vector<16xi32>,
        %get3A_255 = arith.constant 48 : index
        %get3A_256 = tpu.vector_load %arg13[%get3A_255] {strides = array<i32>} : memref<64xi32, #tpu.memory_space<vmem>>, vector<16xi32>,
        %shift_right_arithmetic3A_257 = arith.constant 7 : i32
        %shift_right_arithmetic3A_258 = vector.broadcast %shift_right_arithmetic3A_257 : i32 to vector<16xi32>
        %shift_right_arithmetic3A_259 = arith.shrsi %get3A_254, %shift_right_arithmetic3A_258 : vector<16xi32>
        %and3A_260 = arith.constant 127 : i32
        %and3A_261 = vector.broadcast %and3A_260 : i32 to vector<16xi32>
        %and3A_262 = arith.andi %get3A_254, %and3A_261 : vector<16xi32>
        %gather3A_263 = tpu.vector_load_idx %arg9[%shift_right_arithmetic3A_259, %and3A_262] : memref<80x128xf32, #tpu.memory_space<vmem>>[vector<16xi32>, vector<16xi32>], vector<16xf32>,
        %shift_right_arithmetic3A_264 = arith.constant 7 : i32
        %shift_right_arithmetic3A_265 = vector.broadcast %shift_right_arithmetic3A_264 : i32 to vector<16xi32>
        %shift_right_arithmetic3A_266 = arith.shrsi %get3A_256, %shift_right_arithmetic3A_265 : vector<16xi32>
        %and3A_267 = arith.constant 127 : i32
        %and3A_268 = vector.broadcast %and3A_267 : i32 to vector<16xi32>
        %and3A_269 = arith.andi %get3A_256, %and3A_268 : vector<16xi32>
        %gather3A_270 = tpu.vector_load_idx %arg10[%shift_right_arithmetic3A_266, %and3A_269] : memref<80x128xf32, #tpu.memory_space<vmem>>[vector<16xi32>, vector<16xi32>], vector<16xf32>,
        %add3A_271 = arith.addf %gather3A_263, %gather3A_270 : vector<16xf32>
        %ge3A_272 = arith.constant 0.000000e+00 : f32
        %ge3A_273 = vector.broadcast %ge3A_272 : f32 to vector<16xf32>
        %ge3A_274 = arith.cmpf oge, %add3A_271, %ge3A_273 : vector<16xf32>
        %mul3A_275 = arith.constant 2.000000e-01 : f32
        %mul3A_276 = vector.broadcast %mul3A_275 : f32 to vector<16xf32>
        %mul3A_277 = arith.mulf %mul3A_276, %add3A_271 : vector<16xf32>
        %select_n3A_278 = arith.select %ge3A_274, %add3A_271, %mul3A_277 : vector<16xi1>, vector<16xf32>
        %exp3A_279 = math.exp %select_n3A_278 : vector<16xf32>
        %add3A_280 = arith.constant 48 : i32
        %add3A_281 = arith.addi %mul3A_57, %add3A_280 : i32
        %add3A_282 = vector.broadcast %add3A_281 : i32 to vector<16xi32>
        %add3A_283 = arith.addi %add3A_282, %iota3A : vector<16xi32>
        %ge3A_284 = vector.broadcast %squeeze3A : i32 to vector<16xi32>
        %ge3A_285 = arith.cmpi sge, %add3A_283, %ge3A_284 : vector<16xi32>
        %lt3A_286 = vector.broadcast %squeeze3A_12 : i32 to vector<16xi32>
        %lt3A_287 = arith.cmpi slt, %add3A_283, %lt3A_286 : vector<16xi32>
        %and3A_288 = arith.andi %ge3A_285, %lt3A_287 : vector<16xi1>
        %jit3A_289 = arith.constant 0.000000e+00 : f32
        %broadcast_in_dim3A_290 = vector.broadcast %jit3A_289 : f32 to vector<16xf32>
        %select_n3A_291 = arith.select %and3A_288, %exp3A_279, %broadcast_in_dim3A_290 : vector<16xi1>, vector<16xf32>
        %and3A_292 = arith.constant 127 : i32
        %and3A_293 = vector.broadcast %and3A_292 : i32 to vector<16xi32>
        %and3A_294 = arith.andi %get3A_256, %and3A_293 : vector<16xi32>
        %swap3A_295 = arith.constant 48 : index
        %swap3A_296 = tpu.vector_load %arg17[%swap3A_295] {strides = array<i32>} : memref<64xf32, #tpu.memory_space<vmem>>, vector<16xf32>,
        tpu.vector_store %arg17[%swap3A_295], %select_n3A_291 {strides = array<i32>} : memref<64xf32, #tpu.memory_space<vmem>>, vector<16xf32>,
        %jit3A_297 = arith.constant 10200 : i32
        %broadcast_in_dim3A_298 = vector.broadcast %jit3A_297 : i32 to vector<16xi32>
        %select_n3A_299 = arith.select %and3A_288, %get3A_256, %broadcast_in_dim3A_298 : vector<16xi1>, vector<16xi32>
        %swap3A_300 = arith.constant 48 : index
        %swap3A_301 = tpu.vector_load %arg14[%swap3A_300] {strides = array<i32>} : memref<64xi32, #tpu.memory_space<vmem>>, vector<16xi32>,
        tpu.vector_store %arg14[%swap3A_300], %select_n3A_299 {strides = array<i32>} : memref<64xi32, #tpu.memory_space<vmem>>, vector<16xi32>,
        %shift_right_arithmetic3A_302 = arith.constant 7 : i32
        %shift_right_arithmetic3A_303 = vector.broadcast %shift_right_arithmetic3A_302 : i32 to vector<16xi32>
        %shift_right_arithmetic3A_304 = arith.shrsi %get3A_256, %shift_right_arithmetic3A_303 : vector<16xi32>
        %jit3A_305 = arith.constant 120 : i32
        %broadcast_in_dim3A_306 = vector.broadcast %jit3A_305 : i32 to vector<16xi32>
        %select_n3A_307 = arith.select %and3A_288, %shift_right_arithmetic3A_304, %broadcast_in_dim3A_306 : vector<16xi1>, vector<16xi32>
        %swap3A_308 = arith.constant 48 : index
        %swap3A_309 = tpu.vector_load %arg15[%swap3A_308] {strides = array<i32>} : memref<64xi32, #tpu.memory_space<vmem>>, vector<16xi32>,
        tpu.vector_store %arg15[%swap3A_308], %select_n3A_307 {strides = array<i32>} : memref<64xi32, #tpu.memory_space<vmem>>, vector<16xi32>,
        %swap3A_310 = arith.constant 48 : index
        %swap3A_311 = tpu.vector_load %arg16[%swap3A_310] {strides = array<i32>} : memref<64xi32, #tpu.memory_space<vmem>>, vector<16xi32>,
        tpu.vector_store %arg16[%swap3A_310], %and3A_294 {strides = array<i32>} : memref<64xi32, #tpu.memory_space<vmem>>, vector<16xi32>,
        %mul3A_312 = arith.constant 10240 : i32
        %mul3A_313 = arith.muli %scan3A_7, %mul3A_312 : i32
        %add3A_314 = vector.broadcast %mul3A_313 : i32 to vector<16xi32>
        %add3A_315 = arith.addi %get3A_254, %add3A_314 : vector<16xi32>
        %swap3A_316 = arith.constant 48 : index
        %swap3A_317 = tpu.vector_load %arg12[%swap3A_316] {strides = array<i32>} : memref<64xi32, #tpu.memory_space<vmem>>, vector<16xi32>,
        tpu.vector_store %arg12[%swap3A_316], %add3A_315 {strides = array<i32>} : memref<64xi32, #tpu.memory_space<vmem>>, vector<16xi32>,
        %add3A_318 = arith.constant 48 : i32
        %add3A_319 = vector.broadcast %add3A_318 : i32 to vector<16xi32>
        %add3A_320 = arith.addi %add3A_319, %iota3A : vector<16xi32>
        tpu.vector_store_idx %arg19[%add3A_320, %and3A_294], %select_n3A_291 : memref<64x128xf32, #tpu.memory_space<vmem>>[vector<16xi32>, vector<16xi32>], vector<16xf32>,
        %dma_start3A = arith.constant 0 : i32
        %dma_start3A_321 = arith.constant 0 : i32
        %dma_start3A_322 = tpu.memref_slice %arg2[%dma_start3A, %dma_start3A_321] : memref<395200x128xf32, #tpu.memory_space<hbm>> -> memref<395200x128xf32, #tpu.memory_space<hbm>>
        tpu.enqueue_indirect_dma source(%dma_start3A_322 : memref<395200x128xf32, #tpu.memory_space<hbm>>) target(%arg18 : memref<64x128xf32, #tpu.memory_space<vmem>>) offsets(%arg12 : memref<64xi32, #tpu.memory_space<vmem>>) semaphore(%arg22 : memref<!tpu.dma_semaphore, #tpu.memory_space<semaphore_mem>>)
        %dma_wait3A = arith.constant 0 : i32
        %dma_wait3A_323 = arith.constant 0 : i32
        %dma_wait3A_324 = tpu.memref_slice %arg2[%dma_wait3A, %dma_wait3A_323] : memref<395200x128xf32, #tpu.memory_space<hbm>> -> memref<395200x128xf32, #tpu.memory_space<hbm>>
        tpu.wait_indirect_dma semaphore(%arg22 : memref<!tpu.dma_semaphore, #tpu.memory_space<semaphore_mem>>) src(%dma_wait3A_324 : memref<395200x128xf32, #tpu.memory_space<hbm>>) dst(%arg18 : memref<64x128xf32, #tpu.memory_space<vmem>>)
        %scan3A_325 = arith.constant 0 : i32
        %scan3A_326 = arith.constant 0 : i32
        %scan3A_327 = arith.constant 64 : i32
        %scan3A_328 = arith.addi %scan3A_326, %scan3A_327 : i32
        %scan3A_329 = arith.constant 4 : i32
        %scan3A_330 = scf.for %scan3A_353 = %scan3A_326 to %scan3A_328 step %scan3A_329 iter_args(%scan3A_354 = %scan3A_325) -> (i32)  : i32 {
          %broadcast_in_dim3A_355 = arith.constant 0 : i32
          %broadcast_in_dim3A_356 = vector.broadcast %broadcast_in_dim3A_355 : i32 to vector<16xi32>
          %add3A_357 = vector.broadcast %scan3A_353 : i32 to vector<16xi32>
          %add3A_358 = arith.addi %broadcast_in_dim3A_356, %add3A_357 : vector<16xi32>
          %gather3A_359 = tpu.vector_load_idx %arg17[%add3A_358] : memref<64xf32, #tpu.memory_space<vmem>>[vector<16xi32>], vector<16xf32>,
          %get3A_360 = arith.index_cast %scan3A_353 : i32 to index
          %get3A_361 = arith.constant 0 : index
          %get3A_362 = tpu.vector_load %arg18[%get3A_360, %get3A_361] {strides = array<i32>} : memref<64x128xf32, #tpu.memory_space<vmem>>, vector<16xf32>,
          %mul3A_363 = arith.mulf %get3A_362, %gather3A_359 : vector<16xf32>
          %swap3A_364 = arith.index_cast %scan3A_353 : i32 to index
          %swap3A_365 = arith.constant 0 : index
          %swap3A_366 = tpu.vector_load %arg18[%swap3A_364, %swap3A_365] {strides = array<i32>} : memref<64x128xf32, #tpu.memory_space<vmem>>, vector<16xf32>,
          tpu.vector_store %arg18[%swap3A_364, %swap3A_365], %mul3A_363 {strides = array<i32>} : memref<64x128xf32, #tpu.memory_space<vmem>>, vector<16xf32>,
          %get3A_367 = arith.index_cast %scan3A_353 : i32 to index
          %get3A_368 = arith.constant 16 : index
          %get3A_369 = tpu.vector_load %arg18[%get3A_367, %get3A_368] {strides = array<i32>} : memref<64x128xf32, #tpu.memory_space<vmem>>, vector<16xf32>,
          %mul3A_370 = arith.mulf %get3A_369, %gather3A_359 : vector<16xf32>
          %swap3A_371 = arith.index_cast %scan3A_353 : i32 to index
          %swap3A_372 = arith.constant 16 : index
          %swap3A_373 = tpu.vector_load %arg18[%swap3A_371, %swap3A_372] {strides = array<i32>} : memref<64x128xf32, #tpu.memory_space<vmem>>, vector<16xf32>,
          tpu.vector_store %arg18[%swap3A_371, %swap3A_372], %mul3A_370 {strides = array<i32>} : memref<64x128xf32, #tpu.memory_space<vmem>>, vector<16xf32>,
          %get3A_374 = arith.index_cast %scan3A_353 : i32 to index
          %get3A_375 = arith.constant 32 : index
          %get3A_376 = tpu.vector_load %arg18[%get3A_374, %get3A_375] {strides = array<i32>} : memref<64x128xf32, #tpu.memory_space<vmem>>, vector<16xf32>,
          %mul3A_377 = arith.mulf %get3A_376, %gather3A_359 : vector<16xf32>
          %swap3A_378 = arith.index_cast %scan3A_353 : i32 to index
          %swap3A_379 = arith.constant 32 : index
          %swap3A_380 = tpu.vector_load %arg18[%swap3A_378, %swap3A_379] {strides = array<i32>} : memref<64x128xf32, #tpu.memory_space<vmem>>, vector<16xf32>,
          tpu.vector_store %arg18[%swap3A_378, %swap3A_379], %mul3A_377 {strides = array<i32>} : memref<64x128xf32, #tpu.memory_space<vmem>>, vector<16xf32>,
          %get3A_381 = arith.index_cast %scan3A_353 : i32 to index
          %get3A_382 = arith.constant 48 : index
          %get3A_383 = tpu.vector_load %arg18[%get3A_381, %get3A_382] {strides = array<i32>} : memref<64x128xf32, #tpu.memory_space<vmem>>, vector<16xf32>,
          %mul3A_384 = arith.mulf %get3A_383, %gather3A_359 : vector<16xf32>
          %swap3A_385 = arith.index_cast %scan3A_353 : i32 to index
          %swap3A_386 = arith.constant 48 : index
          %swap3A_387 = tpu.vector_load %arg18[%swap3A_385, %swap3A_386] {strides = array<i32>} : memref<64x128xf32, #tpu.memory_space<vmem>>, vector<16xf32>,
          tpu.vector_store %arg18[%swap3A_385, %swap3A_386], %mul3A_384 {strides = array<i32>} : memref<64x128xf32, #tpu.memory_space<vmem>>, vector<16xf32>,
          %get3A_388 = arith.index_cast %scan3A_353 : i32 to index
          %get3A_389 = arith.constant 64 : index
          %get3A_390 = tpu.vector_load %arg18[%get3A_388, %get3A_389] {strides = array<i32>} : memref<64x128xf32, #tpu.memory_space<vmem>>, vector<16xf32>,
          %mul3A_391 = arith.mulf %get3A_390, %gather3A_359 : vector<16xf32>
          %swap3A_392 = arith.index_cast %scan3A_353 : i32 to index
          %swap3A_393 = arith.constant 64 : index
          %swap3A_394 = tpu.vector_load %arg18[%swap3A_392, %swap3A_393] {strides = array<i32>} : memref<64x128xf32, #tpu.memory_space<vmem>>, vector<16xf32>,
          tpu.vector_store %arg18[%swap3A_392, %swap3A_393], %mul3A_391 {strides = array<i32>} : memref<64x128xf32, #tpu.memory_space<vmem>>, vector<16xf32>,
          %get3A_395 = arith.index_cast %scan3A_353 : i32 to index
          %get3A_396 = arith.constant 80 : index
          %get3A_397 = tpu.vector_load %arg18[%get3A_395, %get3A_396] {strides = array<i32>} : memref<64x128xf32, #tpu.memory_space<vmem>>, vector<16xf32>,
          %mul3A_398 = arith.mulf %get3A_397, %gather3A_359 : vector<16xf32>
          %swap3A_399 = arith.index_cast %scan3A_353 : i32 to index
          %swap3A_400 = arith.constant 80 : index
          %swap3A_401 = tpu.vector_load %arg18[%swap3A_399, %swap3A_400] {strides = array<i32>} : memref<64x128xf32, #tpu.memory_space<vmem>>, vector<16xf32>,
          tpu.vector_store %arg18[%swap3A_399, %swap3A_400], %mul3A_398 {strides = array<i32>} : memref<64x128xf32, #tpu.memory_space<vmem>>, vector<16xf32>,
          %get3A_402 = arith.index_cast %scan3A_353 : i32 to index
          %get3A_403 = arith.constant 96 : index
          %get3A_404 = tpu.vector_load %arg18[%get3A_402, %get3A_403] {strides = array<i32>} : memref<64x128xf32, #tpu.memory_space<vmem>>, vector<16xf32>,
          %mul3A_405 = arith.mulf %get3A_404, %gather3A_359 : vector<16xf32>
          %swap3A_406 = arith.index_cast %scan3A_353 : i32 to index
          %swap3A_407 = arith.constant 96 : index
          %swap3A_408 = tpu.vector_load %arg18[%swap3A_406, %swap3A_407] {strides = array<i32>} : memref<64x128xf32, #tpu.memory_space<vmem>>, vector<16xf32>,
          tpu.vector_store %arg18[%swap3A_406, %swap3A_407], %mul3A_405 {strides = array<i32>} : memref<64x128xf32, #tpu.memory_space<vmem>>, vector<16xf32>,
          %get3A_409 = arith.index_cast %scan3A_353 : i32 to index
          %get3A_410 = arith.constant 112 : index
          %get3A_411 = tpu.vector_load %arg18[%get3A_409, %get3A_410] {strides = array<i32>} : memref<64x128xf32, #tpu.memory_space<vmem>>, vector<16xf32>,
          %mul3A_412 = arith.mulf %get3A_411, %gather3A_359 : vector<16xf32>
          %swap3A_413 = arith.index_cast %scan3A_353 : i32 to index
          %swap3A_414 = arith.constant 112 : index
          %swap3A_415 = tpu.vector_load %arg18[%swap3A_413, %swap3A_414] {strides = array<i32>} : memref<64x128xf32, #tpu.memory_space<vmem>>, vector<16xf32>,
          tpu.vector_store %arg18[%swap3A_413, %swap3A_414], %mul3A_412 {strides = array<i32>} : memref<64x128xf32, #tpu.memory_space<vmem>>, vector<16xf32>,
          %scan3A_416 = arith.constant 0 : i32
          %scan3A_417 = arith.constant 1 : i32
          %scan3A_418 = arith.addi %scan3A_353, %scan3A_417 : i32
          %broadcast_in_dim3A_419 = arith.constant 0 : i32
          %broadcast_in_dim3A_420 = vector.broadcast %broadcast_in_dim3A_419 : i32 to vector<16xi32>
          %add3A_421 = vector.broadcast %scan3A_418 : i32 to vector<16xi32>
          %add3A_422 = arith.addi %broadcast_in_dim3A_420, %add3A_421 : vector<16xi32>
          %gather3A_423 = tpu.vector_load_idx %arg17[%add3A_422] : memref<64xf32, #tpu.memory_space<vmem>>[vector<16xi32>], vector<16xf32>,
          %get3A_424 = arith.index_cast %scan3A_418 : i32 to index
          %get3A_425 = arith.constant 0 : index
          %get3A_426 = tpu.vector_load %arg18[%get3A_424, %get3A_425] {strides = array<i32>} : memref<64x128xf32, #tpu.memory_space<vmem>>, vector<16xf32>,
          %mul3A_427 = arith.mulf %get3A_426, %gather3A_423 : vector<16xf32>
          %swap3A_428 = arith.index_cast %scan3A_418 : i32 to index
          %swap3A_429 = arith.constant 0 : index
          %swap3A_430 = tpu.vector_load %arg18[%swap3A_428, %swap3A_429] {strides = array<i32>} : memref<64x128xf32, #tpu.memory_space<vmem>>, vector<16xf32>,
          tpu.vector_store %arg18[%swap3A_428, %swap3A_429], %mul3A_427 {strides = array<i32>} : memref<64x128xf32, #tpu.memory_space<vmem>>, vector<16xf32>,
          %get3A_431 = arith.index_cast %scan3A_418 : i32 to index
          %get3A_432 = arith.constant 16 : index
          %get3A_433 = tpu.vector_load %arg18[%get3A_431, %get3A_432] {strides = array<i32>} : memref<64x128xf32, #tpu.memory_space<vmem>>, vector<16xf32>,
          %mul3A_434 = arith.mulf %get3A_433, %gather3A_423 : vector<16xf32>
          %swap3A_435 = arith.index_cast %scan3A_418 : i32 to index
          %swap3A_436 = arith.constant 16 : index
          %swap3A_437 = tpu.vector_load %arg18[%swap3A_435, %swap3A_436] {strides = array<i32>} : memref<64x128xf32, #tpu.memory_space<vmem>>, vector<16xf32>,
          tpu.vector_store %arg18[%swap3A_435, %swap3A_436], %mul3A_434 {strides = array<i32>} : memref<64x128xf32, #tpu.memory_space<vmem>>, vector<16xf32>,
          %get3A_438 = arith.index_cast %scan3A_418 : i32 to index
          %get3A_439 = arith.constant 32 : index
          %get3A_440 = tpu.vector_load %arg18[%get3A_438, %get3A_439] {strides = array<i32>} : memref<64x128xf32, #tpu.memory_space<vmem>>, vector<16xf32>,
          %mul3A_441 = arith.mulf %get3A_440, %gather3A_423 : vector<16xf32>
          %swap3A_442 = arith.index_cast %scan3A_418 : i32 to index
          %swap3A_443 = arith.constant 32 : index
          %swap3A_444 = tpu.vector_load %arg18[%swap3A_442, %swap3A_443] {strides = array<i32>} : memref<64x128xf32, #tpu.memory_space<vmem>>, vector<16xf32>,
          tpu.vector_store %arg18[%swap3A_442, %swap3A_443], %mul3A_441 {strides = array<i32>} : memref<64x128xf32, #tpu.memory_space<vmem>>, vector<16xf32>,
          %get3A_445 = arith.index_cast %scan3A_418 : i32 to index
          %get3A_446 = arith.constant 48 : index
          %get3A_447 = tpu.vector_load %arg18[%get3A_445, %get3A_446] {strides = array<i32>} : memref<64x128xf32, #tpu.memory_space<vmem>>, vector<16xf32>,
          %mul3A_448 = arith.mulf %get3A_447, %gather3A_423 : vector<16xf32>
          %swap3A_449 = arith.index_cast %scan3A_418 : i32 to index
          %swap3A_450 = arith.constant 48 : index
          %swap3A_451 = tpu.vector_load %arg18[%swap3A_449, %swap3A_450] {strides = array<i32>} : memref<64x128xf32, #tpu.memory_space<vmem>>, vector<16xf32>,
          tpu.vector_store %arg18[%swap3A_449, %swap3A_450], %mul3A_448 {strides = array<i32>} : memref<64x128xf32, #tpu.memory_space<vmem>>, vector<16xf32>,
          %get3A_452 = arith.index_cast %scan3A_418 : i32 to index
          %get3A_453 = arith.constant 64 : index
          %get3A_454 = tpu.vector_load %arg18[%get3A_452, %get3A_453] {strides = array<i32>} : memref<64x128xf32, #tpu.memory_space<vmem>>, vector<16xf32>,
          %mul3A_455 = arith.mulf %get3A_454, %gather3A_423 : vector<16xf32>
          %swap3A_456 = arith.index_cast %scan3A_418 : i32 to index
          %swap3A_457 = arith.constant 64 : index
          %swap3A_458 = tpu.vector_load %arg18[%swap3A_456, %swap3A_457] {strides = array<i32>} : memref<64x128xf32, #tpu.memory_space<vmem>>, vector<16xf32>,
          tpu.vector_store %arg18[%swap3A_456, %swap3A_457], %mul3A_455 {strides = array<i32>} : memref<64x128xf32, #tpu.memory_space<vmem>>, vector<16xf32>,
          %get3A_459 = arith.index_cast %scan3A_418 : i32 to index
          %get3A_460 = arith.constant 80 : index
          %get3A_461 = tpu.vector_load %arg18[%get3A_459, %get3A_460] {strides = array<i32>} : memref<64x128xf32, #tpu.memory_space<vmem>>, vector<16xf32>,
          %mul3A_462 = arith.mulf %get3A_461, %gather3A_423 : vector<16xf32>
          %swap3A_463 = arith.index_cast %scan3A_418 : i32 to index
          %swap3A_464 = arith.constant 80 : index
          %swap3A_465 = tpu.vector_load %arg18[%swap3A_463, %swap3A_464] {strides = array<i32>} : memref<64x128xf32, #tpu.memory_space<vmem>>, vector<16xf32>,
          tpu.vector_store %arg18[%swap3A_463, %swap3A_464], %mul3A_462 {strides = array<i32>} : memref<64x128xf32, #tpu.memory_space<vmem>>, vector<16xf32>,
          %get3A_466 = arith.index_cast %scan3A_418 : i32 to index
          %get3A_467 = arith.constant 96 : index
          %get3A_468 = tpu.vector_load %arg18[%get3A_466, %get3A_467] {strides = array<i32>} : memref<64x128xf32, #tpu.memory_space<vmem>>, vector<16xf32>,
          %mul3A_469 = arith.mulf %get3A_468, %gather3A_423 : vector<16xf32>
          %swap3A_470 = arith.index_cast %scan3A_418 : i32 to index
          %swap3A_471 = arith.constant 96 : index
          %swap3A_472 = tpu.vector_load %arg18[%swap3A_470, %swap3A_471] {strides = array<i32>} : memref<64x128xf32, #tpu.memory_space<vmem>>, vector<16xf32>,
          tpu.vector_store %arg18[%swap3A_470, %swap3A_471], %mul3A_469 {strides = array<i32>} : memref<64x128xf32, #tpu.memory_space<vmem>>, vector<16xf32>,
          %get3A_473 = arith.index_cast %scan3A_418 : i32 to index
          %get3A_474 = arith.constant 112 : index
          %get3A_475 = tpu.vector_load %arg18[%get3A_473, %get3A_474] {strides = array<i32>} : memref<64x128xf32, #tpu.memory_space<vmem>>, vector<16xf32>,
          %mul3A_476 = arith.mulf %get3A_475, %gather3A_423 : vector<16xf32>
          %swap3A_477 = arith.index_cast %scan3A_418 : i32 to index
          %swap3A_478 = arith.constant 112 : index
          %swap3A_479 = tpu.vector_load %arg18[%swap3A_477, %swap3A_478] {strides = array<i32>} : memref<64x128xf32, #tpu.memory_space<vmem>>, vector<16xf32>,
          tpu.vector_store %arg18[%swap3A_477, %swap3A_478], %mul3A_476 {strides = array<i32>} : memref<64x128xf32, #tpu.memory_space<vmem>>, vector<16xf32>,
          %scan3A_480 = arith.constant 0 : i32
          %scan3A_481 = arith.constant 2 : i32
          %scan3A_482 = arith.addi %scan3A_353, %scan3A_481 : i32
          %broadcast_in_dim3A_483 = arith.constant 0 : i32
          %broadcast_in_dim3A_484 = vector.broadcast %broadcast_in_dim3A_483 : i32 to vector<16xi32>
          %add3A_485 = vector.broadcast %scan3A_482 : i32 to vector<16xi32>
          %add3A_486 = arith.addi %broadcast_in_dim3A_484, %add3A_485 : vector<16xi32>
          %gather3A_487 = tpu.vector_load_idx %arg17[%add3A_486] : memref<64xf32, #tpu.memory_space<vmem>>[vector<16xi32>], vector<16xf32>,
          %get3A_488 = arith.index_cast %scan3A_482 : i32 to index
          %get3A_489 = arith.constant 0 : index
          %get3A_490 = tpu.vector_load %arg18[%get3A_488, %get3A_489] {strides = array<i32>} : memref<64x128xf32, #tpu.memory_space<vmem>>, vector<16xf32>,
          %mul3A_491 = arith.mulf %get3A_490, %gather3A_487 : vector<16xf32>
          %swap3A_492 = arith.index_cast %scan3A_482 : i32 to index
          %swap3A_493 = arith.constant 0 : index
          %swap3A_494 = tpu.vector_load %arg18[%swap3A_492, %swap3A_493] {strides = array<i32>} : memref<64x128xf32, #tpu.memory_space<vmem>>, vector<16xf32>,
          tpu.vector_store %arg18[%swap3A_492, %swap3A_493], %mul3A_491 {strides = array<i32>} : memref<64x128xf32, #tpu.memory_space<vmem>>, vector<16xf32>,
          %get3A_495 = arith.index_cast %scan3A_482 : i32 to index
          %get3A_496 = arith.constant 16 : index
          %get3A_497 = tpu.vector_load %arg18[%get3A_495, %get3A_496] {strides = array<i32>} : memref<64x128xf32, #tpu.memory_space<vmem>>, vector<16xf32>,
          %mul3A_498 = arith.mulf %get3A_497, %gather3A_487 : vector<16xf32>
          %swap3A_499 = arith.index_cast %scan3A_482 : i32 to index
          %swap3A_500 = arith.constant 16 : index
          %swap3A_501 = tpu.vector_load %arg18[%swap3A_499, %swap3A_500] {strides = array<i32>} : memref<64x128xf32, #tpu.memory_space<vmem>>, vector<16xf32>,
          tpu.vector_store %arg18[%swap3A_499, %swap3A_500], %mul3A_498 {strides = array<i32>} : memref<64x128xf32, #tpu.memory_space<vmem>>, vector<16xf32>,
          %get3A_502 = arith.index_cast %scan3A_482 : i32 to index
          %get3A_503 = arith.constant 32 : index
          %get3A_504 = tpu.vector_load %arg18[%get3A_502, %get3A_503] {strides = array<i32>} : memref<64x128xf32, #tpu.memory_space<vmem>>, vector<16xf32>,
          %mul3A_505 = arith.mulf %get3A_504, %gather3A_487 : vector<16xf32>
          %swap3A_506 = arith.index_cast %scan3A_482 : i32 to index
          %swap3A_507 = arith.constant 32 : index
          %swap3A_508 = tpu.vector_load %arg18[%swap3A_506, %swap3A_507] {strides = array<i32>} : memref<64x128xf32, #tpu.memory_space<vmem>>, vector<16xf32>,
          tpu.vector_store %arg18[%swap3A_506, %swap3A_507], %mul3A_505 {strides = array<i32>} : memref<64x128xf32, #tpu.memory_space<vmem>>, vector<16xf32>,
          %get3A_509 = arith.index_cast %scan3A_482 : i32 to index
          %get3A_510 = arith.constant 48 : index
          %get3A_511 = tpu.vector_load %arg18[%get3A_509, %get3A_510] {strides = array<i32>} : memref<64x128xf32, #tpu.memory_space<vmem>>, vector<16xf32>,
          %mul3A_512 = arith.mulf %get3A_511, %gather3A_487 : vector<16xf32>
          %swap3A_513 = arith.index_cast %scan3A_482 : i32 to index
          %swap3A_514 = arith.constant 48 : index
          %swap3A_515 = tpu.vector_load %arg18[%swap3A_513, %swap3A_514] {strides = array<i32>} : memref<64x128xf32, #tpu.memory_space<vmem>>, vector<16xf32>,
          tpu.vector_store %arg18[%swap3A_513, %swap3A_514], %mul3A_512 {strides = array<i32>} : memref<64x128xf32, #tpu.memory_space<vmem>>, vector<16xf32>,
          %get3A_516 = arith.index_cast %scan3A_482 : i32 to index
          %get3A_517 = arith.constant 64 : index
          %get3A_518 = tpu.vector_load %arg18[%get3A_516, %get3A_517] {strides = array<i32>} : memref<64x128xf32, #tpu.memory_space<vmem>>, vector<16xf32>,
          %mul3A_519 = arith.mulf %get3A_518, %gather3A_487 : vector<16xf32>
          %swap3A_520 = arith.index_cast %scan3A_482 : i32 to index
          %swap3A_521 = arith.constant 64 : index
          %swap3A_522 = tpu.vector_load %arg18[%swap3A_520, %swap3A_521] {strides = array<i32>} : memref<64x128xf32, #tpu.memory_space<vmem>>, vector<16xf32>,
          tpu.vector_store %arg18[%swap3A_520, %swap3A_521], %mul3A_519 {strides = array<i32>} : memref<64x128xf32, #tpu.memory_space<vmem>>, vector<16xf32>,
          %get3A_523 = arith.index_cast %scan3A_482 : i32 to index
          %get3A_524 = arith.constant 80 : index
          %get3A_525 = tpu.vector_load %arg18[%get3A_523, %get3A_524] {strides = array<i32>} : memref<64x128xf32, #tpu.memory_space<vmem>>, vector<16xf32>,
          %mul3A_526 = arith.mulf %get3A_525, %gather3A_487 : vector<16xf32>
          %swap3A_527 = arith.index_cast %scan3A_482 : i32 to index
          %swap3A_528 = arith.constant 80 : index
          %swap3A_529 = tpu.vector_load %arg18[%swap3A_527, %swap3A_528] {strides = array<i32>} : memref<64x128xf32, #tpu.memory_space<vmem>>, vector<16xf32>,
          tpu.vector_store %arg18[%swap3A_527, %swap3A_528], %mul3A_526 {strides = array<i32>} : memref<64x128xf32, #tpu.memory_space<vmem>>, vector<16xf32>,
          %get3A_530 = arith.index_cast %scan3A_482 : i32 to index
          %get3A_531 = arith.constant 96 : index
          %get3A_532 = tpu.vector_load %arg18[%get3A_530, %get3A_531] {strides = array<i32>} : memref<64x128xf32, #tpu.memory_space<vmem>>, vector<16xf32>,
          %mul3A_533 = arith.mulf %get3A_532, %gather3A_487 : vector<16xf32>
          %swap3A_534 = arith.index_cast %scan3A_482 : i32 to index
          %swap3A_535 = arith.constant 96 : index
          %swap3A_536 = tpu.vector_load %arg18[%swap3A_534, %swap3A_535] {strides = array<i32>} : memref<64x128xf32, #tpu.memory_space<vmem>>, vector<16xf32>,
          tpu.vector_store %arg18[%swap3A_534, %swap3A_535], %mul3A_533 {strides = array<i32>} : memref<64x128xf32, #tpu.memory_space<vmem>>, vector<16xf32>,
          %get3A_537 = arith.index_cast %scan3A_482 : i32 to index
          %get3A_538 = arith.constant 112 : index
          %get3A_539 = tpu.vector_load %arg18[%get3A_537, %get3A_538] {strides = array<i32>} : memref<64x128xf32, #tpu.memory_space<vmem>>, vector<16xf32>,
          %mul3A_540 = arith.mulf %get3A_539, %gather3A_487 : vector<16xf32>
          %swap3A_541 = arith.index_cast %scan3A_482 : i32 to index
          %swap3A_542 = arith.constant 112 : index
          %swap3A_543 = tpu.vector_load %arg18[%swap3A_541, %swap3A_542] {strides = array<i32>} : memref<64x128xf32, #tpu.memory_space<vmem>>, vector<16xf32>,
          tpu.vector_store %arg18[%swap3A_541, %swap3A_542], %mul3A_540 {strides = array<i32>} : memref<64x128xf32, #tpu.memory_space<vmem>>, vector<16xf32>,
          %scan3A_544 = arith.constant 0 : i32
          %scan3A_545 = arith.constant 3 : i32
          %scan3A_546 = arith.addi %scan3A_353, %scan3A_545 : i32
          %broadcast_in_dim3A_547 = arith.constant 0 : i32
          %broadcast_in_dim3A_548 = vector.broadcast %broadcast_in_dim3A_547 : i32 to vector<16xi32>
          %add3A_549 = vector.broadcast %scan3A_546 : i32 to vector<16xi32>
          %add3A_550 = arith.addi %broadcast_in_dim3A_548, %add3A_549 : vector<16xi32>
          %gather3A_551 = tpu.vector_load_idx %arg17[%add3A_550] : memref<64xf32, #tpu.memory_space<vmem>>[vector<16xi32>], vector<16xf32>,
          %get3A_552 = arith.index_cast %scan3A_546 : i32 to index
          %get3A_553 = arith.constant 0 : index
          %get3A_554 = tpu.vector_load %arg18[%get3A_552, %get3A_553] {strides = array<i32>} : memref<64x128xf32, #tpu.memory_space<vmem>>, vector<16xf32>,
          %mul3A_555 = arith.mulf %get3A_554, %gather3A_551 : vector<16xf32>
          %swap3A_556 = arith.index_cast %scan3A_546 : i32 to index
          %swap3A_557 = arith.constant 0 : index
          %swap3A_558 = tpu.vector_load %arg18[%swap3A_556, %swap3A_557] {strides = array<i32>} : memref<64x128xf32, #tpu.memory_space<vmem>>, vector<16xf32>,
          tpu.vector_store %arg18[%swap3A_556, %swap3A_557], %mul3A_555 {strides = array<i32>} : memref<64x128xf32, #tpu.memory_space<vmem>>, vector<16xf32>,
          %get3A_559 = arith.index_cast %scan3A_546 : i32 to index
          %get3A_560 = arith.constant 16 : index
          %get3A_561 = tpu.vector_load %arg18[%get3A_559, %get3A_560] {strides = array<i32>} : memref<64x128xf32, #tpu.memory_space<vmem>>, vector<16xf32>,
          %mul3A_562 = arith.mulf %get3A_561, %gather3A_551 : vector<16xf32>
          %swap3A_563 = arith.index_cast %scan3A_546 : i32 to index
          %swap3A_564 = arith.constant 16 : index
          %swap3A_565 = tpu.vector_load %arg18[%swap3A_563, %swap3A_564] {strides = array<i32>} : memref<64x128xf32, #tpu.memory_space<vmem>>, vector<16xf32>,
          tpu.vector_store %arg18[%swap3A_563, %swap3A_564], %mul3A_562 {strides = array<i32>} : memref<64x128xf32, #tpu.memory_space<vmem>>, vector<16xf32>,
          %get3A_566 = arith.index_cast %scan3A_546 : i32 to index
          %get3A_567 = arith.constant 32 : index
          %get3A_568 = tpu.vector_load %arg18[%get3A_566, %get3A_567] {strides = array<i32>} : memref<64x128xf32, #tpu.memory_space<vmem>>, vector<16xf32>,
          %mul3A_569 = arith.mulf %get3A_568, %gather3A_551 : vector<16xf32>
          %swap3A_570 = arith.index_cast %scan3A_546 : i32 to index
          %swap3A_571 = arith.constant 32 : index
          %swap3A_572 = tpu.vector_load %arg18[%swap3A_570, %swap3A_571] {strides = array<i32>} : memref<64x128xf32, #tpu.memory_space<vmem>>, vector<16xf32>,
          tpu.vector_store %arg18[%swap3A_570, %swap3A_571], %mul3A_569 {strides = array<i32>} : memref<64x128xf32, #tpu.memory_space<vmem>>, vector<16xf32>,
          %get3A_573 = arith.index_cast %scan3A_546 : i32 to index
          %get3A_574 = arith.constant 48 : index
          %get3A_575 = tpu.vector_load %arg18[%get3A_573, %get3A_574] {strides = array<i32>} : memref<64x128xf32, #tpu.memory_space<vmem>>, vector<16xf32>,
          %mul3A_576 = arith.mulf %get3A_575, %gather3A_551 : vector<16xf32>
          %swap3A_577 = arith.index_cast %scan3A_546 : i32 to index
          %swap3A_578 = arith.constant 48 : index
          %swap3A_579 = tpu.vector_load %arg18[%swap3A_577, %swap3A_578] {strides = array<i32>} : memref<64x128xf32, #tpu.memory_space<vmem>>, vector<16xf32>,
          tpu.vector_store %arg18[%swap3A_577, %swap3A_578], %mul3A_576 {strides = array<i32>} : memref<64x128xf32, #tpu.memory_space<vmem>>, vector<16xf32>,
          %get3A_580 = arith.index_cast %scan3A_546 : i32 to index
          %get3A_581 = arith.constant 64 : index
          %get3A_582 = tpu.vector_load %arg18[%get3A_580, %get3A_581] {strides = array<i32>} : memref<64x128xf32, #tpu.memory_space<vmem>>, vector<16xf32>,
          %mul3A_583 = arith.mulf %get3A_582, %gather3A_551 : vector<16xf32>
          %swap3A_584 = arith.index_cast %scan3A_546 : i32 to index
          %swap3A_585 = arith.constant 64 : index
          %swap3A_586 = tpu.vector_load %arg18[%swap3A_584, %swap3A_585] {strides = array<i32>} : memref<64x128xf32, #tpu.memory_space<vmem>>, vector<16xf32>,
          tpu.vector_store %arg18[%swap3A_584, %swap3A_585], %mul3A_583 {strides = array<i32>} : memref<64x128xf32, #tpu.memory_space<vmem>>, vector<16xf32>,
          %get3A_587 = arith.index_cast %scan3A_546 : i32 to index
          %get3A_588 = arith.constant 80 : index
          %get3A_589 = tpu.vector_load %arg18[%get3A_587, %get3A_588] {strides = array<i32>} : memref<64x128xf32, #tpu.memory_space<vmem>>, vector<16xf32>,
          %mul3A_590 = arith.mulf %get3A_589, %gather3A_551 : vector<16xf32>
          %swap3A_591 = arith.index_cast %scan3A_546 : i32 to index
          %swap3A_592 = arith.constant 80 : index
          %swap3A_593 = tpu.vector_load %arg18[%swap3A_591, %swap3A_592] {strides = array<i32>} : memref<64x128xf32, #tpu.memory_space<vmem>>, vector<16xf32>,
          tpu.vector_store %arg18[%swap3A_591, %swap3A_592], %mul3A_590 {strides = array<i32>} : memref<64x128xf32, #tpu.memory_space<vmem>>, vector<16xf32>,
          %get3A_594 = arith.index_cast %scan3A_546 : i32 to index
          %get3A_595 = arith.constant 96 : index
          %get3A_596 = tpu.vector_load %arg18[%get3A_594, %get3A_595] {strides = array<i32>} : memref<64x128xf32, #tpu.memory_space<vmem>>, vector<16xf32>,
          %mul3A_597 = arith.mulf %get3A_596, %gather3A_551 : vector<16xf32>
          %swap3A_598 = arith.index_cast %scan3A_546 : i32 to index
          %swap3A_599 = arith.constant 96 : index
          %swap3A_600 = tpu.vector_load %arg18[%swap3A_598, %swap3A_599] {strides = array<i32>} : memref<64x128xf32, #tpu.memory_space<vmem>>, vector<16xf32>,
          tpu.vector_store %arg18[%swap3A_598, %swap3A_599], %mul3A_597 {strides = array<i32>} : memref<64x128xf32, #tpu.memory_space<vmem>>, vector<16xf32>,
          %get3A_601 = arith.index_cast %scan3A_546 : i32 to index
          %get3A_602 = arith.constant 112 : index
          %get3A_603 = tpu.vector_load %arg18[%get3A_601, %get3A_602] {strides = array<i32>} : memref<64x128xf32, #tpu.memory_space<vmem>>, vector<16xf32>,
          %mul3A_604 = arith.mulf %get3A_603, %gather3A_551 : vector<16xf32>
          %swap3A_605 = arith.index_cast %scan3A_546 : i32 to index
          %swap3A_606 = arith.constant 112 : index
          %swap3A_607 = tpu.vector_load %arg18[%swap3A_605, %swap3A_606] {strides = array<i32>} : memref<64x128xf32, #tpu.memory_space<vmem>>, vector<16xf32>,
          tpu.vector_store %arg18[%swap3A_605, %swap3A_606], %mul3A_604 {strides = array<i32>} : memref<64x128xf32, #tpu.memory_space<vmem>>, vector<16xf32>,
          %scan3A_608 = arith.constant 0 : i32
          scf.yield %scan3A_608 : i32
        }
        %scan3A_331 = arith.constant 64 : i32
        "tpu.region"() ({
          %run_scoped3A = tpu.sem_alloc : memref<!tpu.dma_semaphore, #tpu.memory_space<semaphore_mem>>
          %dma_start3A_353 = arith.constant 0 : i32
          %dma_start3A_354 = arith.constant 0 : i32
          %dma_start3A_355 = tpu.memref_slice %arg20[%dma_start3A_353, %dma_start3A_354] : memref<10240x128xf32, #tpu.memory_space<vmem_shared>> -> memref<10240x128xf32, #tpu.memory_space<vmem_shared>>
          tpu.enqueue_indirect_dma source(%arg18 : memref<64x128xf32, #tpu.memory_space<vmem>>) target(%dma_start3A_355 : memref<10240x128xf32, #tpu.memory_space<vmem_shared>>) offsets(%arg14 : memref<64xi32, #tpu.memory_space<vmem>>) semaphore(%run_scoped3A : memref<!tpu.dma_semaphore, #tpu.memory_space<semaphore_mem>>) {add = true}
          %dma_wait3A_356 = arith.constant 0 : i32
          %dma_wait3A_357 = arith.constant 0 : i32
          %dma_wait3A_358 = tpu.memref_slice %arg20[%dma_wait3A_356, %dma_wait3A_357] : memref<10240x128xf32, #tpu.memory_space<vmem_shared>> -> memref<10240x128xf32, #tpu.memory_space<vmem_shared>>
          tpu.wait_indirect_dma semaphore(%run_scoped3A : memref<!tpu.dma_semaphore, #tpu.memory_space<semaphore_mem>>) src(%arg18 : memref<64x128xf32, #tpu.memory_space<vmem>>) dst(%dma_wait3A_358 : memref<10240x128xf32, #tpu.memory_space<vmem_shared>>)
          tpu.yield
        }) : () -> ()
        "tpu.region"() ({
          %run_scoped3A = tpu.sem_alloc : memref<!tpu.dma_semaphore, #tpu.memory_space<semaphore_mem>>
          %dma_start3A_353 = arith.constant 0 : i32
          %dma_start3A_354 = arith.constant 0 : i32
          %dma_start3A_355 = tpu.memref_slice %arg21[%dma_start3A_353, %dma_start3A_354] : memref<128x128xf32, #tpu.memory_space<vmem_shared>> -> memref<128x128xf32, #tpu.memory_space<vmem_shared>>
          tpu.enqueue_indirect_dma source(%arg19 : memref<64x128xf32, #tpu.memory_space<vmem>>) target(%dma_start3A_355 : memref<128x128xf32, #tpu.memory_space<vmem_shared>>) offsets(%arg15 : memref<64xi32, #tpu.memory_space<vmem>>) semaphore(%run_scoped3A : memref<!tpu.dma_semaphore, #tpu.memory_space<semaphore_mem>>) {add = true}
          %dma_wait3A_356 = arith.constant 0 : i32
          %dma_wait3A_357 = arith.constant 0 : i32
          %dma_wait3A_358 = tpu.memref_slice %arg21[%dma_wait3A_356, %dma_wait3A_357] : memref<128x128xf32, #tpu.memory_space<vmem_shared>> -> memref<128x128xf32, #tpu.memory_space<vmem_shared>>
          tpu.wait_indirect_dma semaphore(%run_scoped3A : memref<!tpu.dma_semaphore, #tpu.memory_space<semaphore_mem>>) src(%arg19 : memref<64x128xf32, #tpu.memory_space<vmem>>) dst(%dma_wait3A_358 : memref<128x128xf32, #tpu.memory_space<vmem_shared>>)
          tpu.yield
        }) : () -> ()
        %add3A_332 = arith.constant 0 : i32
        %add3A_333 = vector.broadcast %add3A_332 : i32 to vector<16xi32>
        %add3A_334 = arith.addi %add3A_333, %iota3A : vector<16xi32>
        %get3A_335 = arith.constant 0 : index
        %get3A_336 = tpu.vector_load %arg16[%get3A_335] {strides = array<i32>} : memref<64xi32, #tpu.memory_space<vmem>>, vector<16xi32>,
        tpu.vector_store_idx %arg19[%add3A_334, %get3A_336], %broadcast_in_dim3A_0 : memref<64x128xf32, #tpu.memory_space<vmem>>[vector<16xi32>, vector<16xi32>], vector<16xf32>,
        %add3A_337 = arith.constant 16 : i32
        %add3A_338 = vector.broadcast %add3A_337 : i32 to vector<16xi32>
        %add3A_339 = arith.addi %add3A_338, %iota3A : vector<16xi32>
        %get3A_340 = arith.constant 16 : index
        %get3A_341 = tpu.vector_load %arg16[%get3A_340] {strides = array<i32>} : memref<64xi32, #tpu.memory_space<vmem>>, vector<16xi32>,
        tpu.vector_store_idx %arg19[%add3A_339, %get3A_341], %broadcast_in_dim3A_0 : memref<64x128xf32, #tpu.memory_space<vmem>>[vector<16xi32>, vector<16xi32>], vector<16xf32>,
        %add3A_342 = arith.constant 32 : i32
        %add3A_343 = vector.broadcast %add3A_342 : i32 to vector<16xi32>
        %add3A_344 = arith.addi %add3A_343, %iota3A : vector<16xi32>
        %get3A_345 = arith.constant 32 : index
        %get3A_346 = tpu.vector_load %arg16[%get3A_345] {strides = array<i32>} : memref<64xi32, #tpu.memory_space<vmem>>, vector<16xi32>,
        tpu.vector_store_idx %arg19[%add3A_344, %get3A_346], %broadcast_in_dim3A_0 : memref<64x128xf32, #tpu.memory_space<vmem>>[vector<16xi32>, vector<16xi32>], vector<16xf32>,
        %add3A_347 = arith.constant 48 : i32
        %add3A_348 = vector.broadcast %add3A_347 : i32 to vector<16xi32>
        %add3A_349 = arith.addi %add3A_348, %iota3A : vector<16xi32>
        %get3A_350 = arith.constant 48 : index
        %get3A_351 = tpu.vector_load %arg16[%get3A_350] {strides = array<i32>} : memref<64xi32, #tpu.memory_space<vmem>>, vector<16xi32>,
        tpu.vector_store_idx %arg19[%add3A_349, %get3A_351], %broadcast_in_dim3A_0 : memref<64x128xf32, #tpu.memory_space<vmem>>[vector<16xi32>, vector<16xi32>], vector<16xf32>,
        %while3A_352 = arith.constant 0 : i32
        scf.yield %while3A_352 : i32
      }
      %while3A_39 = arith.constant 1 : i32
      %while3A_40 = scf.for %while3A_51 = %while3A_36 to %while3A_32 step %while3A_39 iter_args(%while3A_52 = %while3A_38) -> (i32)  : i32 {
        %mul3A_53 = arith.constant 32 : i32
        %mul3A_54 = arith.muli %mul3A_53, %while3A_51 : i32
        %add3A_55 = arith.addi %squeeze3A_14, %mul3A_54 : i32
        %mul3A_56 = arith.constant 64 : i32
        %mul3A_57 = arith.muli %add3A_55, %mul3A_56 : i32
        "tpu.region"() ({
          %run_scoped3A = tpu.sem_alloc : memref<!tpu.dma_semaphore, #tpu.memory_space<semaphore_mem>>
          %dma_start3A_353 = tpu.memref_slice %arg3[%mul3A_57] : memref<657344xi32, #tpu.memory_space<hbm>> -> memref<64xi32, #tpu.memory_space<hbm>>
          %dma_start3A_354 = tpu.memref_slice %arg3[%mul3A_57] : memref<657344xi32, #tpu.memory_space<hbm>> -> memref<64xi32, #tpu.memory_space<hbm>>
          tpu.enqueue_dma source(%dma_start3A_354 : memref<64xi32, #tpu.memory_space<hbm>>) target(%arg12 : memref<64xi32, #tpu.memory_space<vmem>>) target_semaphore(%run_scoped3A : memref<!tpu.dma_semaphore, #tpu.memory_space<semaphore_mem>>)
          %dma_wait3A_355 = tpu.memref_slice %arg3[%mul3A_57] : memref<657344xi32, #tpu.memory_space<hbm>> -> memref<64xi32, #tpu.memory_space<hbm>>
          %dma_wait3A_356 = tpu.memref_slice %arg3[%mul3A_57] : memref<657344xi32, #tpu.memory_space<hbm>> -> memref<64xi32, #tpu.memory_space<hbm>>
          tpu.wait_dma2 semaphore(%run_scoped3A : memref<!tpu.dma_semaphore, #tpu.memory_space<semaphore_mem>>) src(%dma_wait3A_356 : memref<64xi32, #tpu.memory_space<hbm>>) dst(%arg12 : memref<64xi32, #tpu.memory_space<vmem>>)
          tpu.yield
        }) : () -> ()
        "tpu.region"() ({
          %run_scoped3A = tpu.sem_alloc : memref<!tpu.dma_semaphore, #tpu.memory_space<semaphore_mem>>
          %dma_start3A_353 = tpu.memref_slice %arg4[%mul3A_57] : memref<657344xi32, #tpu.memory_space<hbm>> -> memref<64xi32, #tpu.memory_space<hbm>>
          %dma_start3A_354 = tpu.memref_slice %arg4[%mul3A_57] : memref<657344xi32, #tpu.memory_space<hbm>> -> memref<64xi32, #tpu.memory_space<hbm>>
          tpu.enqueue_dma source(%dma_start3A_354 : memref<64xi32, #tpu.memory_space<hbm>>) target(%arg13 : memref<64xi32, #tpu.memory_space<vmem>>) target_semaphore(%run_scoped3A : memref<!tpu.dma_semaphore, #tpu.memory_space<semaphore_mem>>)
          %dma_wait3A_355 = tpu.memref_slice %arg4[%mul3A_57] : memref<657344xi32, #tpu.memory_space<hbm>> -> memref<64xi32, #tpu.memory_space<hbm>>
          %dma_wait3A_356 = tpu.memref_slice %arg4[%mul3A_57] : memref<657344xi32, #tpu.memory_space<hbm>> -> memref<64xi32, #tpu.memory_space<hbm>>
          tpu.wait_dma2 semaphore(%run_scoped3A : memref<!tpu.dma_semaphore, #tpu.memory_space<semaphore_mem>>) src(%dma_wait3A_356 : memref<64xi32, #tpu.memory_space<hbm>>) dst(%arg13 : memref<64xi32, #tpu.memory_space<vmem>>)
          tpu.yield
        }) : () -> ()
        %get3A_58 = arith.constant 0 : index
        %get3A_59 = tpu.vector_load %arg12[%get3A_58] {strides = array<i32>} : memref<64xi32, #tpu.memory_space<vmem>>, vector<16xi32>,
        %get3A_60 = arith.constant 0 : index
        %get3A_61 = tpu.vector_load %arg13[%get3A_60] {strides = array<i32>} : memref<64xi32, #tpu.memory_space<vmem>>, vector<16xi32>,
        %shift_right_arithmetic3A = arith.constant 7 : i32
        %shift_right_arithmetic3A_62 = vector.broadcast %shift_right_arithmetic3A : i32 to vector<16xi32>
        %shift_right_arithmetic3A_63 = arith.shrsi %get3A_59, %shift_right_arithmetic3A_62 : vector<16xi32>
        %and3A = arith.constant 127 : i32
        %and3A_64 = vector.broadcast %and3A : i32 to vector<16xi32>
        %and3A_65 = arith.andi %get3A_59, %and3A_64 : vector<16xi32>
        %gather3A = tpu.vector_load_idx %arg9[%shift_right_arithmetic3A_63, %and3A_65] : memref<80x128xf32, #tpu.memory_space<vmem>>[vector<16xi32>, vector<16xi32>], vector<16xf32>,
        %shift_right_arithmetic3A_66 = arith.constant 7 : i32
        %shift_right_arithmetic3A_67 = vector.broadcast %shift_right_arithmetic3A_66 : i32 to vector<16xi32>
        %shift_right_arithmetic3A_68 = arith.shrsi %get3A_61, %shift_right_arithmetic3A_67 : vector<16xi32>
        %and3A_69 = arith.constant 127 : i32
        %and3A_70 = vector.broadcast %and3A_69 : i32 to vector<16xi32>
        %and3A_71 = arith.andi %get3A_61, %and3A_70 : vector<16xi32>
        %gather3A_72 = tpu.vector_load_idx %arg10[%shift_right_arithmetic3A_68, %and3A_71] : memref<80x128xf32, #tpu.memory_space<vmem>>[vector<16xi32>, vector<16xi32>], vector<16xf32>,
        %add3A_73 = arith.addf %gather3A, %gather3A_72 : vector<16xf32>
        %ge3A = arith.constant 0.000000e+00 : f32
        %ge3A_74 = vector.broadcast %ge3A : f32 to vector<16xf32>
        %ge3A_75 = arith.cmpf oge, %add3A_73, %ge3A_74 : vector<16xf32>
        %mul3A_76 = arith.constant 2.000000e-01 : f32
        %mul3A_77 = vector.broadcast %mul3A_76 : f32 to vector<16xf32>
        %mul3A_78 = arith.mulf %mul3A_77, %add3A_73 : vector<16xf32>
        %select_n3A = arith.select %ge3A_75, %add3A_73, %mul3A_78 : vector<16xi1>, vector<16xf32>
        %exp3A = math.exp %select_n3A : vector<16xf32>
        %add3A_79 = arith.constant 0 : i32
        %add3A_80 = arith.addi %mul3A_57, %add3A_79 : i32
        %add3A_81 = vector.broadcast %add3A_80 : i32 to vector<16xi32>
        %add3A_82 = arith.addi %add3A_81, %iota3A : vector<16xi32>
        %ge3A_83 = vector.broadcast %squeeze3A : i32 to vector<16xi32>
        %ge3A_84 = arith.cmpi sge, %add3A_82, %ge3A_83 : vector<16xi32>
        %lt3A = vector.broadcast %squeeze3A_12 : i32 to vector<16xi32>
        %lt3A_85 = arith.cmpi slt, %add3A_82, %lt3A : vector<16xi32>
        %and3A_86 = arith.andi %ge3A_84, %lt3A_85 : vector<16xi1>
        %jit3A = arith.constant 0.000000e+00 : f32
        %broadcast_in_dim3A_87 = vector.broadcast %jit3A : f32 to vector<16xf32>
        %select_n3A_88 = arith.select %and3A_86, %exp3A, %broadcast_in_dim3A_87 : vector<16xi1>, vector<16xf32>
        %and3A_89 = arith.constant 127 : i32
        %and3A_90 = vector.broadcast %and3A_89 : i32 to vector<16xi32>
        %and3A_91 = arith.andi %get3A_61, %and3A_90 : vector<16xi32>
        %swap3A = arith.constant 0 : index
        %swap3A_92 = tpu.vector_load %arg17[%swap3A] {strides = array<i32>} : memref<64xf32, #tpu.memory_space<vmem>>, vector<16xf32>,
        tpu.vector_store %arg17[%swap3A], %select_n3A_88 {strides = array<i32>} : memref<64xf32, #tpu.memory_space<vmem>>, vector<16xf32>,
        %jit3A_93 = arith.constant 10200 : i32
        %broadcast_in_dim3A_94 = vector.broadcast %jit3A_93 : i32 to vector<16xi32>
        %select_n3A_95 = arith.select %and3A_86, %get3A_61, %broadcast_in_dim3A_94 : vector<16xi1>, vector<16xi32>
        %swap3A_96 = arith.constant 0 : index
        %swap3A_97 = tpu.vector_load %arg14[%swap3A_96] {strides = array<i32>} : memref<64xi32, #tpu.memory_space<vmem>>, vector<16xi32>,
        tpu.vector_store %arg14[%swap3A_96], %select_n3A_95 {strides = array<i32>} : memref<64xi32, #tpu.memory_space<vmem>>, vector<16xi32>,
        %shift_right_arithmetic3A_98 = arith.constant 7 : i32
        %shift_right_arithmetic3A_99 = vector.broadcast %shift_right_arithmetic3A_98 : i32 to vector<16xi32>
        %shift_right_arithmetic3A_100 = arith.shrsi %get3A_61, %shift_right_arithmetic3A_99 : vector<16xi32>
        %jit3A_101 = arith.constant 120 : i32
        %broadcast_in_dim3A_102 = vector.broadcast %jit3A_101 : i32 to vector<16xi32>
        %select_n3A_103 = arith.select %and3A_86, %shift_right_arithmetic3A_100, %broadcast_in_dim3A_102 : vector<16xi1>, vector<16xi32>
        %swap3A_104 = arith.constant 0 : index
        %swap3A_105 = tpu.vector_load %arg15[%swap3A_104] {strides = array<i32>} : memref<64xi32, #tpu.memory_space<vmem>>, vector<16xi32>,
        tpu.vector_store %arg15[%swap3A_104], %select_n3A_103 {strides = array<i32>} : memref<64xi32, #tpu.memory_space<vmem>>, vector<16xi32>,
        %swap3A_106 = arith.constant 0 : index
        %swap3A_107 = tpu.vector_load %arg16[%swap3A_106] {strides = array<i32>} : memref<64xi32, #tpu.memory_space<vmem>>, vector<16xi32>,
        tpu.vector_store %arg16[%swap3A_106], %and3A_91 {strides = array<i32>} : memref<64xi32, #tpu.memory_space<vmem>>, vector<16xi32>,
        %mul3A_108 = arith.constant 10240 : i32
        %mul3A_109 = arith.muli %scan3A_7, %mul3A_108 : i32
        %add3A_110 = vector.broadcast %mul3A_109 : i32 to vector<16xi32>
        %add3A_111 = arith.addi %get3A_59, %add3A_110 : vector<16xi32>
        %swap3A_112 = arith.constant 0 : index
        %swap3A_113 = tpu.vector_load %arg12[%swap3A_112] {strides = array<i32>} : memref<64xi32, #tpu.memory_space<vmem>>, vector<16xi32>,
        tpu.vector_store %arg12[%swap3A_112], %add3A_111 {strides = array<i32>} : memref<64xi32, #tpu.memory_space<vmem>>, vector<16xi32>,
        %add3A_114 = arith.constant 0 : i32
        %add3A_115 = vector.broadcast %add3A_114 : i32 to vector<16xi32>
        %add3A_116 = arith.addi %add3A_115, %iota3A : vector<16xi32>
        tpu.vector_store_idx %arg19[%add3A_116, %and3A_91], %select_n3A_88 : memref<64x128xf32, #tpu.memory_space<vmem>>[vector<16xi32>, vector<16xi32>], vector<16xf32>,
        %get3A_117 = arith.constant 16 : index
        %get3A_118 = tpu.vector_load %arg12[%get3A_117] {strides = array<i32>} : memref<64xi32, #tpu.memory_space<vmem>>, vector<16xi32>,
        %get3A_119 = arith.constant 16 : index
        %get3A_120 = tpu.vector_load %arg13[%get3A_119] {strides = array<i32>} : memref<64xi32, #tpu.memory_space<vmem>>, vector<16xi32>,
        %shift_right_arithmetic3A_121 = arith.constant 7 : i32
        %shift_right_arithmetic3A_122 = vector.broadcast %shift_right_arithmetic3A_121 : i32 to vector<16xi32>
        %shift_right_arithmetic3A_123 = arith.shrsi %get3A_118, %shift_right_arithmetic3A_122 : vector<16xi32>
        %and3A_124 = arith.constant 127 : i32
        %and3A_125 = vector.broadcast %and3A_124 : i32 to vector<16xi32>
        %and3A_126 = arith.andi %get3A_118, %and3A_125 : vector<16xi32>
        %gather3A_127 = tpu.vector_load_idx %arg9[%shift_right_arithmetic3A_123, %and3A_126] : memref<80x128xf32, #tpu.memory_space<vmem>>[vector<16xi32>, vector<16xi32>], vector<16xf32>,
        %shift_right_arithmetic3A_128 = arith.constant 7 : i32
        %shift_right_arithmetic3A_129 = vector.broadcast %shift_right_arithmetic3A_128 : i32 to vector<16xi32>
        %shift_right_arithmetic3A_130 = arith.shrsi %get3A_120, %shift_right_arithmetic3A_129 : vector<16xi32>
        %and3A_131 = arith.constant 127 : i32
        %and3A_132 = vector.broadcast %and3A_131 : i32 to vector<16xi32>
        %and3A_133 = arith.andi %get3A_120, %and3A_132 : vector<16xi32>
        %gather3A_134 = tpu.vector_load_idx %arg10[%shift_right_arithmetic3A_130, %and3A_133] : memref<80x128xf32, #tpu.memory_space<vmem>>[vector<16xi32>, vector<16xi32>], vector<16xf32>,
        %add3A_135 = arith.addf %gather3A_127, %gather3A_134 : vector<16xf32>
        %ge3A_136 = arith.constant 0.000000e+00 : f32
        %ge3A_137 = vector.broadcast %ge3A_136 : f32 to vector<16xf32>
        %ge3A_138 = arith.cmpf oge, %add3A_135, %ge3A_137 : vector<16xf32>
        %mul3A_139 = arith.constant 2.000000e-01 : f32
        %mul3A_140 = vector.broadcast %mul3A_139 : f32 to vector<16xf32>
        %mul3A_141 = arith.mulf %mul3A_140, %add3A_135 : vector<16xf32>
        %select_n3A_142 = arith.select %ge3A_138, %add3A_135, %mul3A_141 : vector<16xi1>, vector<16xf32>
        %exp3A_143 = math.exp %select_n3A_142 : vector<16xf32>
        %add3A_144 = arith.constant 16 : i32
        %add3A_145 = arith.addi %mul3A_57, %add3A_144 : i32
        %add3A_146 = vector.broadcast %add3A_145 : i32 to vector<16xi32>
        %add3A_147 = arith.addi %add3A_146, %iota3A : vector<16xi32>
        %ge3A_148 = vector.broadcast %squeeze3A : i32 to vector<16xi32>
        %ge3A_149 = arith.cmpi sge, %add3A_147, %ge3A_148 : vector<16xi32>
        %lt3A_150 = vector.broadcast %squeeze3A_12 : i32 to vector<16xi32>
        %lt3A_151 = arith.cmpi slt, %add3A_147, %lt3A_150 : vector<16xi32>
        %and3A_152 = arith.andi %ge3A_149, %lt3A_151 : vector<16xi1>
        %jit3A_153 = arith.constant 0.000000e+00 : f32
        %broadcast_in_dim3A_154 = vector.broadcast %jit3A_153 : f32 to vector<16xf32>
        %select_n3A_155 = arith.select %and3A_152, %exp3A_143, %broadcast_in_dim3A_154 : vector<16xi1>, vector<16xf32>
        %and3A_156 = arith.constant 127 : i32
        %and3A_157 = vector.broadcast %and3A_156 : i32 to vector<16xi32>
        %and3A_158 = arith.andi %get3A_120, %and3A_157 : vector<16xi32>
        %swap3A_159 = arith.constant 16 : index
        %swap3A_160 = tpu.vector_load %arg17[%swap3A_159] {strides = array<i32>} : memref<64xf32, #tpu.memory_space<vmem>>, vector<16xf32>,
        tpu.vector_store %arg17[%swap3A_159], %select_n3A_155 {strides = array<i32>} : memref<64xf32, #tpu.memory_space<vmem>>, vector<16xf32>,
        %jit3A_161 = arith.constant 10200 : i32
        %broadcast_in_dim3A_162 = vector.broadcast %jit3A_161 : i32 to vector<16xi32>
        %select_n3A_163 = arith.select %and3A_152, %get3A_120, %broadcast_in_dim3A_162 : vector<16xi1>, vector<16xi32>
        %swap3A_164 = arith.constant 16 : index
        %swap3A_165 = tpu.vector_load %arg14[%swap3A_164] {strides = array<i32>} : memref<64xi32, #tpu.memory_space<vmem>>, vector<16xi32>,
        tpu.vector_store %arg14[%swap3A_164], %select_n3A_163 {strides = array<i32>} : memref<64xi32, #tpu.memory_space<vmem>>, vector<16xi32>,
        %shift_right_arithmetic3A_166 = arith.constant 7 : i32
        %shift_right_arithmetic3A_167 = vector.broadcast %shift_right_arithmetic3A_166 : i32 to vector<16xi32>
        %shift_right_arithmetic3A_168 = arith.shrsi %get3A_120, %shift_right_arithmetic3A_167 : vector<16xi32>
        %jit3A_169 = arith.constant 120 : i32
        %broadcast_in_dim3A_170 = vector.broadcast %jit3A_169 : i32 to vector<16xi32>
        %select_n3A_171 = arith.select %and3A_152, %shift_right_arithmetic3A_168, %broadcast_in_dim3A_170 : vector<16xi1>, vector<16xi32>
        %swap3A_172 = arith.constant 16 : index
        %swap3A_173 = tpu.vector_load %arg15[%swap3A_172] {strides = array<i32>} : memref<64xi32, #tpu.memory_space<vmem>>, vector<16xi32>,
        tpu.vector_store %arg15[%swap3A_172], %select_n3A_171 {strides = array<i32>} : memref<64xi32, #tpu.memory_space<vmem>>, vector<16xi32>,
        %swap3A_174 = arith.constant 16 : index
        %swap3A_175 = tpu.vector_load %arg16[%swap3A_174] {strides = array<i32>} : memref<64xi32, #tpu.memory_space<vmem>>, vector<16xi32>,
        tpu.vector_store %arg16[%swap3A_174], %and3A_158 {strides = array<i32>} : memref<64xi32, #tpu.memory_space<vmem>>, vector<16xi32>,
        %mul3A_176 = arith.constant 10240 : i32
        %mul3A_177 = arith.muli %scan3A_7, %mul3A_176 : i32
        %add3A_178 = vector.broadcast %mul3A_177 : i32 to vector<16xi32>
        %add3A_179 = arith.addi %get3A_118, %add3A_178 : vector<16xi32>
        %swap3A_180 = arith.constant 16 : index
        %swap3A_181 = tpu.vector_load %arg12[%swap3A_180] {strides = array<i32>} : memref<64xi32, #tpu.memory_space<vmem>>, vector<16xi32>,
        tpu.vector_store %arg12[%swap3A_180], %add3A_179 {strides = array<i32>} : memref<64xi32, #tpu.memory_space<vmem>>, vector<16xi32>,
        %add3A_182 = arith.constant 16 : i32
        %add3A_183 = vector.broadcast %add3A_182 : i32 to vector<16xi32>
        %add3A_184 = arith.addi %add3A_183, %iota3A : vector<16xi32>
        tpu.vector_store_idx %arg19[%add3A_184, %and3A_158], %select_n3A_155 : memref<64x128xf32, #tpu.memory_space<vmem>>[vector<16xi32>, vector<16xi32>], vector<16xf32>,
        %get3A_185 = arith.constant 32 : index
        %get3A_186 = tpu.vector_load %arg12[%get3A_185] {strides = array<i32>} : memref<64xi32, #tpu.memory_space<vmem>>, vector<16xi32>,
        %get3A_187 = arith.constant 32 : index
        %get3A_188 = tpu.vector_load %arg13[%get3A_187] {strides = array<i32>} : memref<64xi32, #tpu.memory_space<vmem>>, vector<16xi32>,
        %shift_right_arithmetic3A_189 = arith.constant 7 : i32
        %shift_right_arithmetic3A_190 = vector.broadcast %shift_right_arithmetic3A_189 : i32 to vector<16xi32>
        %shift_right_arithmetic3A_191 = arith.shrsi %get3A_186, %shift_right_arithmetic3A_190 : vector<16xi32>
        %and3A_192 = arith.constant 127 : i32
        %and3A_193 = vector.broadcast %and3A_192 : i32 to vector<16xi32>
        %and3A_194 = arith.andi %get3A_186, %and3A_193 : vector<16xi32>
        %gather3A_195 = tpu.vector_load_idx %arg9[%shift_right_arithmetic3A_191, %and3A_194] : memref<80x128xf32, #tpu.memory_space<vmem>>[vector<16xi32>, vector<16xi32>], vector<16xf32>,
        %shift_right_arithmetic3A_196 = arith.constant 7 : i32
        %shift_right_arithmetic3A_197 = vector.broadcast %shift_right_arithmetic3A_196 : i32 to vector<16xi32>
        %shift_right_arithmetic3A_198 = arith.shrsi %get3A_188, %shift_right_arithmetic3A_197 : vector<16xi32>
        %and3A_199 = arith.constant 127 : i32
        %and3A_200 = vector.broadcast %and3A_199 : i32 to vector<16xi32>
        %and3A_201 = arith.andi %get3A_188, %and3A_200 : vector<16xi32>
        %gather3A_202 = tpu.vector_load_idx %arg10[%shift_right_arithmetic3A_198, %and3A_201] : memref<80x128xf32, #tpu.memory_space<vmem>>[vector<16xi32>, vector<16xi32>], vector<16xf32>,
        %add3A_203 = arith.addf %gather3A_195, %gather3A_202 : vector<16xf32>
        %ge3A_204 = arith.constant 0.000000e+00 : f32
        %ge3A_205 = vector.broadcast %ge3A_204 : f32 to vector<16xf32>
        %ge3A_206 = arith.cmpf oge, %add3A_203, %ge3A_205 : vector<16xf32>
        %mul3A_207 = arith.constant 2.000000e-01 : f32
        %mul3A_208 = vector.broadcast %mul3A_207 : f32 to vector<16xf32>
        %mul3A_209 = arith.mulf %mul3A_208, %add3A_203 : vector<16xf32>
        %select_n3A_210 = arith.select %ge3A_206, %add3A_203, %mul3A_209 : vector<16xi1>, vector<16xf32>
        %exp3A_211 = math.exp %select_n3A_210 : vector<16xf32>
        %add3A_212 = arith.constant 32 : i32
        %add3A_213 = arith.addi %mul3A_57, %add3A_212 : i32
        %add3A_214 = vector.broadcast %add3A_213 : i32 to vector<16xi32>
        %add3A_215 = arith.addi %add3A_214, %iota3A : vector<16xi32>
        %ge3A_216 = vector.broadcast %squeeze3A : i32 to vector<16xi32>
        %ge3A_217 = arith.cmpi sge, %add3A_215, %ge3A_216 : vector<16xi32>
        %lt3A_218 = vector.broadcast %squeeze3A_12 : i32 to vector<16xi32>
        %lt3A_219 = arith.cmpi slt, %add3A_215, %lt3A_218 : vector<16xi32>
        %and3A_220 = arith.andi %ge3A_217, %lt3A_219 : vector<16xi1>
        %jit3A_221 = arith.constant 0.000000e+00 : f32
        %broadcast_in_dim3A_222 = vector.broadcast %jit3A_221 : f32 to vector<16xf32>
        %select_n3A_223 = arith.select %and3A_220, %exp3A_211, %broadcast_in_dim3A_222 : vector<16xi1>, vector<16xf32>
        %and3A_224 = arith.constant 127 : i32
        %and3A_225 = vector.broadcast %and3A_224 : i32 to vector<16xi32>
        %and3A_226 = arith.andi %get3A_188, %and3A_225 : vector<16xi32>
        %swap3A_227 = arith.constant 32 : index
        %swap3A_228 = tpu.vector_load %arg17[%swap3A_227] {strides = array<i32>} : memref<64xf32, #tpu.memory_space<vmem>>, vector<16xf32>,
        tpu.vector_store %arg17[%swap3A_227], %select_n3A_223 {strides = array<i32>} : memref<64xf32, #tpu.memory_space<vmem>>, vector<16xf32>,
        %jit3A_229 = arith.constant 10200 : i32
        %broadcast_in_dim3A_230 = vector.broadcast %jit3A_229 : i32 to vector<16xi32>
        %select_n3A_231 = arith.select %and3A_220, %get3A_188, %broadcast_in_dim3A_230 : vector<16xi1>, vector<16xi32>
        %swap3A_232 = arith.constant 32 : index
        %swap3A_233 = tpu.vector_load %arg14[%swap3A_232] {strides = array<i32>} : memref<64xi32, #tpu.memory_space<vmem>>, vector<16xi32>,
        tpu.vector_store %arg14[%swap3A_232], %select_n3A_231 {strides = array<i32>} : memref<64xi32, #tpu.memory_space<vmem>>, vector<16xi32>,
        %shift_right_arithmetic3A_234 = arith.constant 7 : i32
        %shift_right_arithmetic3A_235 = vector.broadcast %shift_right_arithmetic3A_234 : i32 to vector<16xi32>
        %shift_right_arithmetic3A_236 = arith.shrsi %get3A_188, %shift_right_arithmetic3A_235 : vector<16xi32>
        %jit3A_237 = arith.constant 120 : i32
        %broadcast_in_dim3A_238 = vector.broadcast %jit3A_237 : i32 to vector<16xi32>
        %select_n3A_239 = arith.select %and3A_220, %shift_right_arithmetic3A_236, %broadcast_in_dim3A_238 : vector<16xi1>, vector<16xi32>
        %swap3A_240 = arith.constant 32 : index
        %swap3A_241 = tpu.vector_load %arg15[%swap3A_240] {strides = array<i32>} : memref<64xi32, #tpu.memory_space<vmem>>, vector<16xi32>,
        tpu.vector_store %arg15[%swap3A_240], %select_n3A_239 {strides = array<i32>} : memref<64xi32, #tpu.memory_space<vmem>>, vector<16xi32>,
        %swap3A_242 = arith.constant 32 : index
        %swap3A_243 = tpu.vector_load %arg16[%swap3A_242] {strides = array<i32>} : memref<64xi32, #tpu.memory_space<vmem>>, vector<16xi32>,
        tpu.vector_store %arg16[%swap3A_242], %and3A_226 {strides = array<i32>} : memref<64xi32, #tpu.memory_space<vmem>>, vector<16xi32>,
        %mul3A_244 = arith.constant 10240 : i32
        %mul3A_245 = arith.muli %scan3A_7, %mul3A_244 : i32
        %add3A_246 = vector.broadcast %mul3A_245 : i32 to vector<16xi32>
        %add3A_247 = arith.addi %get3A_186, %add3A_246 : vector<16xi32>
        %swap3A_248 = arith.constant 32 : index
        %swap3A_249 = tpu.vector_load %arg12[%swap3A_248] {strides = array<i32>} : memref<64xi32, #tpu.memory_space<vmem>>, vector<16xi32>,
        tpu.vector_store %arg12[%swap3A_248], %add3A_247 {strides = array<i32>} : memref<64xi32, #tpu.memory_space<vmem>>, vector<16xi32>,
        %add3A_250 = arith.constant 32 : i32
        %add3A_251 = vector.broadcast %add3A_250 : i32 to vector<16xi32>
        %add3A_252 = arith.addi %add3A_251, %iota3A : vector<16xi32>
        tpu.vector_store_idx %arg19[%add3A_252, %and3A_226], %select_n3A_223 : memref<64x128xf32, #tpu.memory_space<vmem>>[vector<16xi32>, vector<16xi32>], vector<16xf32>,
        %get3A_253 = arith.constant 48 : index
        %get3A_254 = tpu.vector_load %arg12[%get3A_253] {strides = array<i32>} : memref<64xi32, #tpu.memory_space<vmem>>, vector<16xi32>,
        %get3A_255 = arith.constant 48 : index
        %get3A_256 = tpu.vector_load %arg13[%get3A_255] {strides = array<i32>} : memref<64xi32, #tpu.memory_space<vmem>>, vector<16xi32>,
        %shift_right_arithmetic3A_257 = arith.constant 7 : i32
        %shift_right_arithmetic3A_258 = vector.broadcast %shift_right_arithmetic3A_257 : i32 to vector<16xi32>
        %shift_right_arithmetic3A_259 = arith.shrsi %get3A_254, %shift_right_arithmetic3A_258 : vector<16xi32>
        %and3A_260 = arith.constant 127 : i32
        %and3A_261 = vector.broadcast %and3A_260 : i32 to vector<16xi32>
        %and3A_262 = arith.andi %get3A_254, %and3A_261 : vector<16xi32>
        %gather3A_263 = tpu.vector_load_idx %arg9[%shift_right_arithmetic3A_259, %and3A_262] : memref<80x128xf32, #tpu.memory_space<vmem>>[vector<16xi32>, vector<16xi32>], vector<16xf32>,
        %shift_right_arithmetic3A_264 = arith.constant 7 : i32
        %shift_right_arithmetic3A_265 = vector.broadcast %shift_right_arithmetic3A_264 : i32 to vector<16xi32>
        %shift_right_arithmetic3A_266 = arith.shrsi %get3A_256, %shift_right_arithmetic3A_265 : vector<16xi32>
        %and3A_267 = arith.constant 127 : i32
        %and3A_268 = vector.broadcast %and3A_267 : i32 to vector<16xi32>
        %and3A_269 = arith.andi %get3A_256, %and3A_268 : vector<16xi32>
        %gather3A_270 = tpu.vector_load_idx %arg10[%shift_right_arithmetic3A_266, %and3A_269] : memref<80x128xf32, #tpu.memory_space<vmem>>[vector<16xi32>, vector<16xi32>], vector<16xf32>,
        %add3A_271 = arith.addf %gather3A_263, %gather3A_270 : vector<16xf32>
        %ge3A_272 = arith.constant 0.000000e+00 : f32
        %ge3A_273 = vector.broadcast %ge3A_272 : f32 to vector<16xf32>
        %ge3A_274 = arith.cmpf oge, %add3A_271, %ge3A_273 : vector<16xf32>
        %mul3A_275 = arith.constant 2.000000e-01 : f32
        %mul3A_276 = vector.broadcast %mul3A_275 : f32 to vector<16xf32>
        %mul3A_277 = arith.mulf %mul3A_276, %add3A_271 : vector<16xf32>
        %select_n3A_278 = arith.select %ge3A_274, %add3A_271, %mul3A_277 : vector<16xi1>, vector<16xf32>
        %exp3A_279 = math.exp %select_n3A_278 : vector<16xf32>
        %add3A_280 = arith.constant 48 : i32
        %add3A_281 = arith.addi %mul3A_57, %add3A_280 : i32
        %add3A_282 = vector.broadcast %add3A_281 : i32 to vector<16xi32>
        %add3A_283 = arith.addi %add3A_282, %iota3A : vector<16xi32>
        %ge3A_284 = vector.broadcast %squeeze3A : i32 to vector<16xi32>
        %ge3A_285 = arith.cmpi sge, %add3A_283, %ge3A_284 : vector<16xi32>
        %lt3A_286 = vector.broadcast %squeeze3A_12 : i32 to vector<16xi32>
        %lt3A_287 = arith.cmpi slt, %add3A_283, %lt3A_286 : vector<16xi32>
        %and3A_288 = arith.andi %ge3A_285, %lt3A_287 : vector<16xi1>
        %jit3A_289 = arith.constant 0.000000e+00 : f32
        %broadcast_in_dim3A_290 = vector.broadcast %jit3A_289 : f32 to vector<16xf32>
        %select_n3A_291 = arith.select %and3A_288, %exp3A_279, %broadcast_in_dim3A_290 : vector<16xi1>, vector<16xf32>
        %and3A_292 = arith.constant 127 : i32
        %and3A_293 = vector.broadcast %and3A_292 : i32 to vector<16xi32>
        %and3A_294 = arith.andi %get3A_256, %and3A_293 : vector<16xi32>
        %swap3A_295 = arith.constant 48 : index
        %swap3A_296 = tpu.vector_load %arg17[%swap3A_295] {strides = array<i32>} : memref<64xf32, #tpu.memory_space<vmem>>, vector<16xf32>,
        tpu.vector_store %arg17[%swap3A_295], %select_n3A_291 {strides = array<i32>} : memref<64xf32, #tpu.memory_space<vmem>>, vector<16xf32>,
        %jit3A_297 = arith.constant 10200 : i32
        %broadcast_in_dim3A_298 = vector.broadcast %jit3A_297 : i32 to vector<16xi32>
        %select_n3A_299 = arith.select %and3A_288, %get3A_256, %broadcast_in_dim3A_298 : vector<16xi1>, vector<16xi32>
        %swap3A_300 = arith.constant 48 : index
        %swap3A_301 = tpu.vector_load %arg14[%swap3A_300] {strides = array<i32>} : memref<64xi32, #tpu.memory_space<vmem>>, vector<16xi32>,
        tpu.vector_store %arg14[%swap3A_300], %select_n3A_299 {strides = array<i32>} : memref<64xi32, #tpu.memory_space<vmem>>, vector<16xi32>,
        %shift_right_arithmetic3A_302 = arith.constant 7 : i32
        %shift_right_arithmetic3A_303 = vector.broadcast %shift_right_arithmetic3A_302 : i32 to vector<16xi32>
        %shift_right_arithmetic3A_304 = arith.shrsi %get3A_256, %shift_right_arithmetic3A_303 : vector<16xi32>
        %jit3A_305 = arith.constant 120 : i32
        %broadcast_in_dim3A_306 = vector.broadcast %jit3A_305 : i32 to vector<16xi32>
        %select_n3A_307 = arith.select %and3A_288, %shift_right_arithmetic3A_304, %broadcast_in_dim3A_306 : vector<16xi1>, vector<16xi32>
        %swap3A_308 = arith.constant 48 : index
        %swap3A_309 = tpu.vector_load %arg15[%swap3A_308] {strides = array<i32>} : memref<64xi32, #tpu.memory_space<vmem>>, vector<16xi32>,
        tpu.vector_store %arg15[%swap3A_308], %select_n3A_307 {strides = array<i32>} : memref<64xi32, #tpu.memory_space<vmem>>, vector<16xi32>,
        %swap3A_310 = arith.constant 48 : index
        %swap3A_311 = tpu.vector_load %arg16[%swap3A_310] {strides = array<i32>} : memref<64xi32, #tpu.memory_space<vmem>>, vector<16xi32>,
        tpu.vector_store %arg16[%swap3A_310], %and3A_294 {strides = array<i32>} : memref<64xi32, #tpu.memory_space<vmem>>, vector<16xi32>,
        %mul3A_312 = arith.constant 10240 : i32
        %mul3A_313 = arith.muli %scan3A_7, %mul3A_312 : i32
        %add3A_314 = vector.broadcast %mul3A_313 : i32 to vector<16xi32>
        %add3A_315 = arith.addi %get3A_254, %add3A_314 : vector<16xi32>
        %swap3A_316 = arith.constant 48 : index
        %swap3A_317 = tpu.vector_load %arg12[%swap3A_316] {strides = array<i32>} : memref<64xi32, #tpu.memory_space<vmem>>, vector<16xi32>,
        tpu.vector_store %arg12[%swap3A_316], %add3A_315 {strides = array<i32>} : memref<64xi32, #tpu.memory_space<vmem>>, vector<16xi32>,
        %add3A_318 = arith.constant 48 : i32
        %add3A_319 = vector.broadcast %add3A_318 : i32 to vector<16xi32>
        %add3A_320 = arith.addi %add3A_319, %iota3A : vector<16xi32>
        tpu.vector_store_idx %arg19[%add3A_320, %and3A_294], %select_n3A_291 : memref<64x128xf32, #tpu.memory_space<vmem>>[vector<16xi32>, vector<16xi32>], vector<16xf32>,
        %dma_start3A = arith.constant 0 : i32
        %dma_start3A_321 = arith.constant 0 : i32
        %dma_start3A_322 = tpu.memref_slice %arg2[%dma_start3A, %dma_start3A_321] : memref<395200x128xf32, #tpu.memory_space<hbm>> -> memref<395200x128xf32, #tpu.memory_space<hbm>>
        tpu.enqueue_indirect_dma source(%dma_start3A_322 : memref<395200x128xf32, #tpu.memory_space<hbm>>) target(%arg18 : memref<64x128xf32, #tpu.memory_space<vmem>>) offsets(%arg12 : memref<64xi32, #tpu.memory_space<vmem>>) semaphore(%arg22 : memref<!tpu.dma_semaphore, #tpu.memory_space<semaphore_mem>>)
        %dma_wait3A = arith.constant 0 : i32
        %dma_wait3A_323 = arith.constant 0 : i32
        %dma_wait3A_324 = tpu.memref_slice %arg2[%dma_wait3A, %dma_wait3A_323] : memref<395200x128xf32, #tpu.memory_space<hbm>> -> memref<395200x128xf32, #tpu.memory_space<hbm>>
        tpu.wait_indirect_dma semaphore(%arg22 : memref<!tpu.dma_semaphore, #tpu.memory_space<semaphore_mem>>) src(%dma_wait3A_324 : memref<395200x128xf32, #tpu.memory_space<hbm>>) dst(%arg18 : memref<64x128xf32, #tpu.memory_space<vmem>>)
        %scan3A_325 = arith.constant 0 : i32
        %scan3A_326 = arith.constant 0 : i32
        %scan3A_327 = arith.constant 64 : i32
        %scan3A_328 = arith.addi %scan3A_326, %scan3A_327 : i32
        %scan3A_329 = arith.constant 4 : i32
        %scan3A_330 = scf.for %scan3A_353 = %scan3A_326 to %scan3A_328 step %scan3A_329 iter_args(%scan3A_354 = %scan3A_325) -> (i32)  : i32 {
          %broadcast_in_dim3A_355 = arith.constant 0 : i32
          %broadcast_in_dim3A_356 = vector.broadcast %broadcast_in_dim3A_355 : i32 to vector<16xi32>
          %add3A_357 = vector.broadcast %scan3A_353 : i32 to vector<16xi32>
          %add3A_358 = arith.addi %broadcast_in_dim3A_356, %add3A_357 : vector<16xi32>
          %gather3A_359 = tpu.vector_load_idx %arg17[%add3A_358] : memref<64xf32, #tpu.memory_space<vmem>>[vector<16xi32>], vector<16xf32>,
          %get3A_360 = arith.index_cast %scan3A_353 : i32 to index
          %get3A_361 = arith.constant 0 : index
          %get3A_362 = tpu.vector_load %arg18[%get3A_360, %get3A_361] {strides = array<i32>} : memref<64x128xf32, #tpu.memory_space<vmem>>, vector<16xf32>,
          %mul3A_363 = arith.mulf %get3A_362, %gather3A_359 : vector<16xf32>
          %swap3A_364 = arith.index_cast %scan3A_353 : i32 to index
          %swap3A_365 = arith.constant 0 : index
          %swap3A_366 = tpu.vector_load %arg18[%swap3A_364, %swap3A_365] {strides = array<i32>} : memref<64x128xf32, #tpu.memory_space<vmem>>, vector<16xf32>,
          tpu.vector_store %arg18[%swap3A_364, %swap3A_365], %mul3A_363 {strides = array<i32>} : memref<64x128xf32, #tpu.memory_space<vmem>>, vector<16xf32>,
          %get3A_367 = arith.index_cast %scan3A_353 : i32 to index
          %get3A_368 = arith.constant 16 : index
          %get3A_369 = tpu.vector_load %arg18[%get3A_367, %get3A_368] {strides = array<i32>} : memref<64x128xf32, #tpu.memory_space<vmem>>, vector<16xf32>,
          %mul3A_370 = arith.mulf %get3A_369, %gather3A_359 : vector<16xf32>
          %swap3A_371 = arith.index_cast %scan3A_353 : i32 to index
          %swap3A_372 = arith.constant 16 : index
          %swap3A_373 = tpu.vector_load %arg18[%swap3A_371, %swap3A_372] {strides = array<i32>} : memref<64x128xf32, #tpu.memory_space<vmem>>, vector<16xf32>,
          tpu.vector_store %arg18[%swap3A_371, %swap3A_372], %mul3A_370 {strides = array<i32>} : memref<64x128xf32, #tpu.memory_space<vmem>>, vector<16xf32>,
          %get3A_374 = arith.index_cast %scan3A_353 : i32 to index
          %get3A_375 = arith.constant 32 : index
          %get3A_376 = tpu.vector_load %arg18[%get3A_374, %get3A_375] {strides = array<i32>} : memref<64x128xf32, #tpu.memory_space<vmem>>, vector<16xf32>,
          %mul3A_377 = arith.mulf %get3A_376, %gather3A_359 : vector<16xf32>
          %swap3A_378 = arith.index_cast %scan3A_353 : i32 to index
          %swap3A_379 = arith.constant 32 : index
          %swap3A_380 = tpu.vector_load %arg18[%swap3A_378, %swap3A_379] {strides = array<i32>} : memref<64x128xf32, #tpu.memory_space<vmem>>, vector<16xf32>,
          tpu.vector_store %arg18[%swap3A_378, %swap3A_379], %mul3A_377 {strides = array<i32>} : memref<64x128xf32, #tpu.memory_space<vmem>>, vector<16xf32>,
          %get3A_381 = arith.index_cast %scan3A_353 : i32 to index
          %get3A_382 = arith.constant 48 : index
          %get3A_383 = tpu.vector_load %arg18[%get3A_381, %get3A_382] {strides = array<i32>} : memref<64x128xf32, #tpu.memory_space<vmem>>, vector<16xf32>,
          %mul3A_384 = arith.mulf %get3A_383, %gather3A_359 : vector<16xf32>
          %swap3A_385 = arith.index_cast %scan3A_353 : i32 to index
          %swap3A_386 = arith.constant 48 : index
          %swap3A_387 = tpu.vector_load %arg18[%swap3A_385, %swap3A_386] {strides = array<i32>} : memref<64x128xf32, #tpu.memory_space<vmem>>, vector<16xf32>,
          tpu.vector_store %arg18[%swap3A_385, %swap3A_386], %mul3A_384 {strides = array<i32>} : memref<64x128xf32, #tpu.memory_space<vmem>>, vector<16xf32>,
          %get3A_388 = arith.index_cast %scan3A_353 : i32 to index
          %get3A_389 = arith.constant 64 : index
          %get3A_390 = tpu.vector_load %arg18[%get3A_388, %get3A_389] {strides = array<i32>} : memref<64x128xf32, #tpu.memory_space<vmem>>, vector<16xf32>,
          %mul3A_391 = arith.mulf %get3A_390, %gather3A_359 : vector<16xf32>
          %swap3A_392 = arith.index_cast %scan3A_353 : i32 to index
          %swap3A_393 = arith.constant 64 : index
          %swap3A_394 = tpu.vector_load %arg18[%swap3A_392, %swap3A_393] {strides = array<i32>} : memref<64x128xf32, #tpu.memory_space<vmem>>, vector<16xf32>,
          tpu.vector_store %arg18[%swap3A_392, %swap3A_393], %mul3A_391 {strides = array<i32>} : memref<64x128xf32, #tpu.memory_space<vmem>>, vector<16xf32>,
          %get3A_395 = arith.index_cast %scan3A_353 : i32 to index
          %get3A_396 = arith.constant 80 : index
          %get3A_397 = tpu.vector_load %arg18[%get3A_395, %get3A_396] {strides = array<i32>} : memref<64x128xf32, #tpu.memory_space<vmem>>, vector<16xf32>,
          %mul3A_398 = arith.mulf %get3A_397, %gather3A_359 : vector<16xf32>
          %swap3A_399 = arith.index_cast %scan3A_353 : i32 to index
          %swap3A_400 = arith.constant 80 : index
          %swap3A_401 = tpu.vector_load %arg18[%swap3A_399, %swap3A_400] {strides = array<i32>} : memref<64x128xf32, #tpu.memory_space<vmem>>, vector<16xf32>,
          tpu.vector_store %arg18[%swap3A_399, %swap3A_400], %mul3A_398 {strides = array<i32>} : memref<64x128xf32, #tpu.memory_space<vmem>>, vector<16xf32>,
          %get3A_402 = arith.index_cast %scan3A_353 : i32 to index
          %get3A_403 = arith.constant 96 : index
          %get3A_404 = tpu.vector_load %arg18[%get3A_402, %get3A_403] {strides = array<i32>} : memref<64x128xf32, #tpu.memory_space<vmem>>, vector<16xf32>,
          %mul3A_405 = arith.mulf %get3A_404, %gather3A_359 : vector<16xf32>
          %swap3A_406 = arith.index_cast %scan3A_353 : i32 to index
          %swap3A_407 = arith.constant 96 : index
          %swap3A_408 = tpu.vector_load %arg18[%swap3A_406, %swap3A_407] {strides = array<i32>} : memref<64x128xf32, #tpu.memory_space<vmem>>, vector<16xf32>,
          tpu.vector_store %arg18[%swap3A_406, %swap3A_407], %mul3A_405 {strides = array<i32>} : memref<64x128xf32, #tpu.memory_space<vmem>>, vector<16xf32>,
          %get3A_409 = arith.index_cast %scan3A_353 : i32 to index
          %get3A_410 = arith.constant 112 : index
          %get3A_411 = tpu.vector_load %arg18[%get3A_409, %get3A_410] {strides = array<i32>} : memref<64x128xf32, #tpu.memory_space<vmem>>, vector<16xf32>,
          %mul3A_412 = arith.mulf %get3A_411, %gather3A_359 : vector<16xf32>
          %swap3A_413 = arith.index_cast %scan3A_353 : i32 to index
          %swap3A_414 = arith.constant 112 : index
          %swap3A_415 = tpu.vector_load %arg18[%swap3A_413, %swap3A_414] {strides = array<i32>} : memref<64x128xf32, #tpu.memory_space<vmem>>, vector<16xf32>,
          tpu.vector_store %arg18[%swap3A_413, %swap3A_414], %mul3A_412 {strides = array<i32>} : memref<64x128xf32, #tpu.memory_space<vmem>>, vector<16xf32>,
          %scan3A_416 = arith.constant 0 : i32
          %scan3A_417 = arith.constant 1 : i32
          %scan3A_418 = arith.addi %scan3A_353, %scan3A_417 : i32
          %broadcast_in_dim3A_419 = arith.constant 0 : i32
          %broadcast_in_dim3A_420 = vector.broadcast %broadcast_in_dim3A_419 : i32 to vector<16xi32>
          %add3A_421 = vector.broadcast %scan3A_418 : i32 to vector<16xi32>
          %add3A_422 = arith.addi %broadcast_in_dim3A_420, %add3A_421 : vector<16xi32>
          %gather3A_423 = tpu.vector_load_idx %arg17[%add3A_422] : memref<64xf32, #tpu.memory_space<vmem>>[vector<16xi32>], vector<16xf32>,
          %get3A_424 = arith.index_cast %scan3A_418 : i32 to index
          %get3A_425 = arith.constant 0 : index
          %get3A_426 = tpu.vector_load %arg18[%get3A_424, %get3A_425] {strides = array<i32>} : memref<64x128xf32, #tpu.memory_space<vmem>>, vector<16xf32>,
          %mul3A_427 = arith.mulf %get3A_426, %gather3A_423 : vector<16xf32>
          %swap3A_428 = arith.index_cast %scan3A_418 : i32 to index
          %swap3A_429 = arith.constant 0 : index
          %swap3A_430 = tpu.vector_load %arg18[%swap3A_428, %swap3A_429] {strides = array<i32>} : memref<64x128xf32, #tpu.memory_space<vmem>>, vector<16xf32>,
          tpu.vector_store %arg18[%swap3A_428, %swap3A_429], %mul3A_427 {strides = array<i32>} : memref<64x128xf32, #tpu.memory_space<vmem>>, vector<16xf32>,
          %get3A_431 = arith.index_cast %scan3A_418 : i32 to index
          %get3A_432 = arith.constant 16 : index
          %get3A_433 = tpu.vector_load %arg18[%get3A_431, %get3A_432] {strides = array<i32>} : memref<64x128xf32, #tpu.memory_space<vmem>>, vector<16xf32>,
          %mul3A_434 = arith.mulf %get3A_433, %gather3A_423 : vector<16xf32>
          %swap3A_435 = arith.index_cast %scan3A_418 : i32 to index
          %swap3A_436 = arith.constant 16 : index
          %swap3A_437 = tpu.vector_load %arg18[%swap3A_435, %swap3A_436] {strides = array<i32>} : memref<64x128xf32, #tpu.memory_space<vmem>>, vector<16xf32>,
          tpu.vector_store %arg18[%swap3A_435, %swap3A_436], %mul3A_434 {strides = array<i32>} : memref<64x128xf32, #tpu.memory_space<vmem>>, vector<16xf32>,
          %get3A_438 = arith.index_cast %scan3A_418 : i32 to index
          %get3A_439 = arith.constant 32 : index
          %get3A_440 = tpu.vector_load %arg18[%get3A_438, %get3A_439] {strides = array<i32>} : memref<64x128xf32, #tpu.memory_space<vmem>>, vector<16xf32>,
          %mul3A_441 = arith.mulf %get3A_440, %gather3A_423 : vector<16xf32>
          %swap3A_442 = arith.index_cast %scan3A_418 : i32 to index
          %swap3A_443 = arith.constant 32 : index
          %swap3A_444 = tpu.vector_load %arg18[%swap3A_442, %swap3A_443] {strides = array<i32>} : memref<64x128xf32, #tpu.memory_space<vmem>>, vector<16xf32>,
          tpu.vector_store %arg18[%swap3A_442, %swap3A_443], %mul3A_441 {strides = array<i32>} : memref<64x128xf32, #tpu.memory_space<vmem>>, vector<16xf32>,
          %get3A_445 = arith.index_cast %scan3A_418 : i32 to index
          %get3A_446 = arith.constant 48 : index
          %get3A_447 = tpu.vector_load %arg18[%get3A_445, %get3A_446] {strides = array<i32>} : memref<64x128xf32, #tpu.memory_space<vmem>>, vector<16xf32>,
          %mul3A_448 = arith.mulf %get3A_447, %gather3A_423 : vector<16xf32>
          %swap3A_449 = arith.index_cast %scan3A_418 : i32 to index
          %swap3A_450 = arith.constant 48 : index
          %swap3A_451 = tpu.vector_load %arg18[%swap3A_449, %swap3A_450] {strides = array<i32>} : memref<64x128xf32, #tpu.memory_space<vmem>>, vector<16xf32>,
          tpu.vector_store %arg18[%swap3A_449, %swap3A_450], %mul3A_448 {strides = array<i32>} : memref<64x128xf32, #tpu.memory_space<vmem>>, vector<16xf32>,
          %get3A_452 = arith.index_cast %scan3A_418 : i32 to index
          %get3A_453 = arith.constant 64 : index
          %get3A_454 = tpu.vector_load %arg18[%get3A_452, %get3A_453] {strides = array<i32>} : memref<64x128xf32, #tpu.memory_space<vmem>>, vector<16xf32>,
          %mul3A_455 = arith.mulf %get3A_454, %gather3A_423 : vector<16xf32>
          %swap3A_456 = arith.index_cast %scan3A_418 : i32 to index
          %swap3A_457 = arith.constant 64 : index
          %swap3A_458 = tpu.vector_load %arg18[%swap3A_456, %swap3A_457] {strides = array<i32>} : memref<64x128xf32, #tpu.memory_space<vmem>>, vector<16xf32>,
          tpu.vector_store %arg18[%swap3A_456, %swap3A_457], %mul3A_455 {strides = array<i32>} : memref<64x128xf32, #tpu.memory_space<vmem>>, vector<16xf32>,
          %get3A_459 = arith.index_cast %scan3A_418 : i32 to index
          %get3A_460 = arith.constant 80 : index
          %get3A_461 = tpu.vector_load %arg18[%get3A_459, %get3A_460] {strides = array<i32>} : memref<64x128xf32, #tpu.memory_space<vmem>>, vector<16xf32>,
          %mul3A_462 = arith.mulf %get3A_461, %gather3A_423 : vector<16xf32>
          %swap3A_463 = arith.index_cast %scan3A_418 : i32 to index
          %swap3A_464 = arith.constant 80 : index
          %swap3A_465 = tpu.vector_load %arg18[%swap3A_463, %swap3A_464] {strides = array<i32>} : memref<64x128xf32, #tpu.memory_space<vmem>>, vector<16xf32>,
          tpu.vector_store %arg18[%swap3A_463, %swap3A_464], %mul3A_462 {strides = array<i32>} : memref<64x128xf32, #tpu.memory_space<vmem>>, vector<16xf32>,
          %get3A_466 = arith.index_cast %scan3A_418 : i32 to index
          %get3A_467 = arith.constant 96 : index
          %get3A_468 = tpu.vector_load %arg18[%get3A_466, %get3A_467] {strides = array<i32>} : memref<64x128xf32, #tpu.memory_space<vmem>>, vector<16xf32>,
          %mul3A_469 = arith.mulf %get3A_468, %gather3A_423 : vector<16xf32>
          %swap3A_470 = arith.index_cast %scan3A_418 : i32 to index
          %swap3A_471 = arith.constant 96 : index
          %swap3A_472 = tpu.vector_load %arg18[%swap3A_470, %swap3A_471] {strides = array<i32>} : memref<64x128xf32, #tpu.memory_space<vmem>>, vector<16xf32>,
          tpu.vector_store %arg18[%swap3A_470, %swap3A_471], %mul3A_469 {strides = array<i32>} : memref<64x128xf32, #tpu.memory_space<vmem>>, vector<16xf32>,
          %get3A_473 = arith.index_cast %scan3A_418 : i32 to index
          %get3A_474 = arith.constant 112 : index
          %get3A_475 = tpu.vector_load %arg18[%get3A_473, %get3A_474] {strides = array<i32>} : memref<64x128xf32, #tpu.memory_space<vmem>>, vector<16xf32>,
          %mul3A_476 = arith.mulf %get3A_475, %gather3A_423 : vector<16xf32>
          %swap3A_477 = arith.index_cast %scan3A_418 : i32 to index
          %swap3A_478 = arith.constant 112 : index
          %swap3A_479 = tpu.vector_load %arg18[%swap3A_477, %swap3A_478] {strides = array<i32>} : memref<64x128xf32, #tpu.memory_space<vmem>>, vector<16xf32>,
          tpu.vector_store %arg18[%swap3A_477, %swap3A_478], %mul3A_476 {strides = array<i32>} : memref<64x128xf32, #tpu.memory_space<vmem>>, vector<16xf32>,
          %scan3A_480 = arith.constant 0 : i32
          %scan3A_481 = arith.constant 2 : i32
          %scan3A_482 = arith.addi %scan3A_353, %scan3A_481 : i32
          %broadcast_in_dim3A_483 = arith.constant 0 : i32
          %broadcast_in_dim3A_484 = vector.broadcast %broadcast_in_dim3A_483 : i32 to vector<16xi32>
          %add3A_485 = vector.broadcast %scan3A_482 : i32 to vector<16xi32>
          %add3A_486 = arith.addi %broadcast_in_dim3A_484, %add3A_485 : vector<16xi32>
          %gather3A_487 = tpu.vector_load_idx %arg17[%add3A_486] : memref<64xf32, #tpu.memory_space<vmem>>[vector<16xi32>], vector<16xf32>,
          %get3A_488 = arith.index_cast %scan3A_482 : i32 to index
          %get3A_489 = arith.constant 0 : index
          %get3A_490 = tpu.vector_load %arg18[%get3A_488, %get3A_489] {strides = array<i32>} : memref<64x128xf32, #tpu.memory_space<vmem>>, vector<16xf32>,
          %mul3A_491 = arith.mulf %get3A_490, %gather3A_487 : vector<16xf32>
          %swap3A_492 = arith.index_cast %scan3A_482 : i32 to index
          %swap3A_493 = arith.constant 0 : index
          %swap3A_494 = tpu.vector_load %arg18[%swap3A_492, %swap3A_493] {strides = array<i32>} : memref<64x128xf32, #tpu.memory_space<vmem>>, vector<16xf32>,
          tpu.vector_store %arg18[%swap3A_492, %swap3A_493], %mul3A_491 {strides = array<i32>} : memref<64x128xf32, #tpu.memory_space<vmem>>, vector<16xf32>,
          %get3A_495 = arith.index_cast %scan3A_482 : i32 to index
          %get3A_496 = arith.constant 16 : index
          %get3A_497 = tpu.vector_load %arg18[%get3A_495, %get3A_496] {strides = array<i32>} : memref<64x128xf32, #tpu.memory_space<vmem>>, vector<16xf32>,
          %mul3A_498 = arith.mulf %get3A_497, %gather3A_487 : vector<16xf32>
          %swap3A_499 = arith.index_cast %scan3A_482 : i32 to index
          %swap3A_500 = arith.constant 16 : index
          %swap3A_501 = tpu.vector_load %arg18[%swap3A_499, %swap3A_500] {strides = array<i32>} : memref<64x128xf32, #tpu.memory_space<vmem>>, vector<16xf32>,
          tpu.vector_store %arg18[%swap3A_499, %swap3A_500], %mul3A_498 {strides = array<i32>} : memref<64x128xf32, #tpu.memory_space<vmem>>, vector<16xf32>,
          %get3A_502 = arith.index_cast %scan3A_482 : i32 to index
          %get3A_503 = arith.constant 32 : index
          %get3A_504 = tpu.vector_load %arg18[%get3A_502, %get3A_503] {strides = array<i32>} : memref<64x128xf32, #tpu.memory_space<vmem>>, vector<16xf32>,
          %mul3A_505 = arith.mulf %get3A_504, %gather3A_487 : vector<16xf32>
          %swap3A_506 = arith.index_cast %scan3A_482 : i32 to index
          %swap3A_507 = arith.constant 32 : index
          %swap3A_508 = tpu.vector_load %arg18[%swap3A_506, %swap3A_507] {strides = array<i32>} : memref<64x128xf32, #tpu.memory_space<vmem>>, vector<16xf32>,
          tpu.vector_store %arg18[%swap3A_506, %swap3A_507], %mul3A_505 {strides = array<i32>} : memref<64x128xf32, #tpu.memory_space<vmem>>, vector<16xf32>,
          %get3A_509 = arith.index_cast %scan3A_482 : i32 to index
          %get3A_510 = arith.constant 48 : index
          %get3A_511 = tpu.vector_load %arg18[%get3A_509, %get3A_510] {strides = array<i32>} : memref<64x128xf32, #tpu.memory_space<vmem>>, vector<16xf32>,
          %mul3A_512 = arith.mulf %get3A_511, %gather3A_487 : vector<16xf32>
          %swap3A_513 = arith.index_cast %scan3A_482 : i32 to index
          %swap3A_514 = arith.constant 48 : index
          %swap3A_515 = tpu.vector_load %arg18[%swap3A_513, %swap3A_514] {strides = array<i32>} : memref<64x128xf32, #tpu.memory_space<vmem>>, vector<16xf32>,
          tpu.vector_store %arg18[%swap3A_513, %swap3A_514], %mul3A_512 {strides = array<i32>} : memref<64x128xf32, #tpu.memory_space<vmem>>, vector<16xf32>,
          %get3A_516 = arith.index_cast %scan3A_482 : i32 to index
          %get3A_517 = arith.constant 64 : index
          %get3A_518 = tpu.vector_load %arg18[%get3A_516, %get3A_517] {strides = array<i32>} : memref<64x128xf32, #tpu.memory_space<vmem>>, vector<16xf32>,
          %mul3A_519 = arith.mulf %get3A_518, %gather3A_487 : vector<16xf32>
          %swap3A_520 = arith.index_cast %scan3A_482 : i32 to index
          %swap3A_521 = arith.constant 64 : index
          %swap3A_522 = tpu.vector_load %arg18[%swap3A_520, %swap3A_521] {strides = array<i32>} : memref<64x128xf32, #tpu.memory_space<vmem>>, vector<16xf32>,
          tpu.vector_store %arg18[%swap3A_520, %swap3A_521], %mul3A_519 {strides = array<i32>} : memref<64x128xf32, #tpu.memory_space<vmem>>, vector<16xf32>,
          %get3A_523 = arith.index_cast %scan3A_482 : i32 to index
          %get3A_524 = arith.constant 80 : index
          %get3A_525 = tpu.vector_load %arg18[%get3A_523, %get3A_524] {strides = array<i32>} : memref<64x128xf32, #tpu.memory_space<vmem>>, vector<16xf32>,
          %mul3A_526 = arith.mulf %get3A_525, %gather3A_487 : vector<16xf32>
          %swap3A_527 = arith.index_cast %scan3A_482 : i32 to index
          %swap3A_528 = arith.constant 80 : index
          %swap3A_529 = tpu.vector_load %arg18[%swap3A_527, %swap3A_528] {strides = array<i32>} : memref<64x128xf32, #tpu.memory_space<vmem>>, vector<16xf32>,
          tpu.vector_store %arg18[%swap3A_527, %swap3A_528], %mul3A_526 {strides = array<i32>} : memref<64x128xf32, #tpu.memory_space<vmem>>, vector<16xf32>,
          %get3A_530 = arith.index_cast %scan3A_482 : i32 to index
          %get3A_531 = arith.constant 96 : index
          %get3A_532 = tpu.vector_load %arg18[%get3A_530, %get3A_531] {strides = array<i32>} : memref<64x128xf32, #tpu.memory_space<vmem>>, vector<16xf32>,
          %mul3A_533 = arith.mulf %get3A_532, %gather3A_487 : vector<16xf32>
          %swap3A_534 = arith.index_cast %scan3A_482 : i32 to index
          %swap3A_535 = arith.constant 96 : index
          %swap3A_536 = tpu.vector_load %arg18[%swap3A_534, %swap3A_535] {strides = array<i32>} : memref<64x128xf32, #tpu.memory_space<vmem>>, vector<16xf32>,
          tpu.vector_store %arg18[%swap3A_534, %swap3A_535], %mul3A_533 {strides = array<i32>} : memref<64x128xf32, #tpu.memory_space<vmem>>, vector<16xf32>,
          %get3A_537 = arith.index_cast %scan3A_482 : i32 to index
          %get3A_538 = arith.constant 112 : index
          %get3A_539 = tpu.vector_load %arg18[%get3A_537, %get3A_538] {strides = array<i32>} : memref<64x128xf32, #tpu.memory_space<vmem>>, vector<16xf32>,
          %mul3A_540 = arith.mulf %get3A_539, %gather3A_487 : vector<16xf32>
          %swap3A_541 = arith.index_cast %scan3A_482 : i32 to index
          %swap3A_542 = arith.constant 112 : index
          %swap3A_543 = tpu.vector_load %arg18[%swap3A_541, %swap3A_542] {strides = array<i32>} : memref<64x128xf32, #tpu.memory_space<vmem>>, vector<16xf32>,
          tpu.vector_store %arg18[%swap3A_541, %swap3A_542], %mul3A_540 {strides = array<i32>} : memref<64x128xf32, #tpu.memory_space<vmem>>, vector<16xf32>,
          %scan3A_544 = arith.constant 0 : i32
          %scan3A_545 = arith.constant 3 : i32
          %scan3A_546 = arith.addi %scan3A_353, %scan3A_545 : i32
          %broadcast_in_dim3A_547 = arith.constant 0 : i32
          %broadcast_in_dim3A_548 = vector.broadcast %broadcast_in_dim3A_547 : i32 to vector<16xi32>
          %add3A_549 = vector.broadcast %scan3A_546 : i32 to vector<16xi32>
          %add3A_550 = arith.addi %broadcast_in_dim3A_548, %add3A_549 : vector<16xi32>
          %gather3A_551 = tpu.vector_load_idx %arg17[%add3A_550] : memref<64xf32, #tpu.memory_space<vmem>>[vector<16xi32>], vector<16xf32>,
          %get3A_552 = arith.index_cast %scan3A_546 : i32 to index
          %get3A_553 = arith.constant 0 : index
          %get3A_554 = tpu.vector_load %arg18[%get3A_552, %get3A_553] {strides = array<i32>} : memref<64x128xf32, #tpu.memory_space<vmem>>, vector<16xf32>,
          %mul3A_555 = arith.mulf %get3A_554, %gather3A_551 : vector<16xf32>
          %swap3A_556 = arith.index_cast %scan3A_546 : i32 to index
          %swap3A_557 = arith.constant 0 : index
          %swap3A_558 = tpu.vector_load %arg18[%swap3A_556, %swap3A_557] {strides = array<i32>} : memref<64x128xf32, #tpu.memory_space<vmem>>, vector<16xf32>,
          tpu.vector_store %arg18[%swap3A_556, %swap3A_557], %mul3A_555 {strides = array<i32>} : memref<64x128xf32, #tpu.memory_space<vmem>>, vector<16xf32>,
          %get3A_559 = arith.index_cast %scan3A_546 : i32 to index
          %get3A_560 = arith.constant 16 : index
          %get3A_561 = tpu.vector_load %arg18[%get3A_559, %get3A_560] {strides = array<i32>} : memref<64x128xf32, #tpu.memory_space<vmem>>, vector<16xf32>,
          %mul3A_562 = arith.mulf %get3A_561, %gather3A_551 : vector<16xf32>
          %swap3A_563 = arith.index_cast %scan3A_546 : i32 to index
          %swap3A_564 = arith.constant 16 : index
          %swap3A_565 = tpu.vector_load %arg18[%swap3A_563, %swap3A_564] {strides = array<i32>} : memref<64x128xf32, #tpu.memory_space<vmem>>, vector<16xf32>,
          tpu.vector_store %arg18[%swap3A_563, %swap3A_564], %mul3A_562 {strides = array<i32>} : memref<64x128xf32, #tpu.memory_space<vmem>>, vector<16xf32>,
          %get3A_566 = arith.index_cast %scan3A_546 : i32 to index
          %get3A_567 = arith.constant 32 : index
          %get3A_568 = tpu.vector_load %arg18[%get3A_566, %get3A_567] {strides = array<i32>} : memref<64x128xf32, #tpu.memory_space<vmem>>, vector<16xf32>,
          %mul3A_569 = arith.mulf %get3A_568, %gather3A_551 : vector<16xf32>
          %swap3A_570 = arith.index_cast %scan3A_546 : i32 to index
          %swap3A_571 = arith.constant 32 : index
          %swap3A_572 = tpu.vector_load %arg18[%swap3A_570, %swap3A_571] {strides = array<i32>} : memref<64x128xf32, #tpu.memory_space<vmem>>, vector<16xf32>,
          tpu.vector_store %arg18[%swap3A_570, %swap3A_571], %mul3A_569 {strides = array<i32>} : memref<64x128xf32, #tpu.memory_space<vmem>>, vector<16xf32>,
          %get3A_573 = arith.index_cast %scan3A_546 : i32 to index
          %get3A_574 = arith.constant 48 : index
          %get3A_575 = tpu.vector_load %arg18[%get3A_573, %get3A_574] {strides = array<i32>} : memref<64x128xf32, #tpu.memory_space<vmem>>, vector<16xf32>,
          %mul3A_576 = arith.mulf %get3A_575, %gather3A_551 : vector<16xf32>
          %swap3A_577 = arith.index_cast %scan3A_546 : i32 to index
          %swap3A_578 = arith.constant 48 : index
          %swap3A_579 = tpu.vector_load %arg18[%swap3A_577, %swap3A_578] {strides = array<i32>} : memref<64x128xf32, #tpu.memory_space<vmem>>, vector<16xf32>,
          tpu.vector_store %arg18[%swap3A_577, %swap3A_578], %mul3A_576 {strides = array<i32>} : memref<64x128xf32, #tpu.memory_space<vmem>>, vector<16xf32>,
          %get3A_580 = arith.index_cast %scan3A_546 : i32 to index
          %get3A_581 = arith.constant 64 : index
          %get3A_582 = tpu.vector_load %arg18[%get3A_580, %get3A_581] {strides = array<i32>} : memref<64x128xf32, #tpu.memory_space<vmem>>, vector<16xf32>,
          %mul3A_583 = arith.mulf %get3A_582, %gather3A_551 : vector<16xf32>
          %swap3A_584 = arith.index_cast %scan3A_546 : i32 to index
          %swap3A_585 = arith.constant 64 : index
          %swap3A_586 = tpu.vector_load %arg18[%swap3A_584, %swap3A_585] {strides = array<i32>} : memref<64x128xf32, #tpu.memory_space<vmem>>, vector<16xf32>,
          tpu.vector_store %arg18[%swap3A_584, %swap3A_585], %mul3A_583 {strides = array<i32>} : memref<64x128xf32, #tpu.memory_space<vmem>>, vector<16xf32>,
          %get3A_587 = arith.index_cast %scan3A_546 : i32 to index
          %get3A_588 = arith.constant 80 : index
          %get3A_589 = tpu.vector_load %arg18[%get3A_587, %get3A_588] {strides = array<i32>} : memref<64x128xf32, #tpu.memory_space<vmem>>, vector<16xf32>,
          %mul3A_590 = arith.mulf %get3A_589, %gather3A_551 : vector<16xf32>
          %swap3A_591 = arith.index_cast %scan3A_546 : i32 to index
          %swap3A_592 = arith.constant 80 : index
          %swap3A_593 = tpu.vector_load %arg18[%swap3A_591, %swap3A_592] {strides = array<i32>} : memref<64x128xf32, #tpu.memory_space<vmem>>, vector<16xf32>,
          tpu.vector_store %arg18[%swap3A_591, %swap3A_592], %mul3A_590 {strides = array<i32>} : memref<64x128xf32, #tpu.memory_space<vmem>>, vector<16xf32>,
          %get3A_594 = arith.index_cast %scan3A_546 : i32 to index
          %get3A_595 = arith.constant 96 : index
          %get3A_596 = tpu.vector_load %arg18[%get3A_594, %get3A_595] {strides = array<i32>} : memref<64x128xf32, #tpu.memory_space<vmem>>, vector<16xf32>,
          %mul3A_597 = arith.mulf %get3A_596, %gather3A_551 : vector<16xf32>
          %swap3A_598 = arith.index_cast %scan3A_546 : i32 to index
          %swap3A_599 = arith.constant 96 : index
          %swap3A_600 = tpu.vector_load %arg18[%swap3A_598, %swap3A_599] {strides = array<i32>} : memref<64x128xf32, #tpu.memory_space<vmem>>, vector<16xf32>,
          tpu.vector_store %arg18[%swap3A_598, %swap3A_599], %mul3A_597 {strides = array<i32>} : memref<64x128xf32, #tpu.memory_space<vmem>>, vector<16xf32>,
          %get3A_601 = arith.index_cast %scan3A_546 : i32 to index
          %get3A_602 = arith.constant 112 : index
          %get3A_603 = tpu.vector_load %arg18[%get3A_601, %get3A_602] {strides = array<i32>} : memref<64x128xf32, #tpu.memory_space<vmem>>, vector<16xf32>,
          %mul3A_604 = arith.mulf %get3A_603, %gather3A_551 : vector<16xf32>
          %swap3A_605 = arith.index_cast %scan3A_546 : i32 to index
          %swap3A_606 = arith.constant 112 : index
          %swap3A_607 = tpu.vector_load %arg18[%swap3A_605, %swap3A_606] {strides = array<i32>} : memref<64x128xf32, #tpu.memory_space<vmem>>, vector<16xf32>,
          tpu.vector_store %arg18[%swap3A_605, %swap3A_606], %mul3A_604 {strides = array<i32>} : memref<64x128xf32, #tpu.memory_space<vmem>>, vector<16xf32>,
          %scan3A_608 = arith.constant 0 : i32
          scf.yield %scan3A_608 : i32
        }
        %scan3A_331 = arith.constant 64 : i32
        "tpu.region"() ({
          %run_scoped3A = tpu.sem_alloc : memref<!tpu.dma_semaphore, #tpu.memory_space<semaphore_mem>>
          %dma_start3A_353 = arith.constant 0 : i32
          %dma_start3A_354 = arith.constant 0 : i32
          %dma_start3A_355 = tpu.memref_slice %arg20[%dma_start3A_353, %dma_start3A_354] : memref<10240x128xf32, #tpu.memory_space<vmem_shared>> -> memref<10240x128xf32, #tpu.memory_space<vmem_shared>>
          tpu.enqueue_indirect_dma source(%arg18 : memref<64x128xf32, #tpu.memory_space<vmem>>) target(%dma_start3A_355 : memref<10240x128xf32, #tpu.memory_space<vmem_shared>>) offsets(%arg14 : memref<64xi32, #tpu.memory_space<vmem>>) semaphore(%run_scoped3A : memref<!tpu.dma_semaphore, #tpu.memory_space<semaphore_mem>>) {add = true}
          %dma_wait3A_356 = arith.constant 0 : i32
          %dma_wait3A_357 = arith.constant 0 : i32
          %dma_wait3A_358 = tpu.memref_slice %arg20[%dma_wait3A_356, %dma_wait3A_357] : memref<10240x128xf32, #tpu.memory_space<vmem_shared>> -> memref<10240x128xf32, #tpu.memory_space<vmem_shared>>
          tpu.wait_indirect_dma semaphore(%run_scoped3A : memref<!tpu.dma_semaphore, #tpu.memory_space<semaphore_mem>>) src(%arg18 : memref<64x128xf32, #tpu.memory_space<vmem>>) dst(%dma_wait3A_358 : memref<10240x128xf32, #tpu.memory_space<vmem_shared>>)
          tpu.yield
        }) : () -> ()
        "tpu.region"() ({
          %run_scoped3A = tpu.sem_alloc : memref<!tpu.dma_semaphore, #tpu.memory_space<semaphore_mem>>
          %dma_start3A_353 = arith.constant 0 : i32
          %dma_start3A_354 = arith.constant 0 : i32
          %dma_start3A_355 = tpu.memref_slice %arg21[%dma_start3A_353, %dma_start3A_354] : memref<128x128xf32, #tpu.memory_space<vmem_shared>> -> memref<128x128xf32, #tpu.memory_space<vmem_shared>>
          tpu.enqueue_indirect_dma source(%arg19 : memref<64x128xf32, #tpu.memory_space<vmem>>) target(%dma_start3A_355 : memref<128x128xf32, #tpu.memory_space<vmem_shared>>) offsets(%arg15 : memref<64xi32, #tpu.memory_space<vmem>>) semaphore(%run_scoped3A : memref<!tpu.dma_semaphore, #tpu.memory_space<semaphore_mem>>) {add = true}
          %dma_wait3A_356 = arith.constant 0 : i32
          %dma_wait3A_357 = arith.constant 0 : i32
          %dma_wait3A_358 = tpu.memref_slice %arg21[%dma_wait3A_356, %dma_wait3A_357] : memref<128x128xf32, #tpu.memory_space<vmem_shared>> -> memref<128x128xf32, #tpu.memory_space<vmem_shared>>
          tpu.wait_indirect_dma semaphore(%run_scoped3A : memref<!tpu.dma_semaphore, #tpu.memory_space<semaphore_mem>>) src(%arg19 : memref<64x128xf32, #tpu.memory_space<vmem>>) dst(%dma_wait3A_358 : memref<128x128xf32, #tpu.memory_space<vmem_shared>>)
          tpu.yield
        }) : () -> ()
        %add3A_332 = arith.constant 0 : i32
        %add3A_333 = vector.broadcast %add3A_332 : i32 to vector<16xi32>
        %add3A_334 = arith.addi %add3A_333, %iota3A : vector<16xi32>
        %get3A_335 = arith.constant 0 : index
        %get3A_336 = tpu.vector_load %arg16[%get3A_335] {strides = array<i32>} : memref<64xi32, #tpu.memory_space<vmem>>, vector<16xi32>,
        tpu.vector_store_idx %arg19[%add3A_334, %get3A_336], %broadcast_in_dim3A_0 : memref<64x128xf32, #tpu.memory_space<vmem>>[vector<16xi32>, vector<16xi32>], vector<16xf32>,
        %add3A_337 = arith.constant 16 : i32
        %add3A_338 = vector.broadcast %add3A_337 : i32 to vector<16xi32>
        %add3A_339 = arith.addi %add3A_338, %iota3A : vector<16xi32>
        %get3A_340 = arith.constant 16 : index
        %get3A_341 = tpu.vector_load %arg16[%get3A_340] {strides = array<i32>} : memref<64xi32, #tpu.memory_space<vmem>>, vector<16xi32>,
        tpu.vector_store_idx %arg19[%add3A_339, %get3A_341], %broadcast_in_dim3A_0 : memref<64x128xf32, #tpu.memory_space<vmem>>[vector<16xi32>, vector<16xi32>], vector<16xf32>,
        %add3A_342 = arith.constant 32 : i32
        %add3A_343 = vector.broadcast %add3A_342 : i32 to vector<16xi32>
        %add3A_344 = arith.addi %add3A_343, %iota3A : vector<16xi32>
        %get3A_345 = arith.constant 32 : index
        %get3A_346 = tpu.vector_load %arg16[%get3A_345] {strides = array<i32>} : memref<64xi32, #tpu.memory_space<vmem>>, vector<16xi32>,
        tpu.vector_store_idx %arg19[%add3A_344, %get3A_346], %broadcast_in_dim3A_0 : memref<64x128xf32, #tpu.memory_space<vmem>>[vector<16xi32>, vector<16xi32>], vector<16xf32>,
        %add3A_347 = arith.constant 48 : i32
        %add3A_348 = vector.broadcast %add3A_347 : i32 to vector<16xi32>
        %add3A_349 = arith.addi %add3A_348, %iota3A : vector<16xi32>
        %get3A_350 = arith.constant 48 : index
        %get3A_351 = tpu.vector_load %arg16[%get3A_350] {strides = array<i32>} : memref<64xi32, #tpu.memory_space<vmem>>, vector<16xi32>,
        tpu.vector_store_idx %arg19[%add3A_349, %get3A_351], %broadcast_in_dim3A_0 : memref<64x128xf32, #tpu.memory_space<vmem>>[vector<16xi32>, vector<16xi32>], vector<16xf32>,
        %while3A_352 = arith.constant 0 : i32
        scf.yield %while3A_352 : i32
      }
      %barrier3A_41 = arith.constant 0 : index
      tpu.barrier barrier_id(%barrier3A_41)
      %mul3A_42 = arith.constant 640 : i32
      %mul3A_43 = arith.muli %arg1, %mul3A_42 : i32
      %mul3A_44 = arith.constant 640 : i32
      %mul3A_45 = arith.muli %arg1, %mul3A_44 : i32
      "tpu.region"() ({
        %run_scoped3A = tpu.sem_alloc : memref<!tpu.dma_semaphore, #tpu.memory_space<semaphore_mem>>
        %dma_start3A = arith.constant 0 : i32
        %dma_start3A_51 = tpu.memref_slice %arg7[%arg0, %scan3A_7, %mul3A_45, %dma_start3A] : memref<2x38x10240x128xf32, #tpu.memory_space<hbm>> -> memref<1x1x640x128xf32, #tpu.memory_space<hbm>>
        %dma_start3A_52 = tpu.memref_squeeze %dma_start3A_51 : memref<1x1x640x128xf32, #tpu.memory_space<hbm>> -> memref<640x128xf32, #tpu.memory_space<hbm>>
        %dma_start3A_53 = arith.constant 0 : i32
        %dma_start3A_54 = tpu.memref_slice %arg20[%mul3A_43, %dma_start3A_53] : memref<10240x128xf32, #tpu.memory_space<vmem_shared>> -> memref<640x128xf32, #tpu.memory_space<vmem_shared>>
        tpu.enqueue_dma source(%dma_start3A_54 : memref<640x128xf32, #tpu.memory_space<vmem_shared>>) target(%dma_start3A_52 : memref<640x128xf32, #tpu.memory_space<hbm>>) target_semaphore(%run_scoped3A : memref<!tpu.dma_semaphore, #tpu.memory_space<semaphore_mem>>)
        %dma_wait3A = arith.constant 0 : i32
        %dma_wait3A_55 = tpu.memref_slice %arg7[%arg0, %scan3A_7, %mul3A_45, %dma_wait3A] : memref<2x38x10240x128xf32, #tpu.memory_space<hbm>> -> memref<1x1x640x128xf32, #tpu.memory_space<hbm>>
        %dma_wait3A_56 = tpu.memref_squeeze %dma_wait3A_55 : memref<1x1x640x128xf32, #tpu.memory_space<hbm>> -> memref<640x128xf32, #tpu.memory_space<hbm>>
        %dma_wait3A_57 = arith.constant 0 : i32
        %dma_wait3A_58 = tpu.memref_slice %arg20[%mul3A_43, %dma_wait3A_57] : memref<10240x128xf32, #tpu.memory_space<vmem_shared>> -> memref<640x128xf32, #tpu.memory_space<vmem_shared>>
        tpu.wait_dma2 semaphore(%run_scoped3A : memref<!tpu.dma_semaphore, #tpu.memory_space<semaphore_mem>>) src(%dma_wait3A_58 : memref<640x128xf32, #tpu.memory_space<vmem_shared>>) dst(%dma_wait3A_56 : memref<640x128xf32, #tpu.memory_space<hbm>>)
        tpu.yield
      }) : () -> ()
      %mul3A_46 = arith.constant 8 : i32
      %mul3A_47 = arith.muli %arg1, %mul3A_46 : i32
      %mul3A_48 = arith.constant 8 : i32
      %mul3A_49 = arith.muli %arg1, %mul3A_48 : i32
      "tpu.region"() ({
        %run_scoped3A = tpu.sem_alloc : memref<!tpu.dma_semaphore, #tpu.memory_space<semaphore_mem>>
        %dma_start3A = arith.constant 0 : i32
        %dma_start3A_51 = tpu.memref_slice %arg8[%arg0, %scan3A_7, %mul3A_49, %dma_start3A] : memref<2x38x128x128xf32, #tpu.memory_space<hbm>> -> memref<1x1x8x128xf32, #tpu.memory_space<hbm>>
        %dma_start3A_52 = tpu.memref_squeeze %dma_start3A_51 : memref<1x1x8x128xf32, #tpu.memory_space<hbm>> -> memref<8x128xf32, #tpu.memory_space<hbm>>
        %dma_start3A_53 = arith.constant 0 : i32
        %dma_start3A_54 = tpu.memref_slice %arg21[%mul3A_47, %dma_start3A_53] : memref<128x128xf32, #tpu.memory_space<vmem_shared>> -> memref<8x128xf32, #tpu.memory_space<vmem_shared>>
        tpu.enqueue_dma source(%dma_start3A_54 : memref<8x128xf32, #tpu.memory_space<vmem_shared>>) target(%dma_start3A_52 : memref<8x128xf32, #tpu.memory_space<hbm>>) target_semaphore(%run_scoped3A : memref<!tpu.dma_semaphore, #tpu.memory_space<semaphore_mem>>)
        %dma_wait3A = arith.constant 0 : i32
        %dma_wait3A_55 = tpu.memref_slice %arg8[%arg0, %scan3A_7, %mul3A_49, %dma_wait3A] : memref<2x38x128x128xf32, #tpu.memory_space<hbm>> -> memref<1x1x8x128xf32, #tpu.memory_space<hbm>>
        %dma_wait3A_56 = tpu.memref_squeeze %dma_wait3A_55 : memref<1x1x8x128xf32, #tpu.memory_space<hbm>> -> memref<8x128xf32, #tpu.memory_space<hbm>>
        %dma_wait3A_57 = arith.constant 0 : i32
        %dma_wait3A_58 = tpu.memref_slice %arg21[%mul3A_47, %dma_wait3A_57] : memref<128x128xf32, #tpu.memory_space<vmem_shared>> -> memref<8x128xf32, #tpu.memory_space<vmem_shared>>
        tpu.wait_dma2 semaphore(%run_scoped3A : memref<!tpu.dma_semaphore, #tpu.memory_space<semaphore_mem>>) src(%dma_wait3A_58 : memref<8x128xf32, #tpu.memory_space<vmem_shared>>) dst(%dma_wait3A_56 : memref<8x128xf32, #tpu.memory_space<hbm>>)
        tpu.yield
      }) : () -> ()
      %scan3A_50 = arith.constant 0 : i32
      scf.yield %scan3A_50 : i32
    }
    %scan3A_6 = arith.constant 38 : i32
    return
  }
}

module attributes {stable_mosaic.version = 14 : i64} {
  func.func @_tc1_body(%arg0: i32, %arg1: i32, %arg2: memref<2048x128xf32, #tpu.memory_space<vmem>>, %arg3: memref<1x128x128xf32, #tpu.memory_space<vmem>>, %arg4: memref<1x1x128xf32, #tpu.memory_space<vmem>>, %arg5: memref<1x1x128xf32, #tpu.memory_space<vmem>>, %arg6: memref<1x2048x128xf32, #tpu.memory_space<vmem>>, %arg7: memref<1x1x2048xf32, #tpu.memory_space<vmem>>, %arg8: memref<1x1x2048xf32, #tpu.memory_space<vmem>>) attributes {dimension_semantics = [#tpu.dimension_semantics<parallel>, #tpu.dimension_semantics<arbitrary>], iteration_bounds = array<i64: 5, 38>, scalar_prefetch = 0 : i64, scratch_operands = 0 : i64, tpu.core_type = #tpu.core_type<tc>, window_params = [{transform_indices = @transform_0, window_bounds = array<i64: 2048, 128>}, {transform_indices = @transform_1, window_bounds = array<i64: 1, 128, 128>}, {transform_indices = @transform_2, window_bounds = array<i64: 1, 1, 128>}, {transform_indices = @transform_3, window_bounds = array<i64: 1, 1, 128>}, {transform_indices = @transform_4, window_bounds = array<i64: 1, 2048, 128>}, {transform_indices = @transform_5, window_bounds = array<i64: 1, 1, 2048>}, {transform_indices = @transform_6, window_bounds = array<i64: 1, 1, 2048>}]} {
    %get3A = arith.constant 0 : index
    %get3A_0 = arith.constant 0 : index
    %get3A_1 = vector.load %arg2[%get3A, %get3A_0] : memref<2048x128xf32, #tpu.memory_space<vmem>>, vector<2048x128xf32>
    %get3A_2 = arith.constant 0 : index
    %get3A_3 = arith.constant 0 : index
    %get3A_4 = arith.constant 0 : index
    %get3A_5 = vector.load %arg3[%get3A_2, %get3A_3, %get3A_4] : memref<1x128x128xf32, #tpu.memory_space<vmem>>, vector<1x128x128xf32>
    %get3A_6 = vector.shape_cast %get3A_5 : vector<1x128x128xf32> to vector<128x128xf32>
    %dot_general3A = arith.constant dense<0.000000e+00> : vector<2048x128xf32>
    %dot_general3A_7 = tpu.matmul %get3A_1, %get3A_6, %dot_general3A {dimension_numbers = #tpu.dot_dimension_numbers<[1], [0], [0], [1], [0, 0, 1, 1], [], []>, transpose_lhs_hint = false} : vector<2048x128xf32>, vector<128x128xf32>, vector<2048x128xf32> -> vector<2048x128xf32>
    %swap3A = arith.constant 0 : index
    %swap3A_8 = arith.constant 0 : index
    %swap3A_9 = arith.constant 0 : index
    %swap3A_10 = vector.load %arg6[%swap3A, %swap3A_8, %swap3A_9] : memref<1x2048x128xf32, #tpu.memory_space<vmem>>, vector<1x2048x128xf32>
    %swap3A_11 = vector.shape_cast %swap3A_10 : vector<1x2048x128xf32> to vector<2048x128xf32>
    %swap3A_12 = vector.shape_cast %dot_general3A_7 : vector<2048x128xf32> to vector<1x2048x128xf32>
    tpu.vector_store %arg6[%swap3A, %swap3A_8, %swap3A_9], %swap3A_12 {strides = array<i32>} : memref<1x2048x128xf32, #tpu.memory_space<vmem>>, vector<1x2048x128xf32>,
    %get3A_13 = arith.constant 0 : index
    %get3A_14 = arith.constant 0 : index
    %get3A_15 = arith.constant 0 : index
    %get3A_16 = vector.load %arg4[%get3A_13, %get3A_14, %get3A_15] : memref<1x1x128xf32, #tpu.memory_space<vmem>>, vector<1x1x128xf32>
    %get3A_17 = vector.shape_cast %get3A_16 : vector<1x1x128xf32> to vector<1x128xf32>
    %dot_general3A_18 = arith.constant dense<0.000000e+00> : vector<1x2048xf32>
    %dot_general3A_19 = tpu.matmul %get3A_17, %dot_general3A_7, %dot_general3A_18 {dimension_numbers = #tpu.dot_dimension_numbers<[1], [1], [0], [0], [0, 0, 1, 0], [], []>, transpose_lhs_hint = false} : vector<1x128xf32>, vector<2048x128xf32>, vector<1x2048xf32> -> vector<1x2048xf32>
    %swap3A_20 = arith.constant 0 : index
    %swap3A_21 = arith.constant 0 : index
    %swap3A_22 = arith.constant 0 : index
    %swap3A_23 = vector.load %arg7[%swap3A_20, %swap3A_21, %swap3A_22] : memref<1x1x2048xf32, #tpu.memory_space<vmem>>, vector<1x1x2048xf32>
    %swap3A_24 = vector.shape_cast %swap3A_23 : vector<1x1x2048xf32> to vector<1x2048xf32>
    %swap3A_25 = vector.shape_cast %dot_general3A_19 : vector<1x2048xf32> to vector<1x1x2048xf32>
    tpu.vector_store %arg7[%swap3A_20, %swap3A_21, %swap3A_22], %swap3A_25 {strides = array<i32>} : memref<1x1x2048xf32, #tpu.memory_space<vmem>>, vector<1x1x2048xf32>,
    %get3A_26 = arith.constant 0 : index
    %get3A_27 = arith.constant 0 : index
    %get3A_28 = arith.constant 0 : index
    %get3A_29 = vector.load %arg5[%get3A_26, %get3A_27, %get3A_28] : memref<1x1x128xf32, #tpu.memory_space<vmem>>, vector<1x1x128xf32>
    %get3A_30 = vector.shape_cast %get3A_29 : vector<1x1x128xf32> to vector<1x128xf32>
    %dot_general3A_31 = arith.constant dense<0.000000e+00> : vector<1x2048xf32>
    %dot_general3A_32 = tpu.matmul %get3A_30, %dot_general3A_7, %dot_general3A_31 {dimension_numbers = #tpu.dot_dimension_numbers<[1], [1], [0], [0], [0, 0, 1, 0], [], []>, transpose_lhs_hint = false} : vector<1x128xf32>, vector<2048x128xf32>, vector<1x2048xf32> -> vector<1x2048xf32>
    %swap3A_33 = arith.constant 0 : index
    %swap3A_34 = arith.constant 0 : index
    %swap3A_35 = arith.constant 0 : index
    %swap3A_36 = vector.load %arg8[%swap3A_33, %swap3A_34, %swap3A_35] : memref<1x1x2048xf32, #tpu.memory_space<vmem>>, vector<1x1x2048xf32>
    %swap3A_37 = vector.shape_cast %swap3A_36 : vector<1x1x2048xf32> to vector<1x2048xf32>
    %swap3A_38 = vector.shape_cast %dot_general3A_32 : vector<1x2048xf32> to vector<1x1x2048xf32>
    tpu.vector_store %arg8[%swap3A_33, %swap3A_34, %swap3A_35], %swap3A_38 {strides = array<i32>} : memref<1x1x2048xf32, #tpu.memory_space<vmem>>, vector<1x1x2048xf32>,
    return
  }
  func.func @transform_0(%arg0: i32, %arg1: i32) -> (i32, i32) {
    %c0_i32 = arith.constant 0 : i32
    %c0_i32_0 = arith.constant 0 : i32
    return %arg0, %c0_i32 : i32, i32
  }
  func.func @transform_1(%arg0: i32, %arg1: i32) -> (i32, i32, i32) {
    %c0_i32 = arith.constant 0 : i32
    %c0_i32_0 = arith.constant 0 : i32
    %c0_i32_1 = arith.constant 0 : i32
    return %arg1, %c0_i32, %c0_i32_0 : i32, i32, i32
  }
  func.func @transform_2(%arg0: i32, %arg1: i32) -> (i32, i32, i32) {
    %c0_i32 = arith.constant 0 : i32
    %c0_i32_0 = arith.constant 0 : i32
    %c0_i32_1 = arith.constant 0 : i32
    return %arg1, %c0_i32, %c0_i32_0 : i32, i32, i32
  }
  func.func @transform_3(%arg0: i32, %arg1: i32) -> (i32, i32, i32) {
    %c0_i32 = arith.constant 0 : i32
    %c0_i32_0 = arith.constant 0 : i32
    %c0_i32_1 = arith.constant 0 : i32
    return %arg1, %c0_i32, %c0_i32_0 : i32, i32, i32
  }
  func.func @transform_4(%arg0: i32, %arg1: i32) -> (i32, i32, i32) {
    %c0_i32 = arith.constant 0 : i32
    %c0_i32_0 = arith.constant 0 : i32
    return %arg1, %arg0, %c0_i32 : i32, i32, i32
  }
  func.func @transform_5(%arg0: i32, %arg1: i32) -> (i32, i32, i32) {
    %c0_i32 = arith.constant 0 : i32
    %c0_i32_0 = arith.constant 0 : i32
    return %arg1, %c0_i32, %arg0 : i32, i32, i32
  }
  func.func @transform_6(%arg0: i32, %arg1: i32) -> (i32, i32, i32) {
    %c0_i32 = arith.constant 0 : i32
    %c0_i32_0 = arith.constant 0 : i32
    return %arg1, %c0_i32, %arg0 : i32, i32, i32
  }
}

module attributes {stable_mosaic.version = 14 : i64} {
  func.func @_tc2_body(%arg0: i32, %arg1: i32, %arg2: memref<2048x128xf32, #tpu.memory_space<vmem>>, %arg3: memref<1x128x128xf32, #tpu.memory_space<vmem>>, %arg4: memref<1x1x128xf32, #tpu.memory_space<vmem>>, %arg5: memref<1x1x128xf32, #tpu.memory_space<vmem>>, %arg6: memref<2x1x2048x128xf32, #tpu.memory_space<vmem>>, %arg7: memref<2x1x1x2048xf32, #tpu.memory_space<vmem>>, %arg8: memref<1x1x128xf32, #tpu.memory_space<vmem>>, %arg9: memref<128x128xf32, #tpu.memory_space<vmem>>, %arg10: memref<1x128x128xf32, #tpu.memory_space<vmem>>, %arg11: memref<1x128xf32, #tpu.memory_space<vmem>>, %arg12: memref<128x128xf32, #tpu.memory_space<vmem>>, %arg13: memref<1x128xf32, #tpu.memory_space<vmem>>, %arg14: memref<2048x128xf32, #tpu.memory_space<vmem>>, %arg15: memref<2048x2048xf32, #tpu.memory_space<vmem>>) attributes {dimension_semantics = [#tpu.dimension_semantics<parallel>, #tpu.dimension_semantics<arbitrary>], iteration_bounds = array<i64: 5, 38>, scalar_prefetch = 0 : i64, scratch_operands = 1 : i64, tpu.core_type = #tpu.core_type<tc>, window_params = [{transform_indices = @transform_0, window_bounds = array<i64: 2048, 128>}, {transform_indices = @transform_1, window_bounds = array<i64: 1, 128, 128>}, {transform_indices = @transform_2, window_bounds = array<i64: 1, 1, 128>}, {transform_indices = @transform_3, window_bounds = array<i64: 1, 1, 128>}, {transform_indices = @transform_4, window_bounds = array<i64: 2, 1, 2048, 128>}, {transform_indices = @transform_5, window_bounds = array<i64: 2, 1, 1, 2048>}, {transform_indices = @transform_6, window_bounds = array<i64: 1, 1, 128>}, {pipeline_mode = #tpu.pipeline_mode<synchronous>, transform_indices = @transform_7, window_bounds = array<i64: 128, 128>}, {transform_indices = @transform_8, window_bounds = array<i64: 1, 128, 128>}, {pipeline_mode = #tpu.pipeline_mode<synchronous>, transform_indices = @transform_9, window_bounds = array<i64: 1, 128>}, {pipeline_mode = #tpu.pipeline_mode<synchronous>, transform_indices = @transform_10, window_bounds = array<i64: 128, 128>}, {pipeline_mode = #tpu.pipeline_mode<synchronous>, transform_indices = @transform_11, window_bounds = array<i64: 1, 128>}, {transform_indices = @transform_12, window_bounds = array<i64: 2048, 128>}]} {
    %eq3A = arith.constant 0 : i32
    %eq3A_0 = arith.cmpi eq, %arg1, %eq3A : i32
    %convert_element_type3A = arith.extui %eq3A_0 : i1 to i32
    %cond3A = arith.constant 0 : i32
    %cond3A_1 = arith.cmpi ne, %convert_element_type3A, %cond3A : i32
    scf.if %cond3A_1 {
      %get3A_88 = arith.constant 0 : index
      %get3A_89 = arith.constant 0 : index
      %get3A_90 = vector.load %arg2[%get3A_88, %get3A_89] : memref<2048x128xf32, #tpu.memory_space<vmem>>, vector<2048x128xf32>
      %get3A_91 = arith.constant 0 : index
      %get3A_92 = arith.constant 0 : index
      %get3A_93 = vector.load %arg9[%get3A_91, %get3A_92] : memref<128x128xf32, #tpu.memory_space<vmem>>, vector<128x128xf32>
      %dot_general3A_94 = arith.constant dense<0.000000e+00> : vector<2048x128xf32>
      %dot_general3A_95 = tpu.matmul %get3A_90, %get3A_93, %dot_general3A_94 {dimension_numbers = #tpu.dot_dimension_numbers<[1], [0], [0], [1], [0, 0, 1, 1], [], []>, transpose_lhs_hint = false} : vector<2048x128xf32>, vector<128x128xf32>, vector<2048x128xf32> -> vector<2048x128xf32>
      %swap3A_96 = arith.constant 0 : index
      %swap3A_97 = arith.constant 0 : index
      %swap3A_98 = vector.load %arg14[%swap3A_96, %swap3A_97] : memref<2048x128xf32, #tpu.memory_space<vmem>>, vector<2048x128xf32>
      tpu.vector_store %arg14[%swap3A_96, %swap3A_97], %dot_general3A_95 {strides = array<i32>} : memref<2048x128xf32, #tpu.memory_space<vmem>>, vector<2048x128xf32>,
      %iota3A = tpu.iota {dimensions = array<i32: 0>} : vector<2048x2048xi32>
      %iota3A_99 = tpu.iota {dimensions = array<i32: 1>} : vector<2048x2048xi32>
      %eq3A_100 = arith.cmpi eq, %iota3A, %iota3A_99 : vector<2048x2048xi32>
      %jit3A = arith.constant 1.000000e+00 : f32
      %jit3A_101 = arith.constant 0.000000e+00 : f32
      %broadcast_in_dim3A_102 = vector.broadcast %jit3A : f32 to vector<2048x2048xf32>
      %broadcast_in_dim3A_103 = vector.broadcast %jit3A_101 : f32 to vector<2048x2048xf32>
      %select_n3A_104 = arith.select %eq3A_100, %broadcast_in_dim3A_102, %broadcast_in_dim3A_103 : vector<2048x2048xi1>, vector<2048x2048xf32>
      %swap3A_105 = arith.constant 0 : index
      %swap3A_106 = arith.constant 0 : index
      %swap3A_107 = vector.load %arg15[%swap3A_105, %swap3A_106] : memref<2048x2048xf32, #tpu.memory_space<vmem>>, vector<2048x2048xf32>
      tpu.vector_store %arg15[%swap3A_105, %swap3A_106], %select_n3A_104 {strides = array<i32>} : memref<2048x2048xf32, #tpu.memory_space<vmem>>, vector<2048x2048xf32>,
    } else {
    }
    %get3A = arith.constant 0 : index
    %get3A_2 = arith.constant 0 : index
    %get3A_3 = vector.load %arg2[%get3A, %get3A_2] : memref<2048x128xf32, #tpu.memory_space<vmem>>, vector<2048x128xf32>
    %get3A_4 = arith.constant 0 : index
    %get3A_5 = arith.constant 0 : index
    %get3A_6 = arith.constant 0 : index
    %get3A_7 = vector.load %arg3[%get3A_4, %get3A_5, %get3A_6] : memref<1x128x128xf32, #tpu.memory_space<vmem>>, vector<1x128x128xf32>
    %get3A_8 = vector.shape_cast %get3A_7 : vector<1x128x128xf32> to vector<128x128xf32>
    %dot_general3A = arith.constant dense<0.000000e+00> : vector<2048x128xf32>
    %dot_general3A_9 = tpu.matmul %get3A_3, %get3A_8, %dot_general3A {dimension_numbers = #tpu.dot_dimension_numbers<[1], [0], [0], [1], [0, 0, 1, 1], [], []>, transpose_lhs_hint = false} : vector<2048x128xf32>, vector<128x128xf32>, vector<2048x128xf32> -> vector<2048x128xf32>
    %get3A_10 = arith.constant 0 : index
    %get3A_11 = arith.constant 0 : index
    %get3A_12 = arith.constant 0 : index
    %get3A_13 = vector.load %arg4[%get3A_10, %get3A_11, %get3A_12] : memref<1x1x128xf32, #tpu.memory_space<vmem>>, vector<1x1x128xf32>
    %get3A_14 = vector.shape_cast %get3A_13 : vector<1x1x128xf32> to vector<1x128xf32>
    %mul3A = vector.broadcast %get3A_14 : vector<1x128xf32> to vector<2048x128xf32>
    %mul3A_15 = arith.mulf %dot_general3A_9, %mul3A : vector<2048x128xf32>
    %reduce_sum3A = arith.constant dense<0.000000e+00> : vector<2048xf32>
    %reduce_sum3A_16 = vector.multi_reduction <add>, %mul3A_15, %reduce_sum3A [1] : vector<2048x128xf32> to vector<2048xf32>
    %broadcast_in_dim3A = vector.shape_cast %reduce_sum3A_16 : vector<2048xf32> to vector<2048x1xf32>
    %get3A_17 = arith.constant 0 : index
    %get3A_18 = arith.constant 0 : index
    %get3A_19 = arith.constant 0 : index
    %get3A_20 = vector.load %arg5[%get3A_17, %get3A_18, %get3A_19] : memref<1x1x128xf32, #tpu.memory_space<vmem>>, vector<1x1x128xf32>
    %get3A_21 = vector.shape_cast %get3A_20 : vector<1x1x128xf32> to vector<1x128xf32>
    %mul3A_22 = vector.broadcast %get3A_21 : vector<1x128xf32> to vector<2048x128xf32>
    %mul3A_23 = arith.mulf %dot_general3A_9, %mul3A_22 : vector<2048x128xf32>
    %reduce_sum3A_24 = arith.constant dense<0.000000e+00> : vector<2048xf32>
    %reduce_sum3A_25 = vector.multi_reduction <add>, %mul3A_23, %reduce_sum3A_24 [1] : vector<2048x128xf32> to vector<2048xf32>
    %broadcast_in_dim3A_26 = vector.shape_cast %reduce_sum3A_25 : vector<2048xf32> to vector<2048x1xf32>
    %add3A = arith.addf %broadcast_in_dim3A, %broadcast_in_dim3A_26 : vector<2048x1xf32>
    %ge3A = arith.constant 0.000000e+00 : f32
    %ge3A_27 = vector.broadcast %ge3A : f32 to vector<2048x1xf32>
    %ge3A_28 = arith.cmpf oge, %add3A, %ge3A_27 : vector<2048x1xf32>
    %mul3A_29 = arith.constant 2.000000e-01 : f32
    %mul3A_30 = vector.broadcast %mul3A_29 : f32 to vector<2048x1xf32>
    %mul3A_31 = arith.mulf %mul3A_30, %add3A : vector<2048x1xf32>
    %select_n3A = arith.select %ge3A_28, %add3A, %mul3A_31 : vector<2048x1xi1>, vector<2048x1xf32>
    %exp3A = math.exp %select_n3A : vector<2048x1xf32>
    %get3A_32 = arith.constant 0 : index
    %get3A_33 = arith.constant 0 : index
    %get3A_34 = arith.constant 0 : index
    %get3A_35 = arith.constant 0 : index
    %get3A_36 = vector.load %arg7[%get3A_32, %get3A_33, %get3A_34, %get3A_35] : memref<2x1x1x2048xf32, #tpu.memory_space<vmem>>, vector<1x1x1x2048xf32>
    %get3A_37 = vector.shape_cast %get3A_36 : vector<1x1x1x2048xf32> to vector<1x2048xf32>
    %get3A_38 = arith.constant 1 : index
    %get3A_39 = arith.constant 0 : index
    %get3A_40 = arith.constant 0 : index
    %get3A_41 = arith.constant 0 : index
    %get3A_42 = vector.load %arg7[%get3A_38, %get3A_39, %get3A_40, %get3A_41] : memref<2x1x1x2048xf32, #tpu.memory_space<vmem>>, vector<1x1x1x2048xf32>
    %get3A_43 = vector.shape_cast %get3A_42 : vector<1x1x1x2048xf32> to vector<1x2048xf32>
    %add3A_44 = arith.addf %get3A_37, %get3A_43 : vector<1x2048xf32>
    %get3A_45 = arith.constant 0 : index
    %get3A_46 = arith.constant 0 : index
    %get3A_47 = vector.load %arg15[%get3A_45, %get3A_46] : memref<2048x2048xf32, #tpu.memory_space<vmem>>, vector<2048x2048xf32>
    %dot_general3A_48 = arith.constant dense<0.000000e+00> : vector<2048x1xf32>
    %dot_general3A_49 = tpu.matmul %get3A_47, %add3A_44, %dot_general3A_48 {dimension_numbers = #tpu.dot_dimension_numbers<[1], [1], [0], [0], [0, 0, 1, 0], [], []>, transpose_lhs_hint = false} : vector<2048x2048xf32>, vector<1x2048xf32>, vector<2048x1xf32> -> vector<2048x1xf32>
    %get3A_50 = arith.constant 0 : index
    %get3A_51 = arith.constant 0 : index
    %get3A_52 = arith.constant 0 : index
    %get3A_53 = arith.constant 0 : index
    %get3A_54 = vector.load %arg6[%get3A_50, %get3A_51, %get3A_52, %get3A_53] : memref<2x1x2048x128xf32, #tpu.memory_space<vmem>>, vector<2x1x2048x128xf32>
    %get3A_55 = vector.shape_cast %get3A_54 : vector<2x1x2048x128xf32> to vector<2x2048x128xf32>
    %reduce_sum3A_56 = arith.constant dense<0.000000e+00> : vector<2048x128xf32>
    %reduce_sum3A_57 = vector.multi_reduction <add>, %get3A_55, %reduce_sum3A_56 [0] : vector<2x2048x128xf32> to vector<2048x128xf32>
    %mul3A_58 = vector.broadcast %exp3A : vector<2048x1xf32> to vector<2048x128xf32>
    %mul3A_59 = arith.mulf %mul3A_58, %dot_general3A_9 : vector<2048x128xf32>
    %add3A_60 = arith.addf %reduce_sum3A_57, %mul3A_59 : vector<2048x128xf32>
    %add3A_61 = arith.addf %dot_general3A_49, %exp3A : vector<2048x1xf32>
    %div3A = vector.broadcast %add3A_61 : vector<2048x1xf32> to vector<2048x128xf32>
    %div3A_62 = arith.divf %add3A_60, %div3A : vector<2048x128xf32>
    %get3A_63 = arith.constant 0 : index
    %get3A_64 = arith.constant 0 : index
    %get3A_65 = arith.constant 0 : index
    %get3A_66 = vector.load %arg8[%get3A_63, %get3A_64, %get3A_65] : memref<1x1x128xf32, #tpu.memory_space<vmem>>, vector<1x1x128xf32>
    %get3A_67 = vector.shape_cast %get3A_66 : vector<1x1x128xf32> to vector<1x128xf32>
    %add3A_68 = vector.broadcast %get3A_67 : vector<1x128xf32> to vector<2048x128xf32>
    %add3A_69 = arith.addf %div3A_62, %add3A_68 : vector<2048x128xf32>
    %get3A_70 = arith.constant 0 : index
    %get3A_71 = arith.constant 0 : index
    %get3A_72 = vector.load %arg14[%get3A_70, %get3A_71] : memref<2048x128xf32, #tpu.memory_space<vmem>>, vector<2048x128xf32>
    %get3A_73 = arith.constant 0 : index
    %get3A_74 = arith.constant 0 : index
    %get3A_75 = arith.constant 0 : index
    %get3A_76 = vector.load %arg10[%get3A_73, %get3A_74, %get3A_75] : memref<1x128x128xf32, #tpu.memory_space<vmem>>, vector<1x128x128xf32>
    %get3A_77 = vector.shape_cast %get3A_76 : vector<1x128x128xf32> to vector<128x128xf32>
    %dot_general3A_78 = arith.constant dense<0.000000e+00> : vector<2048x128xf32>
    %dot_general3A_79 = tpu.matmul %add3A_69, %get3A_77, %dot_general3A_78 {dimension_numbers = #tpu.dot_dimension_numbers<[1], [0], [0], [1], [0, 0, 1, 1], [], []>, transpose_lhs_hint = false} : vector<2048x128xf32>, vector<128x128xf32>, vector<2048x128xf32> -> vector<2048x128xf32>
    %add3A_80 = arith.addf %get3A_72, %dot_general3A_79 : vector<2048x128xf32>
    %swap3A = arith.constant 0 : index
    %swap3A_81 = arith.constant 0 : index
    %swap3A_82 = vector.load %arg14[%swap3A, %swap3A_81] : memref<2048x128xf32, #tpu.memory_space<vmem>>, vector<2048x128xf32>
    tpu.vector_store %arg14[%swap3A, %swap3A_81], %add3A_80 {strides = array<i32>} : memref<2048x128xf32, #tpu.memory_space<vmem>>, vector<2048x128xf32>,
    %eq3A_83 = arith.constant 37 : i32
    %eq3A_84 = arith.cmpi eq, %arg1, %eq3A_83 : i32
    %convert_element_type3A_85 = arith.extui %eq3A_84 : i1 to i32
    %cond3A_86 = arith.constant 0 : i32
    %cond3A_87 = arith.cmpi ne, %convert_element_type3A_85, %cond3A_86 : i32
    scf.if %cond3A_87 {
      %get3A_88 = arith.constant 0 : index
      %get3A_89 = arith.constant 0 : index
      %get3A_90 = vector.load %arg14[%get3A_88, %get3A_89] : memref<2048x128xf32, #tpu.memory_space<vmem>>, vector<2048x128xf32>
      %get3A_91 = arith.constant 0 : index
      %get3A_92 = arith.constant 0 : index
      %get3A_93 = vector.load %arg11[%get3A_91, %get3A_92] : memref<1x128xf32, #tpu.memory_space<vmem>>, vector<1x128xf32>
      %add3A_94 = vector.broadcast %get3A_93 : vector<1x128xf32> to vector<2048x128xf32>
      %add3A_95 = arith.addf %get3A_90, %add3A_94 : vector<2048x128xf32>
      %tanh3A = math.tanh %add3A_95 : vector<2048x128xf32>
      %get3A_96 = arith.constant 0 : index
      %get3A_97 = arith.constant 0 : index
      %get3A_98 = vector.load %arg12[%get3A_96, %get3A_97] : memref<128x128xf32, #tpu.memory_space<vmem>>, vector<128x128xf32>
      %dot_general3A_99 = arith.constant dense<0.000000e+00> : vector<2048x128xf32>
      %dot_general3A_100 = tpu.matmul %tanh3A, %get3A_98, %dot_general3A_99 {dimension_numbers = #tpu.dot_dimension_numbers<[1], [0], [0], [1], [0, 0, 1, 1], [], []>, transpose_lhs_hint = false} : vector<2048x128xf32>, vector<128x128xf32>, vector<2048x128xf32> -> vector<2048x128xf32>
      %get3A_101 = arith.constant 0 : index
      %get3A_102 = arith.constant 0 : index
      %get3A_103 = vector.load %arg13[%get3A_101, %get3A_102] : memref<1x128xf32, #tpu.memory_space<vmem>>, vector<1x128xf32>
      %add3A_104 = vector.broadcast %get3A_103 : vector<1x128xf32> to vector<2048x128xf32>
      %add3A_105 = arith.addf %dot_general3A_100, %add3A_104 : vector<2048x128xf32>
      %swap3A_106 = arith.constant 0 : index
      %swap3A_107 = arith.constant 0 : index
      %swap3A_108 = vector.load %arg14[%swap3A_106, %swap3A_107] : memref<2048x128xf32, #tpu.memory_space<vmem>>, vector<2048x128xf32>
      tpu.vector_store %arg14[%swap3A_106, %swap3A_107], %add3A_105 {strides = array<i32>} : memref<2048x128xf32, #tpu.memory_space<vmem>>, vector<2048x128xf32>,
    } else {
    }
    return
  }
  func.func @transform_0(%arg0: i32, %arg1: i32) -> (i32, i32) {
    %c0_i32 = arith.constant 0 : i32
    %c0_i32_0 = arith.constant 0 : i32
    return %arg0, %c0_i32 : i32, i32
  }
  func.func @transform_1(%arg0: i32, %arg1: i32) -> (i32, i32, i32) {
    %c0_i32 = arith.constant 0 : i32
    %c0_i32_0 = arith.constant 0 : i32
    %c0_i32_1 = arith.constant 0 : i32
    return %arg1, %c0_i32, %c0_i32_0 : i32, i32, i32
  }
  func.func @transform_2(%arg0: i32, %arg1: i32) -> (i32, i32, i32) {
    %c0_i32 = arith.constant 0 : i32
    %c0_i32_0 = arith.constant 0 : i32
    %c0_i32_1 = arith.constant 0 : i32
    return %arg1, %c0_i32, %c0_i32_0 : i32, i32, i32
  }
  func.func @transform_3(%arg0: i32, %arg1: i32) -> (i32, i32, i32) {
    %c0_i32 = arith.constant 0 : i32
    %c0_i32_0 = arith.constant 0 : i32
    %c0_i32_1 = arith.constant 0 : i32
    return %arg1, %c0_i32, %c0_i32_0 : i32, i32, i32
  }
  func.func @transform_4(%arg0: i32, %arg1: i32) -> (i32, i32, i32, i32) {
    %c0_i32 = arith.constant 0 : i32
    %c0_i32_0 = arith.constant 0 : i32
    %c0_i32_1 = arith.constant 0 : i32
    return %c0_i32, %arg1, %arg0, %c0_i32_0 : i32, i32, i32, i32
  }
  func.func @transform_5(%arg0: i32, %arg1: i32) -> (i32, i32, i32, i32) {
    %c0_i32 = arith.constant 0 : i32
    %c0_i32_0 = arith.constant 0 : i32
    %c0_i32_1 = arith.constant 0 : i32
    return %c0_i32, %arg1, %c0_i32_0, %arg0 : i32, i32, i32, i32
  }
  func.func @transform_6(%arg0: i32, %arg1: i32) -> (i32, i32, i32) {
    %c0_i32 = arith.constant 0 : i32
    %c0_i32_0 = arith.constant 0 : i32
    %c0_i32_1 = arith.constant 0 : i32
    return %arg1, %c0_i32, %c0_i32_0 : i32, i32, i32
  }
  func.func @transform_7(%arg0: i32, %arg1: i32) -> (i32, i32) {
    %c0_i32 = arith.constant 0 : i32
    %c0_i32_0 = arith.constant 0 : i32
    %c0_i32_1 = arith.constant 0 : i32
    return %c0_i32, %c0_i32_0 : i32, i32
  }
  func.func @transform_8(%arg0: i32, %arg1: i32) -> (i32, i32, i32) {
    %c0_i32 = arith.constant 0 : i32
    %c0_i32_0 = arith.constant 0 : i32
    %c0_i32_1 = arith.constant 0 : i32
    return %arg1, %c0_i32, %c0_i32_0 : i32, i32, i32
  }
  func.func @transform_9(%arg0: i32, %arg1: i32) -> (i32, i32) {
    %c0_i32 = arith.constant 0 : i32
    %c0_i32_0 = arith.constant 0 : i32
    %c0_i32_1 = arith.constant 0 : i32
    return %c0_i32, %c0_i32_0 : i32, i32
  }
  func.func @transform_10(%arg0: i32, %arg1: i32) -> (i32, i32) {
    %c0_i32 = arith.constant 0 : i32
    %c0_i32_0 = arith.constant 0 : i32
    %c0_i32_1 = arith.constant 0 : i32
    return %c0_i32, %c0_i32_0 : i32, i32
  }
  func.func @transform_11(%arg0: i32, %arg1: i32) -> (i32, i32) {
    %c0_i32 = arith.constant 0 : i32
    %c0_i32_0 = arith.constant 0 : i32
    %c0_i32_1 = arith.constant 0 : i32
    return %c0_i32, %c0_i32_0 : i32, i32
  }
  func.func @transform_12(%arg0: i32, %arg1: i32) -> (i32, i32) {
    %c0_i32 = arith.constant 0 : i32
    %c0_i32_0 = arith.constant 0 : i32
    return %arg0, %c0_i32 : i32, i32
  }
}

</mosaic_0001>

<sc_bundles>
// kernel: kernel.5.cloned.1.call-start
scs
__scs_entry_jumppad:
0x0: {  	(pc) =	sbr.rel $0x88, $3  }
0x1: {  	(tag) =	ssettag $0x0;
	lr =	simm.s32 $0x1  }
0x2: {  	[smem:$0x3F95] =	sst lr;
	_ =	strace $0xD0000000  }
0x3: {  	_ = 	snop  }
0x4: {  	_ = 	snop  }
0x5: {  	_ = 	snop  }
0x6: {  	_ = 	snop  }
0x7: {  	_ = 	snop  }
__scs_overlays_trampoline_lowered:
0x8: {  	[smem:$0x3FA4] =	sst s0  }
0x9: {  	[smem:$0x3FA5] =	sst s1  }
0xa: {  	[smem:$0x3FA6] =	sst s2  }
0xb: {  	[smem:$0x3FA7] =	sst s3  }
0xc: {  	[smem:$0x3FA8] =	sst s4  }
0xd: {  	[smem:$0x3FA9] =	sst s5  }
0xe: {  	[smem:$0x3FAA] =	sst s6  }
0xf: {  	[smem:$0x3FAB] =	sst s7  }
0x10: {  	[smem:$0x3FAC] =	sst s8  }
0x11: {  	[smem:$0x3FAD] =	sst s9;
	s0 =	simm.s32 @!p0 $0x0  }
0x12: {  	s1 =	sld [smem:$0x3F93];
	s0 =	simm.s32 @p0 $0x1  }
0x13: {  	[smem:$0x3FAE] =	sst s0;
	s0 =	simm.s32 @!p1 $0x0  }
0x14: {  	s2 =	sld [smem:$0x3F92];
	s0 =	simm.s32 @p1 $0x1  }
0x15: {  	[smem:$0x3FAF] =	sst s0;
	s0 =	simm.s32 @!p2 $0x0  }
0x16: {  	s3 =	sld [smem:$0x3FDB];
	s0 =	simm.s32 @p2 $0x1  }
0x17: {  	s4 =	simm.s32 $0x1BF5;
	[smem:$0x3FB1] =	sst s0  }
0x18: {  	s0 =	sld [smem:$0x3F94];
	_ =	swait.ge [sflag:s4], $0x0  }
0x19: {  	s7 =	sld [smem:$0x3F95]  }
0x1a: {  	s8 =	sadd.s32 $0xFFFFE003, lr  }
0x1b: {  	s9 =	sadd.s32 $0xFFFFFEF7, lr;
	s5 =	simm.s32 $0xFFFFFFFF;
	p2 =	slt.u32 s8, $0xFFFFF086  }
0x1c: {  	p1 =	slt.u32 s9, $0xF7A;
	s5 =	simm.s32 @!p2 $0x0  }
0x1d: {  	s5 =	simm.s32 @p1 $0x1;
	p0 =	seq.s32 s7, s2  }
0x1e: {  	s7 =	smul.u32 @!p0 $0xF7A, s2;
	p2 =	seq.s32 @!p0 s5, $0x0  }
0x1f: {  	s9 =	smul.u32 $0xF7A, s1;
	s8 =	simm.s32 @!p0 $0x1BF5;
	p2 =	por !p2, p0  }
0x20: {  	[sflag:s8] =	ssyncset.s32 @!p0 $0xFFFFF086;
	s6 =	sadd.s32 @!p0 s3, s7;
	s7 =	simm.s32 @!p0 $0x108  }
0x21: {  	s3 =	sadd.s32 s3, s9;
	s6 =	sadd.s32 @!p0 $0x88, s6;
	s7 =	simm.s32 @p2 $0x1082  }
0x22: {  	[simem:s7], [sflag:s8] =	dma.local @!p0 [hbm:s6], $0xF7A  }
0x23: {  	s9 =	sor.u32 $0xD0000000, s2;
	s6 =	simm.s32 $0x108;
	_ =	swait.ge @!p0 [sflag:s8], $0x0  }
0x24: {  	s3 =	sadd.s32 $0x88, s3;
	s6 =	simm.s32 @!p1 $0x1082;
	[sflag:s4] =	ssyncset.s32 $0xFFFFF086  }
0x25: {  	[simem:s6], [sflag:s4] =	dma.local [hbm:s3], $0xF7A  }
0x26: {  	[smem:$0x3F95] =	sst s1;
	(tag) =	ssettag s2;
	_ =	strace s9  }
0x27: {  	s1 =	sld [smem:$0x3FA5]  }
0x28: {  	s2 =	sld [smem:$0x3FA6]  }
0x29: {  	s4 =	sld [smem:$0x3FA8]  }
0x2a: {  	p0 =	seq.s32 s5, $0x0;
	s5 =	sld [smem:$0x3FA9]  }
0x2b: {  	s6 =	sld [smem:$0x3FAA]  }
0x2c: {  	s7 =	sld [smem:$0x3FAB]  }
0x2d: {  	s3 =	simm.s32 $0x108;
	s8 =	sld [smem:$0x3FAC]  }
0x2e: {  	s3 =	simm.s32 @!p0 $0x1082;
	s9 =	sld [smem:$0x3FAD]  }
0x2f: {  	lr =	sadd.s32 s0, s3;
	s0 =	sld [smem:$0x3FA4]  }
0x30: {  	s3 =	sld [smem:$0x3FA7]  }
0x31: {  	[smem:$0x3FB0] =	sst s10  }
0x32: {  	s10 =	sld [smem:$0x3FAE];
	_ =	sdelay $0x3  }
0x33: {  	p0 =	seq.s32 s10, $0x1;
	s10 =	sld [smem:$0x3FB0];
	_ =	sdelay $0x3  }
0x34: {  	[smem:$0x3FB0] =	sst s10  }
0x35: {  	s10 =	sld [smem:$0x3FAF];
	_ =	sdelay $0x3  }
0x36: {  	p1 =	seq.s32 s10, $0x1;
	s10 =	sld [smem:$0x3FB0];
	_ =	sdelay $0x3  }
0x37: {  	[smem:$0x3FB0] =	sst s10  }
0x38: {  	s10 =	sld [smem:$0x3FB1]  }
0x39: {  	_ = 	snop;
	(pc) =	sbr.ind lr, $3  }
0x3a: {  	_ = 	snop  }
0x3b: {  	_ = 	snop  }
0x3c: {  	p2 =	seq.s32 s10, $0x1;
	s10 =	sld [smem:$0x3FB0]  }
0x3d: {  	_ =	shalt  }
0x3e: {  	_ =	shalt  }
0x3f: {  	_ =	shalt  }
0x40: {  	_ =	shalt  }
0x41: {  	_ =	shalt  }
0x42: {  	_ =	shalt  }
0x43: {  	_ =	shalt  }
0x44: {  	_ =	shalt  }
0x45: {  	_ =	shalt  }
0x46: {  	_ =	shalt  }
0x47: {  	_ =	shalt  }
0x48: {  	_ =	shalt  }
0x49: {  	_ =	shalt  }
0x4a: {  	_ =	shalt  }
0x4b: {  	_ =	shalt  }
0x4c: {  	_ =	shalt  }
0x4d: {  	_ =	shalt  }
0x4e: {  	_ =	shalt  }
0x4f: {  	_ =	shalt  }
0x50: {  	_ =	shalt  }
0x51: {  	_ =	shalt  }
0x52: {  	_ =	shalt  }
0x53: {  	_ =	shalt  }
0x54: {  	_ =	shalt  }
0x55: {  	_ =	shalt  }
0x56: {  	_ =	shalt  }
0x57: {  	_ =	shalt  }
0x58: {  	_ =	shalt  }
0x59: {  	_ =	shalt  }
0x5a: {  	_ =	shalt  }
0x5b: {  	_ =	shalt  }
0x5c: {  	_ =	shalt  }
0x5d: {  	_ =	shalt  }
0x5e: {  	_ =	shalt  }
0x5f: {  	_ =	shalt  }
0x60: {  	_ =	shalt  }
0x61: {  	_ =	shalt  }
0x62: {  	_ =	shalt  }
0x63: {  	_ =	shalt  }
0x64: {  	_ =	shalt  }
0x65: {  	_ =	shalt  }
0x66: {  	_ =	shalt  }
0x67: {  	_ =	shalt  }
0x68: {  	_ =	shalt  }
0x69: {  	_ =	shalt  }
0x6a: {  	_ =	shalt  }
0x6b: {  	_ =	shalt  }
0x6c: {  	_ =	shalt  }
0x6d: {  	_ =	shalt  }
0x6e: {  	_ =	shalt  }
0x6f: {  	_ =	shalt  }
0x70: {  	_ =	shalt  }
0x71: {  	_ =	shalt  }
0x72: {  	_ =	shalt  }
0x73: {  	_ =	shalt  }
0x74: {  	_ =	shalt  }
0x75: {  	_ =	shalt  }
0x76: {  	_ =	shalt  }
0x77: {  	_ =	shalt  }
0x78: {  	_ =	shalt  }
0x79: {  	_ =	shalt  }
0x7a: {  	_ =	shalt  }
0x7b: {  	_ =	shalt  }
0x7c: {  	_ =	shalt  }
0x7d: {  	_ =	shalt  }
0x7e: {  	_ =	shalt  }
0x7f: {  	_ =	shalt  }
0x80: {  	_ =	shalt  }
0x81: {  	_ =	shalt  }
0x82: {  	_ =	shalt  }
0x83: {  	_ =	shalt  }
0x84: {  	_ =	shalt  }
0x85: {  	_ =	shalt  }
0x86: {  	_ =	shalt  }
0x87: {  	_ =	shalt  }
.Lfunc_end0:
.L_simem_size_0:
called_computation_lowered:
.L_overlay_start_0:
0x88: {  	s2 =	sld [smem:$0x3FD9]  }
0x89: {  	s3 =	sld [smem:$0x3FFE];
	_ =	sdelay $0x1  }
0x8a: {  	s1 =	srdreg.scid  }
0x8b: {  	s0 =	sand.u32 $0x1, s1  }
0x8c: {  	s17 =	sshll.u32 s0, $0xA;
	s2 =	sadd.s32 s3, s2  }
0x8d: {  	s2 =	sadd.s32 s2, s17  }
0x8e: {  	[smem:$0x3FBC] =	sst s2  }
0x8f: {  	_ = 	snop  }
0x90: {  	s2 =	sld [smem:$0x3FD0];
	(tm) =	ssettm $0x1  }
0x91: {  	s18 =	sld [smem:$0x3FFB];
	_ =	sdelay $0x3  }
0x92: {  	_ =	strace s18  }
0x93: {  	s3 =	sld [smem:$0x3FFC];
	_ =	sdelay $0x3  }
0x94: {  	_ =	strace s3  }
0x95: {  	s3 =	sld [smem:$0x3FFD];
	_ =	sdelay $0x3  }
0x96: {  	_ =	strace s3  }
0x97: {  	_ =	strace $0x8FFFFFFF  }
0x98: {  	s19 =	sld [smem:$0x3FDB];
	_ =	sdelay $0x1  }
0x99: {  	s4 =	simm.s32 $_scs_section_size  }
0x9a: {  	s5 =	simm.s32 $_size__tile_overlayer_lowered;
	s6 =	simm.s32 $_tile_overlayer_lowered  }
0x9b: {  	s22 =	simm.s32 $0x1BFF;
	s21 =	sshll.u32 s6, $0x1;
	s3 =	sadd.s32 s4, s19  }
0x9c: {  	s7 =	simm.s32 $0x0;
	s20 =	sshll.u32 s5, $0x1;
	s5 =	sadd.s32 s21, s3  }
0x9d: {  	[timem:s7], [sflag:s22] =	dma.local [hbm:s5], s20  }
0x9e: {  	_ =	swait.ge [sflag:s22], s20  }
0x9f: {  	s4 =	ssub.s32 $0x0, s20;
	[sflag:s22] =	ssyncset.done $0x0  }
0xa0: {  	[sflag:s22] =	ssyncadd.s32 s4;
	_ =	sdelay $0x1  }
0xa1: {  	s23 =	simm.s32 $0x1B8B  }
0xa2: {  	_ =	swait.ge [sflag:s23], $0x1  }
0xa3: {  	[sflag:s23] =	ssyncset.done $0x0  }
0xa4: {  	s25 =	simm.s32 $0x1B8E;
	s24 =	sld [smem:$0x3FFE];
	[sflag:s23] =	ssyncadd.s32 $0xFFFFFFFF  }
0xa5: {  	s26 =	simm.s32 $execute0_lowered;
	[smem:$0x3FD2] =	sst s25  }
0xa6: {  	s5 =	sshll.u32 s26, $0x1;
	_ =	strace $0x80000046;
	[dreg:$0x1] =	wrdreg $0xFFFFFFFF  }
0xa7: {  	s28 =	simm.s32 $_size_execute0_lowered;
	s3 =	sadd.s32 s3, s5;
	[dreg:$0x0] =	wrdreg $0x0  }
0xa8: {  	s5 =	sshll.u32 s28, $0x1;
	[dreg:$0x2] =	wrdreg s3  }
0xa9: {  	[dreg:$0x3] =	wrdreg s5  }
0xaa: {  	[dreg:$0x4] =	wrdreg $0xC0  }
0xab: {  	_ =	task [dreg:s7], $0x5FFFF  }
0xac: {  	[dreg:$0x1] =	wrdreg $0xFFFFFFFF  }
0xad: {  	[dreg:$0x0] =	wrdreg $0x60  }
0xae: {  	[dreg:$0x2] =	wrdreg s24  }
0xaf: {  	[dreg:$0x3] =	wrdreg s2  }
0xb0: {  	[dreg:$0x4] =	wrdreg $0x95800  }
0xb1: {  	[dreg:$0x5] =	wrdreg $0x1D5800  }
0xb2: {  	[dreg:$0x6] =	wrdreg $0x9  }
0xb3: {  	_ =	task.clear_ibuf [dreg:s7], $0x7FFFF;
	_ =	strace $0x90000046  }
0xb4: {  	s29 =	simm.s32 $0x9;
	_ =	strace $0x80000048  }
0xb5: {  	_ =	swait.ge [sflag:s29], $0x1  }
0xb6: {  	[sflag:s29] =	ssyncadd.s32 $0xFFFFFFFF  }
0xb7: {  	_ =	strace $0x90000048  }
0xb8: {  	_ =	sfence  }
0xb9: {  	s30 =	sld [smem:$0x0];
	_ =	sdelay $0x2  }
0xba: {  	s31 =	sshll.u32 s1, $0xD;
	s1 =	sshrl.u32 s1, $0x2  }
0xbb: {  	s3 =	sand.u32 $0x4000, s31;
	s1 =	sadd.s32 s1, s30  }
0xbc: {  	s0 =	sor.u32 s3, s0;
	s1 =	sshll.u32 s1, $0x11  }
0xbd: {  	s0 =	sor.u32 s1, s0  }
0xbe: {  	s0 =	sadd.s32 $0x8F2B, s0  }
0xbf: {  	[sflag:s0] =	ssyncadd.remote.s32 $0x1  }
0xc0: {  	_ =	sfence.sel $0xFFFF  }
0xc1: {  	[dreg:$0x0] =	wrdreg $0xFFFFFFFF;
	(pc) =	sbr.abs _section_cstart, $3  }
0xc2: {  	[dreg:$0x1] =	wrdreg $0xFFFFFFFF  }
0xc3: {  	_ =	task.clear_ibuf [dreg:s7], $0x2FFFF;
	_ =	strace $0x9FFFFFFF  }
0xc4: {  	(tm) =	ssettm $0x7FFFFFFF  }
0xc5: {  	_ =	shalt  }
tec
execute0_lowered:
.L_overlay_start_1:
0x0: {  	(tag) =	ssettag $0x1  }
0x1: {  	s0 =	rddreg [dreg:$0x0]  }
0x2: {  	s1 =	srdreg.scid;
	s3 =	rddreg [dreg:$0x2]  }
0x3: {  	s13 =	stileid.u32;
	s4 =	rddreg [dreg:$0x3]  }
0x4: {  	s7 =	simm.s32 $0x0;
	s28 =	simm.s32 $0x40;
	s29 =	simm.s32 $0x5580  }
0x5: {  	s30 =	simm.s32 $0x1;
	s31 =	simm.s32 $0x5500;
	s17 =	simm.s32 $0x0  }
0x6: {  	s1 =	sand.u32 $0x1, s1;
	s5 =	sshrl.u32 s13, $0x3;
	s6 =	sshll.u32 s13, $0x7  }
0x7: {  	[smem:$0x7FF] =	sst s7;
	s7 =	sadd.s32 $0x18E00, s0;
	s11 =	smul.u32 $0x50000, s13  }
0x8: {  	s8 =	sadd.s32 $0x4C00, s0;
	s14 =	sadd.s32 $0x55000, s0;
	s21 =	smul.u32 $0x14000, s13  }
0x9: {  	s12 =	sshll.u32 s13, $0xA;
	s26 =	sshll.u32 s13, $0x6;
	s2 =	smul.u32 $0x2800, s1  }
0xa: {  	s5 =	smul.u32 $0x1400, s5;
	s18 =	sand.u32 $0x380, s6;
	_ =	strace $0x80000047  }
0xb: {  	s6 =	sadd.s32 $0x645000, s0;
	s19 =	ssub.s32 $0x2, s1;
	s23 =	smul.u32 $0x2F80000, s1  }
0xc: {  	s1 =	smul.u32 $0x98000, s1;
	s9 =	smov.u32 s14;
	s25 =	sadd.s32 s12, s4  }
0xd: {  	s10 =	sshrl.u32 s19, $0x1;
	s22 =	sshrl.u32 s11, $0x2;
	s24 =	sshrl.u32 s21, $0x3  }
0xe: {  	[dreg:$0x8] =	wrdreg s25;
	s25 =	simm.s32 $0x5280;
	s2 =	sadd.s32 s2, s5  }
0xf: {  	s20 =	ssub.s32 s19, s10;
	s11 =	sadd.s32 s14, s24;
	s5 =	sadd.s32 s23, s21  }
0x10: {  	s1 =	sor.u32 s12, s1;
	s21 =	simm.s32 $0x7580;
	[dreg:$0x7] =	wrdreg s11  }
0x11: {  	s23 =	sor.u32 $0x1C02, s26;
	s2 =	sor.u32 s18, s2;
	[dreg:$0x9] =	wrdreg s5  }
0x12: {  	s26 =	simm.s32 $0x5300;
	[dreg:$0xa] =	wrdreg s1;
	s2 =	sshrl.u32 s2, $0x3  }
.Ltmp0:
0x13: {  	s2 =	sadd.s32 s2, s0;
	s0 =	sadd.s32 $0xC4CC00, s0;
	(pc) =	sbr.rel .LBB2_1-.Ltmp0, $4  }
0x14: {  	v0 =	vlaneseq.u32;
	s5 =	simm.s32 $0x0;
	[dreg:$0x5] =	wrdreg s0;
	s2 =	sadd.s32 $0x3A00, s2  }
0x15: {  	v1 =	vmul.u32 $0x80, v0;
	s0 =	smax.u32 s20, $0x1;
	s20 =	simm.s32 $0x2;
	[dreg:$0x6] =	wrdreg s2  }
0x16: {  	v5 =	vimm.f32 $0.0e+00;
	s2 =	sadd.s32 s22, s3;
	[dreg:$0xb] =	wrdreg s0;
	s22 =	simm.s32 $0x2800  }
0x17: {  	v2 =	vor.u32 $0x800, v1;
	v3 =	vor.u32 $0x1000, v1;
	v4 =	vor.u32 $0x1800, v1;
	s0 =	simm.s32 $0x5400;
	s24 =	sshrl.u32 s2, $0x3;
	s2 =	simm.s32 $0x5380  }
.LBB2_8:
0x18: {  	s5 =	rddreg [dreg:$0xc]  }
0x19: {  	s1 =	rddreg [dreg:$0xb];
	s5 =	sadd.s32 $0x1, s5  }
0x1a: {  	p0 =	sne.s32 s5, s1  }
.Ltmp1:
0x1b: {  	_ = 	snop;
	(pc) =	sbr.rel @!p0 .LBB2_9-.Ltmp1, $1  }
0x1c: {  	_ =	sdelay $0x3  }
.LBB2_1:
0x1d: {  	[dreg:$0xc] =	wrdreg s5  }
0x1e: {  	s1 =	rddreg [dreg:$0x6]  }
0x1f: {  	s18 =	simm.s32 $0x80;
	s10 =	simm.s32 $0x400;
	s11 =	simm.s32 $0x5000  }
0x20: {  	[tilespmem:s11], [sflag:$0x2] =	stream.strided.gather [hbm4b:s1+s18], $0x280, s10, s18, $0x38;
	[tilespmem:$0x1D980] =	vst v63  }
0x21: {  	_ =	swait.ge [sflag:s20], $0x280  }
0x22: {  	[sflag:s20] =	ssyncset.done $0x0  }
.Ltmp2:
0x23: {  	s19 =	simm.s32 $0x0;
	[sflag:s20] =	ssyncadd.s32 $0xFFFFFD80;
	(pc) =	sbr.rel .LBB2_2-.Ltmp2, $4  }
0x24: {  	[tilespmem:s21], [sflag:$0x2] =	stream.linear.gather [hbm4b:s9+s19], $0x2000, $0x38;
	[tilespmem:$0x1D980] =	vst v63  }
0x25: {  	_ =	swait.ge [sflag:s20], $0x2000  }
0x26: {  	[sflag:s20] =	ssyncset.done $0x0  }
0x27: {  	s18 =	simm.s32 $0x0;
	[sflag:s20] =	ssyncadd.s32 $0xFFFFE000  }
.LBB2_7:
0x28: {  	s1 =	smul.u32 $0x140000, s18  }
0x29: {  	s5 =	rddreg [dreg:$0x9]  }
0x2a: {  	[bflag:$0x0] =	sbarrier.arrive $0xFFFF;
	s1 =	sadd.s32 s1, s5  }
0x2b: {  	s14 =	rddreg [dreg:$0x5];
	s1 =	sshrl.u32 s1, $0x3  }
0x2c: {  	s1 =	sadd.s32 s14, s1  }
0x2d: {  	[hbm:s1], [sflag:s23] =	dma.local [spmem:s24], $0x2800  }
0x2e: {  	_ =	swait.ge [sflag:s20], $0x2800  }
0x2f: {  	s15 =	sshll.u32 s18, $0xE;
	s16 =	rddreg [dreg:$0xa];
	[sflag:s20] =	ssyncset.done $0x0  }
0x30: {  	s18 =	sadd.s32 $0x1, s18;
	s1 =	sadd.s32 s16, s15;
	[sflag:s20] =	ssyncadd.s32 $0xFFFFD800  }
0x31: {  	p0 =	sne.s32 s18, $0x26;
	s1 =	sshrl.u32 s1, $0x3;
	s19 =	rddreg [dreg:$0x1]  }
.Ltmp3:
0x32: {  	s1 =	sadd.s32 s19, s1;
	(pc) =	sbr.rel @!p0 .LBB2_8-.Ltmp3, $4  }
0x33: {  	[hbm:s1], [sflag:s23] =	dma.local [spmem:s11], $0x80  }
0x34: {  	_ =	swait.ge [sflag:s20], $0x80  }
0x35: {  	[sflag:s20] =	ssyncset.done $0x0  }
0x36: {  	[sflag:s20] =	ssyncadd.s32 $0xFFFFFF80  }
.LBB2_2:
0x37: {  	s1 =	sshll.u32 s18, $0x4  }
0x38: {  	s1 =	sand.u32 $0x3FFFFFF0, s1  }
0x39: {  	v7 =	vld [tilespmem:s1+$0x5000];
	_ =	sdelay $0x4  }
0x3a: {  	(v2sf) =	vpush v7, $0x3;
	_ =	sdelay $0x8  }
0x3b: {  	s1 =	smul.u32 $0x2800, s18;
	_ =	sdelay $0x1  }
0x3c: {  	s5 =	sshrl.u32 s1, $0x3  }
0x3d: {  	s5 =	sadd.s32 s6, s5  }
0x3e: {  	s11 =	simm.s32 $0x0;
	s10 =	sadd.s32 $0x5F0000, s5  }
0x3f: {  	[tilespmem:s11], [sflag:$0x2] =	stream.linear.gather [hbm4b:s10+s11], $0x2800, $0x38;
	[tilespmem:$0x1D980] =	vst v63  }
0x40: {  	s19 =	spop (v2sf)  }
0x41: {  	_ =	swait.ge [sflag:s20], $0x2800  }
0x42: {  	[sflag:s20] =	ssyncset.done $0x0  }
0x43: {  	s5 =	sadd.s32 $0x5FBE00, s5;
	[sflag:s20] =	ssyncadd.s32 $0xFFFFD800  }
0x44: {  	[tilespmem:s22], [sflag:$0x2] =	stream.linear.gather [hbm4b:s5+s11], $0x2800, $0x38;
	[tilespmem:$0x1D980] =	vst v63  }
0x45: {  	_ =	swait.ge [sflag:s20], $0x2800  }
0x46: {  	[sflag:s20] =	ssyncset.done $0x0  }
0x47: {  	s15 =	rddreg [dreg:$0x7];
	[sflag:s20] =	ssyncadd.s32 $0xFFFFD800  }
0x48: {  	[spmem:s24], [sflag:s23] =	dma.local [hbm:s15], $0x2800  }
0x49: {  	_ =	swait.ge [sflag:s20], $0x2800  }
0x4a: {  	[sflag:s20] =	ssyncset.done $0x0;
	s16 =	rddreg [dreg:$0x8]  }
0x4b: {  	p0 =	slt.s32 s19, $0x1;
	[sflag:s20] =	ssyncadd.s32 $0xFFFFD800;
	s11 =	sshrl.u32 s16, $0x3  }
0x4c: {  	[spmem:s11], [sflag:s23] =	dma.local [hbm:s9], $0x80  }
.Ltmp4:
0x4d: {  	_ =	swait.ge [sflag:s20], $0x80;
	(pc) =	sbr.rel @p0 .LBB2_7-.Ltmp4, $3  }
0x4e: {  	[sflag:s20] =	ssyncset.done $0x0  }
0x4f: {  	[sflag:s20] =	ssyncadd.s32 $0xFFFFFF80  }
0x50: {  	[bflag:$0x0] =	sbarrier.arrive $0xFFFF;
	_ =	sdelay $0x1  }
0x51: {  	(v2sf) =	vpush v7, $0x2;
	_ =	sdelay $0xe  }
0x52: {  	s5 =	spop (v2sf)  }
0x53: {  	v6 =	vbroadcast v7, $0x0;
	v7 =	vbroadcast v7, $0x1;
	v8 =	vmov s1;
	s1 =	simm.s32 $0x0;
	s16 =	sshll.u32 s5, $0x6  }
.LBB2_4:
0x54: {  	s5 =	sshll.u32 s1, $0xB  }
0x55: {  	s5 =	sadd.s32 s16, s5  }
0x56: {  	s10 =	sshrl.u32 s5, $0x3  }
0x57: {  	s12 =	sadd.s32 s7, s10  }
0x58: {  	[tilespmem:s25], [sflag:$0x2] =	stream.linear.gather [hbm4b:s12+s17], $0x40, $0x38;
	[tilespmem:$0x1D980] =	vst v63  }
0x59: {  	_ =	swait.ge [sflag:s20], $0x40  }
0x5a: {  	[sflag:s20] =	ssyncset.done $0x0  }
0x5b: {  	s10 =	sadd.s32 s8, s10;
	[sflag:s20] =	ssyncadd.s32 $0xFFFFFFC0  }
0x5c: {  	[tilespmem:s26], [sflag:$0x2] =	stream.linear.gather [hbm4b:s10+s17], $0x40, $0x38;
	[tilespmem:$0x1D980] =	vst v63  }
0x5d: {  	_ =	swait.ge [sflag:s20], $0x40  }
0x5e: {  	[sflag:s20] =	ssyncset.done $0x0  }
0x5f: {  	[sflag:s20] =	ssyncadd.s32 $0xFFFFFFC0  }
0x60: {  	v9 =	vld [tilespmem:$0x5280]  }
0x61: {  	v10 =	vld [tilespmem:$0x5300];
	_ =	sdelay $0x6  }
0x62: {  	v11 =	vld.idx.msk [tilespmem:v9+s17+$0x0], $0xffff  }
0x63: {  	v12 =	vld.idx.msk [tilespmem:v10+s22+$0x0], $0xffff;
	_ =	sdelay $0x4  }
0x64: {  	v11 =	vadd.f32 v12, v11;
	_ =	sdelay $0x1  }
0x65: {  	v12 =	vmul.f32 $2.000000030e-01, v11  }
0x66: {  	vm0 =	vge.f32 v11, $0.0e+00  }
0x67: {  	v11 =	vsel vm0, v11, v12  }
0x68: {  	v11 =	vmul.f32 $1.442695020e+00, v11;
	_ =	sdelay $0x1  }
0x69: {  	(erf) = vpow2.f32 v11;
	_ =	sdelay $0x4  }
0x6a: {  	v9 =	vadd.s32 v8, v9;
	v11 =	vor.u32 s5, v0  }
0x6b: {  	v12 =	vand.u32 $0x7F, v10;
	vm6 =	vge.s32 v11, v6;
	vm1 =	vlt.s32 v11, v7  }
0x6c: {  	[tilespmem:$0x5280] =	vst v9;
	v14 =	vor.u32 v1, v12;
	vm0 =	vmand vm6, vm1  }
0x6d: {  	v13 =	vshra.s32 v10, $0x7;
	[tilespmem:$0x5480] =	vst v12;
	v10 =	vnsel vm0, $0x27D8, v10  }
0x6e: {  	[tilespmem:$0x5380] =	vst v10;
	v10 =	vnsel vm0, $0x78, v13;
	v11 =	vpop (erf)  }
0x6f: {  	[tilespmem:$0x5400] =	vst v10;
	v11 =	vnsel vm0, $0x0, v11  }
0x70: {  	[tilespmem:$0x5500] =	vst v11  }
0x71: {  	[tilespmem:v14+s21+$0x0] =	vst.idx.msk $0xffff, v11  }
0x72: {  	v9 =	vld [tilespmem:$0x5290]  }
0x73: {  	v10 =	vld [tilespmem:$0x5310];
	_ =	sdelay $0x6  }
0x74: {  	v11 =	vld.idx.msk [tilespmem:v9+s17+$0x0], $0xffff  }
0x75: {  	v12 =	vld.idx.msk [tilespmem:v10+s22+$0x0], $0xffff;
	_ =	sdelay $0x4  }
0x76: {  	v11 =	vadd.f32 v12, v11;
	_ =	sdelay $0x1  }
0x77: {  	v12 =	vmul.f32 $2.000000030e-01, v11  }
0x78: {  	vm7 =	vge.f32 v11, $0.0e+00  }
0x79: {  	v11 =	vsel vm7, v11, v12  }
0x7a: {  	v11 =	vmul.f32 $1.442695020e+00, v11;
	_ =	sdelay $0x1  }
0x7b: {  	(erf) = vpow2.f32 v11;
	_ =	sdelay $0x3  }
0x7c: {  	s12 =	sor.u32 $0x10, s5  }
0x7d: {  	v9 =	vadd.s32 v8, v9;
	v11 =	vor.u32 s12, v0  }
0x7e: {  	v12 =	vand.u32 $0x7F, v10;
	vm8 =	vge.s32 v11, v6;
	vm9 =	vlt.s32 v11, v7  }
0x7f: {  	[tilespmem:$0x5290] =	vst v9;
	v14 =	vor.u32 v2, v12;
	vm0 =	vmand vm8, vm9  }
0x80: {  	v13 =	vshra.s32 v10, $0x7;
	[tilespmem:$0x5490] =	vst v12;
	v10 =	vnsel vm0, $0x27D8, v10  }
0x81: {  	[tilespmem:$0x5390] =	vst v10;
	v10 =	vnsel vm0, $0x78, v13;
	v11 =	vpop (erf)  }
0x82: {  	[tilespmem:$0x5410] =	vst v10;
	v11 =	vnsel vm0, $0x0, v11  }
0x83: {  	[tilespmem:$0x5510] =	vst v11  }
0x84: {  	[tilespmem:v14+s21+$0x0] =	vst.idx.msk $0xffff, v11  }
0x85: {  	v9 =	vld [tilespmem:$0x52A0]  }
0x86: {  	v10 =	vld [tilespmem:$0x5320];
	_ =	sdelay $0x6  }
0x87: {  	v11 =	vld.idx.msk [tilespmem:v9+s17+$0x0], $0xffff  }
0x88: {  	v12 =	vld.idx.msk [tilespmem:v10+s22+$0x0], $0xffff;
	_ =	sdelay $0x4  }
0x89: {  	v11 =	vadd.f32 v12, v11;
	_ =	sdelay $0x1  }
0x8a: {  	v12 =	vmul.f32 $2.000000030e-01, v11  }
0x8b: {  	vm10 =	vge.f32 v11, $0.0e+00  }
0x8c: {  	v11 =	vsel vm10, v11, v12  }
0x8d: {  	v11 =	vmul.f32 $1.442695020e+00, v11;
	_ =	sdelay $0x1  }
0x8e: {  	(erf) = vpow2.f32 v11;
	_ =	sdelay $0x3  }
0x8f: {  	s13 =	sor.u32 $0x20, s5  }
0x90: {  	v9 =	vadd.s32 v8, v9;
	v11 =	vor.u32 s13, v0  }
0x91: {  	v12 =	vand.u32 $0x7F, v10;
	vm11 =	vge.s32 v11, v6;
	vm12 =	vlt.s32 v11, v7  }
0x92: {  	[tilespmem:$0x52A0] =	vst v9;
	v14 =	vor.u32 v3, v12;
	vm0 =	vmand vm11, vm12  }
0x93: {  	v13 =	vshra.s32 v10, $0x7;
	[tilespmem:$0x54A0] =	vst v12;
	v10 =	vnsel vm0, $0x27D8, v10  }
0x94: {  	[tilespmem:$0x53A0] =	vst v10;
	v10 =	vnsel vm0, $0x78, v13;
	v11 =	vpop (erf)  }
0x95: {  	[tilespmem:$0x5420] =	vst v10;
	v11 =	vnsel vm0, $0x0, v11  }
0x96: {  	[tilespmem:$0x5520] =	vst v11  }
0x97: {  	[tilespmem:v14+s21+$0x0] =	vst.idx.msk $0xffff, v11  }
0x98: {  	v9 =	vld [tilespmem:$0x52B0]  }
0x99: {  	v10 =	vld [tilespmem:$0x5330];
	_ =	sdelay $0x6  }
0x9a: {  	v11 =	vld.idx.msk [tilespmem:v9+s17+$0x0], $0xffff  }
0x9b: {  	v12 =	vld.idx.msk [tilespmem:v10+s22+$0x0], $0xffff;
	_ =	sdelay $0x4  }
0x9c: {  	v11 =	vadd.f32 v12, v11;
	_ =	sdelay $0x1  }
0x9d: {  	v12 =	vmul.f32 $2.000000030e-01, v11  }
0x9e: {  	vm13 =	vge.f32 v11, $0.0e+00  }
0x9f: {  	v11 =	vsel vm13, v11, v12  }
0xa0: {  	v11 =	vmul.f32 $1.442695020e+00, v11;
	_ =	sdelay $0x1  }
0xa1: {  	(erf) = vpow2.f32 v11;
	_ =	sdelay $0x3  }
0xa2: {  	s5 =	sor.u32 $0x30, s5  }
0xa3: {  	v9 =	vadd.s32 v8, v9;
	v11 =	vor.u32 s5, v0  }
0xa4: {  	v12 =	vand.u32 $0x7F, v10;
	vm14 =	vge.s32 v11, v6;
	vm15 =	vlt.s32 v11, v7  }
0xa5: {  	[tilespmem:$0x52B0] =	vst v9;
	v14 =	vor.u32 v4, v12;
	vm0 =	vmand vm14, vm15  }
0xa6: {  	v13 =	vshra.s32 v10, $0x7;
	[tilespmem:$0x54B0] =	vst v12;
	v10 =	vnsel vm0, $0x27D8, v10  }
0xa7: {  	[tilespmem:$0x53B0] =	vst v10;
	v10 =	vnsel vm0, $0x78, v13;
	v11 =	vpop (erf)  }
0xa8: {  	[tilespmem:$0x5430] =	vst v10;
	v10 =	vmov s17;
	v11 =	vnsel vm0, $0x0, v11  }
0xa9: {  	v9 =	vand.u32 $0xFFFFFFFC, v10;
	[tilespmem:$0x5530] =	vst v11  }
0xaa: {  	v9 =	vbroadcast v9, $0x0;
	[tilespmem:v14+s21+$0x0] =	vst.idx.msk $0xffff, v11  }
0xab: {  	[tilespmem:s29], [sflag:$0x1] =	stream.indirect.gather [hbm4b:s6+s28], $0x80, s25, s28, $0xb8;
	[tilespmem:$0x1D980] =	vst v63  }
0xac: {  	_ =	swait.ge [sflag:s30], $0x2000  }
0xad: {  	[sflag:s30] =	ssyncset.done $0x0  }
0xae: {  	s5 =	simm.s32 $0x5680;
	[sflag:s30] =	ssyncadd.s32 $0xFFFFE000  }
0xaf: {  	v10 =	vld [tilespmem:s5+$0xFFFFFF70]  }
0xb0: {  	v9 =	vld.idx.msk [tilespmem:v9+s31+$0x0], $0xffff  }
0xb1: {  	v11 =	vld [tilespmem:s5+$0xFFFFFF00]  }
0xb2: {  	v12 =	vld [tilespmem:s5+$0xFFFFFF20]  }
0xb3: {  	v13 =	vld [tilespmem:s5+$0xFFFFFF50]  }
0xb4: {  	v14 =	vld [tilespmem:s5+$0xFFFFFF40]  }
0xb5: {  	v15 =	vld [tilespmem:s5+$0xFFFFFF60];
	v10 =	vmul.f32 v10, v9  }
0xb6: {  	s14 =	simm.s32 $0x1;
	v16 =	vld [tilespmem:s5+$0xFFFFFF30];
	v11 =	vmul.f32 v11, v9  }
0xb7: {  	v17 =	vld [tilespmem:s5+$0xFFFFFF10];
	v12 =	vmul.f32 v12, v9;
	[tilespmem:s5+$0xFFFFFF70] =	vst v10;
	v10 =	vmov s14  }
0xb8: {  	v13 =	vmul.f32 v13, v9;
	[tilespmem:s5+$0xFFFFFF00] =	vst v11;
	v10 =	vand.u32 $0xFFFFFFFD, v10  }
0xb9: {  	v11 =	vmul.f32 v14, v9;
	[tilespmem:s5+$0xFFFFFF20] =	vst v12;
	v10 =	vbroadcast v10, $0x0  }
0xba: {  	v12 =	vmul.f32 v15, v9;
	[tilespmem:s5+$0xFFFFFF50] =	vst v13  }
0xbb: {  	v13 =	vmul.f32 v16, v9;
	[tilespmem:s5+$0xFFFFFF40] =	vst v11  }
0xbc: {  	v9 =	vmul.f32 v17, v9;
	[tilespmem:s5+$0xFFFFFF60] =	vst v12  }
0xbd: {  	[tilespmem:s5+$0xFFFFFF30] =	vst v13  }
0xbe: {  	[tilespmem:s5+$0xFFFFFF10] =	vst v9;
	v9 =	vld [tilespmem:s5+$0xFFFFFF90]  }
0xbf: {  	v11 =	vld.idx.msk [tilespmem:v10+s31+$0x0], $0xffff  }
0xc0: {  	v10 =	vld [tilespmem:s5+$0xFFFFFFA0]  }
0xc1: {  	v12 =	vld [tilespmem:s5+$0xFFFFFF80]  }
0xc2: {  	v13 =	vld [tilespmem:s5+$0xFFFFFFB0]  }
0xc3: {  	v14 =	vld [tilespmem:s5+$0xFFFFFFC0]  }
0xc4: {  	v15 =	vld [tilespmem:s5+$0xFFFFFFD0];
	v9 =	vmul.f32 v9, v11  }
0xc5: {  	s15 =	simm.s32 $0x2;
	v16 =	vld [tilespmem:s5+$0xFFFFFFF0];
	v10 =	vmul.f32 v10, v11  }
0xc6: {  	v17 =	vld [tilespmem:s5+$0xFFFFFFE0];
	v12 =	vmul.f32 v12, v11;
	[tilespmem:s5+$0xFFFFFF90] =	vst v9;
	v9 =	vmov s15  }
0xc7: {  	v13 =	vmul.f32 v13, v11;
	[tilespmem:s5+$0xFFFFFFA0] =	vst v10;
	v9 =	vand.u32 $0xFFFFFFFE, v9  }
0xc8: {  	v10 =	vmul.f32 v14, v11;
	[tilespmem:s5+$0xFFFFFF80] =	vst v12;
	v14 =	vld [tilespmem:s5+$0x60];
	v18 =	vbroadcast v9, $0x0  }
0xc9: {  	v12 =	vmul.f32 v15, v11;
	[tilespmem:s5+$0xFFFFFFB0] =	vst v13;
	v15 =	vld [tilespmem:s5+$0x0]  }
0xca: {  	v13 =	vmul.f32 v16, v11;
	v9 =	vld [tilespmem:s5+$0x20];
	[tilespmem:s5+$0xFFFFFFC0] =	vst v10  }
0xcb: {  	v11 =	vmul.f32 v17, v11;
	v10 =	vld [tilespmem:s5+$0x30];
	[tilespmem:s5+$0xFFFFFFD0] =	vst v12  }
0xcc: {  	[tilespmem:s5+$0xFFFFFFF0] =	vst v13;
	v12 =	vld [tilespmem:s5+$0x40]  }
0xcd: {  	[tilespmem:s5+$0xFFFFFFE0] =	vst v11;
	v13 =	vld [tilespmem:s5+$0x10]  }
0xce: {  	s10 =	simm.s32 $0x0;
	s12 =	simm.s32 $0x4;
	s13 =	simm.s32 $0x5680;
	v11 =	vld.idx.msk [tilespmem:v18+s31+$0x0], $0xffff  }
.LBB2_5:
0xcf: {  	p0 =	slt.u32 s12, $0x3C  }
0xd0: {  	v16 =	vld [tilespmem:s5+$0x50];
	s13 =	sadd.s32 $0x200, s13;
	s14 =	smov.u32 s12;
	s12 =	sadd.s32 $0x4, s12  }
0xd1: {  	v17 =	vld [tilespmem:s5+$0x70];
	_ =	sdelay $0x1  }
0xd2: {  	v14 =	vmul.f32 v14, v11;
	v15 =	vmul.f32 v15, v11  }
0xd3: {  	v12 =	vmul.f32 v12, v11;
	v13 =	vmul.f32 v13, v11  }
0xd4: {  	v9 =	vmul.f32 v9, v11;
	v10 =	vmul.f32 v10, v11;
	[tilespmem:s5+$0x60] =	vst v14  }
0xd5: {  	[tilespmem:s5+$0x40] =	vst v12;
	v12 =	vmul.f32 v16, v11;
	v11 =	vmul.f32 v17, v11  }
0xd6: {  	s15 =	sadd.s32 $0x3, s10;
	s10 =	smov.u32 s14;
	[tilespmem:s5+$0x20] =	vst v9;
	v14 =	vld [tilespmem:s5+$0x80]  }
0xd7: {  	v9 =	vld [tilespmem:s13+$0x20];
	[tilespmem:s5+$0x0] =	vst v15;
	v15 =	vmov s15  }
0xd8: {  	[tilespmem:s5+$0x50] =	vst v12;
	v12 =	vld [tilespmem:s5+$0xE0]  }
0xd9: {  	[tilespmem:s5+$0x30] =	vst v10;
	v16 =	vld [tilespmem:s5+$0xC0]  }
0xda: {  	v10 =	vld [tilespmem:s13+$0x30];
	[tilespmem:s5+$0x10] =	vst v13  }
0xdb: {  	[tilespmem:s5+$0x70] =	vst v11;
	v11 =	vld [tilespmem:s5+$0xA0]  }
0xdc: {  	v13 =	vld.idx.msk [tilespmem:v15+s31+$0x0], $0xffff  }
0xdd: {  	v15 =	vld [tilespmem:s5+$0x90]  }
0xde: {  	v17 =	vld [tilespmem:s5+$0xB0]  }
0xdf: {  	v18 =	vld [tilespmem:s5+$0xD0]  }
0xe0: {  	v19 =	vld [tilespmem:s5+$0xF0];
	_ =	sdelay $0x1  }
0xe1: {  	v14 =	vmul.f32 v14, v13;
	v15 =	vmul.f32 v15, v13  }
0xe2: {  	v11 =	vmul.f32 v11, v13;
	v17 =	vmul.f32 v17, v13  }
0xe3: {  	v20 =	vmov s10;
	[tilespmem:s5+$0x80] =	vst v14;
	v14 =	vmul.f32 v16, v13;
	v16 =	vmul.f32 v18, v13  }
0xe4: {  	v18 =	vand.u32 $0xFFFFFFFC, v20;
	[tilespmem:s5+$0xA0] =	vst v11;
	v11 =	vmul.f32 v12, v13;
	v12 =	vmul.f32 v19, v13  }
0xe5: {  	v13 =	vbroadcast v18, $0x0;
	[tilespmem:s5+$0xC0] =	vst v14  }
0xe6: {  	[tilespmem:s5+$0xF0] =	vst v12  }
0xe7: {  	v12 =	vld [tilespmem:s13+$0xFFFFFF40];
	[tilespmem:s5+$0xE0] =	vst v11  }
0xe8: {  	v11 =	vld [tilespmem:s13+$0xFFFFFF50];
	[tilespmem:s5+$0x90] =	vst v15  }
0xe9: {  	v14 =	vld [tilespmem:s13+$0xFFFFFF60];
	[tilespmem:s5+$0xB0] =	vst v17  }
0xea: {  	v15 =	vld [tilespmem:s13+$0xFFFFFF70];
	[tilespmem:s5+$0xD0] =	vst v16;
	s5 =	smov.u32 s13  }
0xeb: {  	v13 =	vld.idx.msk [tilespmem:v13+s31+$0x0], $0xffff  }
0xec: {  	v16 =	vld [tilespmem:s13+$0xFFFFFF00]  }
0xed: {  	v17 =	vld [tilespmem:s13+$0xFFFFFF20]  }
0xee: {  	v18 =	vld [tilespmem:s13+$0xFFFFFF10]  }
0xef: {  	v19 =	vld [tilespmem:s13+$0xFFFFFF30];
	_ =	sdelay $0x1  }
0xf0: {  	v15 =	vmul.f32 v15, v13;
	v16 =	vmul.f32 v16, v13  }
0xf1: {  	s14 =	sadd.s32 $0x1, s10;
	v14 =	vmul.f32 v14, v13;
	v17 =	vmul.f32 v17, v13  }
0xf2: {  	v11 =	vmul.f32 v11, v13;
	v18 =	vmul.f32 v18, v13;
	[tilespmem:s13+$0xFFFFFF70] =	vst v15;
	v15 =	vmov s14  }
0xf3: {  	v12 =	vmul.f32 v12, v13;
	[tilespmem:s13+$0xFFFFFF00] =	vst v16;
	v16 =	vmul.f32 v19, v13;
	v13 =	vand.u32 $0xFFFFFFFD, v15  }
0xf4: {  	[tilespmem:s13+$0xFFFFFF20] =	vst v17;
	v13 =	vbroadcast v13, $0x0  }
0xf5: {  	[tilespmem:s13+$0xFFFFFF50] =	vst v11  }
0xf6: {  	[tilespmem:s13+$0xFFFFFF40] =	vst v12;
	v11 =	vld [tilespmem:s13+$0xFFFFFFF0]  }
0xf7: {  	[tilespmem:s13+$0xFFFFFF60] =	vst v14;
	v12 =	vld [tilespmem:s13+$0xFFFFFFC0]  }
0xf8: {  	[tilespmem:s13+$0xFFFFFF30] =	vst v16;
	v14 =	vld [tilespmem:s13+$0xFFFFFFD0]  }
0xf9: {  	[tilespmem:s13+$0xFFFFFF10] =	vst v18;
	v15 =	vld [tilespmem:s13+$0xFFFFFF90]  }
0xfa: {  	v13 =	vld.idx.msk [tilespmem:v13+s31+$0x0], $0xffff  }
0xfb: {  	v16 =	vld [tilespmem:s13+$0xFFFFFF80]  }
0xfc: {  	v17 =	vld [tilespmem:s13+$0xFFFFFFA0]  }
0xfd: {  	v18 =	vld [tilespmem:s13+$0xFFFFFFB0]  }
0xfe: {  	v19 =	vld [tilespmem:s13+$0xFFFFFFE0];
	_ =	sdelay $0x1  }
0xff: {  	v15 =	vmul.f32 v15, v13;
	v16 =	vmul.f32 v16, v13  }
0x100: {  	s14 =	sadd.s32 $0x2, s10;
	v14 =	vmul.f32 v14, v13;
	v17 =	vmul.f32 v17, v13  }
0x101: {  	v12 =	vmul.f32 v12, v13;
	[tilespmem:s13+$0xFFFFFF90] =	vst v15;
	v15 =	vmul.f32 v18, v13;
	v18 =	vmov s14  }
0x102: {  	v11 =	vmul.f32 v11, v13;
	[tilespmem:s13+$0xFFFFFFA0] =	vst v17;
	v17 =	vmul.f32 v19, v13;
	v13 =	vand.u32 $0xFFFFFFFE, v18  }
0x103: {  	[tilespmem:s13+$0xFFFFFF80] =	vst v16;
	v13 =	vbroadcast v13, $0x0  }
0x104: {  	[tilespmem:s13+$0xFFFFFFB0] =	vst v15  }
0x105: {  	[tilespmem:s13+$0xFFFFFFC0] =	vst v12  }
0x106: {  	[tilespmem:s13+$0xFFFFFFD0] =	vst v14  }
.Ltmp5:
0x107: {  	[tilespmem:s13+$0xFFFFFFF0] =	vst v11;
	v12 =	vld [tilespmem:s13+$0x40];
	(pc) =	sbr.rel @p0 .LBB2_5-.Ltmp5, $4  }
0x108: {  	[tilespmem:s13+$0xFFFFFFE0] =	vst v17;
	v14 =	vld [tilespmem:s13+$0x60]  }
0x109: {  	v11 =	vld.idx.msk [tilespmem:v13+s31+$0x0], $0xffff  }
0x10a: {  	v15 =	vld [tilespmem:s13+$0x0]  }
0x10b: {  	v13 =	vld [tilespmem:s13+$0x10]  }
0x10c: {  	_ =	sdelay $0x1  }
0x10d: {  	v14 =	vmul.f32 v14, v11  }
0x10e: {  	v16 =	vld [tilespmem:s5+$0x50];
	v12 =	vmul.f32 v12, v11  }
0x10f: {  	v17 =	vld [tilespmem:s5+$0x70];
	v9 =	vmul.f32 v9, v11;
	[tilespmem:s5+$0x60] =	vst v14  }
0x110: {  	v54 =	vmul.f32 v15, v11;
	[tilespmem:s5+$0x40] =	vst v12  }
0x111: {  	s10 =	sadd.s32 $0x3, s10;
	[tilespmem:s5+$0x20] =	vst v9;
	v9 =	vmul.f32 v10, v11  }
0x112: {  	v56 =	vmov s10;
	v13 =	vmul.f32 v13, v11;
	[tilespmem:s5+$0x0] =	vst v54  }
0x113: {  	v55 =	vmul.f32 v16, v11;
	[tilespmem:s5+$0x30] =	vst v9  }
0x114: {  	v11 =	vmul.f32 v17, v11;
	[tilespmem:s5+$0x10] =	vst v13  }
0x115: {  	[tilespmem:s5+$0x50] =	vst v55  }
0x116: {  	v10 =	vld [tilespmem:s5+$0x80];
	[tilespmem:s5+$0x70] =	vst v11  }
0x117: {  	v9 =	vld.idx.msk [tilespmem:v56+s31+$0x0], $0xffff  }
0x118: {  	v11 =	vld [tilespmem:s5+$0xA0]  }
0x119: {  	v59 =	vld [tilespmem:s5+$0xE0]  }
0x11a: {  	v57 =	vld [tilespmem:s5+$0xC0]  }
0x11b: {  	v58 =	vld [tilespmem:s5+$0xF0]  }
0x11c: {  	v60 =	vld [tilespmem:s5+$0x90];
	v10 =	vmul.f32 v10, v9  }
0x11d: {  	v61 =	vld [tilespmem:s5+$0xB0];
	v11 =	vmul.f32 v11, v9  }
0x11e: {  	v62 =	vld [tilespmem:s5+$0xD0];
	v63 =	vmul.f32 v59, v9;
	[tilespmem:s5+$0x80] =	vst v10  }
0x11f: {  	v10 =	vmul.f32 v57, v9;
	[tilespmem:s5+$0xA0] =	vst v11  }
0x120: {  	v11 =	vmul.f32 v58, v9;
	[tilespmem:s5+$0xE0] =	vst v63  }
0x121: {  	[tilespmem:s5+$0xC0] =	vst v10;
	v10 =	vmul.f32 v60, v9  }
0x122: {  	[tilespmem:s5+$0xF0] =	vst v11;
	v11 =	vmul.f32 v61, v9  }
0x123: {  	v9 =	vmul.f32 v62, v9;
	[tilespmem:s5+$0x90] =	vst v10  }
0x124: {  	[tilespmem:s5+$0xB0] =	vst v11  }
0x125: {  	[tilespmem:s5+$0xD0] =	vst v9  }
0x126: {  	[spmem:s3] =	stream.indirect.scatter.add.f32 [tilespmem:s29], [sflag:$0x2], $0x80, s2, s28, $0xb8;
	[tilespmem:$0x1D980] =	vst v63  }
0x127: {  	_ =	swait.ge [sflag:s20], $0x2000  }
0x128: {  	[sflag:s20] =	ssyncset.done $0x0  }
0x129: {  	[sflag:s20] =	ssyncadd.s32 $0xFFFFE000  }
0x12a: {  	[spmem:s4] =	stream.indirect.scatter.add.f32 [tilespmem:s21], [sflag:$0x2], $0x80, s0, s28, $0xb8;
	[tilespmem:$0x1D980] =	vst v63  }
0x12b: {  	_ =	swait.ge [sflag:s20], $0x2000  }
0x12c: {  	[sflag:s20] =	ssyncset.done $0x0  }
0x12d: {  	[sflag:s20] =	ssyncadd.s32 $0xFFFFE000  }
0x12e: {  	v9 =	vld [tilespmem:$0x5480];
	_ =	sdelay $0x4  }
0x12f: {  	v9 =	vadd.s32 v1, v9;
	_ =	sdelay $0x4  }
0x130: {  	[tilespmem:v9+s21+$0x0] =	vst.idx.msk $0xffff, v5  }
0x131: {  	v9 =	vld [tilespmem:$0x5490];
	_ =	sdelay $0x4  }
0x132: {  	v9 =	vadd.s32 v2, v9;
	_ =	sdelay $0x4  }
0x133: {  	[tilespmem:v9+s21+$0x0] =	vst.idx.msk $0xffff, v5  }
0x134: {  	v9 =	vld [tilespmem:$0x54A0];
	_ =	sdelay $0x4  }
0x135: {  	v9 =	vadd.s32 v3, v9;
	_ =	sdelay $0x4  }
0x136: {  	[tilespmem:v9+s21+$0x0] =	vst.idx.msk $0xffff, v5  }
0x137: {  	v9 =	vld [tilespmem:$0x54B0];
	_ =	sdelay $0x3  }
0x138: {  	s1 =	sadd.s32 $0x1, s1  }
0x139: {  	p0 =	sne.s32 s1, s19;
	v9 =	vadd.s32 v4, v9  }
.Ltmp6:
0x13a: {  	_ = 	snop;
	(pc) =	sbr.rel @p0 .LBB2_4-.Ltmp6, $4  }
.Ltmp7:
0x13b: {  	_ = 	snop;
	(pc) =	sbr.rel @!p0 .LBB2_7-.Ltmp7, $4  }
0x13c: {  	_ = 	snop  }
0x13d: {  	_ = 	snop  }
0x13e: {  	[tilespmem:v9+s21+$0x0] =	vst.idx.msk $0xffff, v5  }
0x13f: {  	_ = 	snop  }
.LBB2_9:
0x140: {  	_ =	sfence.sel $0x180000  }
0x141: {  	[bflag:$0x0] =	sbarrier.arrive $0xFFFF  }
0x142: {  	_ =	strace $0x90000047  }
0x143: {  	s0 =	stileid.u32;
	[bflag:$0x2] =	sbarrier.arrive $0xFFFF  }
0x144: {  	p0 =	sne.s32 s0, $0x0;
	s0 =	rddreg [dreg:$0x4]  }
0x145: {  	s0 =	sadd.s32 @!p0 $0x100000, s0  }
0x146: {  	[sflag:s0] =	ssyncadd.tile.s32 @!p0 $0x1;
	_ =	shalt  }
.Lfunc_end2:
_tile_overlayer_lowered:
.L_overlay_start_2:
0x147: {  	(tag) =	ssettag $0x2  }
0x148: {  	s0 =	rddreg [dreg:$0x0];
	s2 =	stileid.u32  }
0x149: {  	s1 =	rddreg [dreg:$0x1];
	p0 =	sne.s32 s2, $0x0  }
0x14a: {  	s3 =	rddreg [dreg:$0x2];
	[bflag:$0x3] =	sbarrier.arrive $0xFFFF;
	s2 =	simm.s32 @!p0 $0x1C02  }
0x14b: {  	[timem:s3], [sflag:s2] =	dma.local @!p0 [hbm:s0], s1  }
0x14c: {  	s0 =	simm.s32 @!p0 $0x2  }
0x14d: {  	_ =	swait.ge @!p0 [sflag:s0], s1  }
0x14e: {  	s1 =	ssub.s32 @!p0 $0x0, s1;
	[sflag:s0] =	ssyncset.done @!p0 $0x0  }
0x14f: {  	[sflag:s0] =	ssyncadd.s32 @!p0 s1  }
0x150: {  	[bflag:$0x3] =	sbarrier.arrive $0xFFFF  }
0x151: {  	_ =	shalt  }

</sc_bundles>
